<compile_context>
chip_gen: v7x
topology: tpu7x:2x2x1
jax: 0.10.2.dev20260603
libtpu: 0.0.44.dev20260713+nightly
codegen_flags: <defaults>
</compile_context>

<pallas_src>
import functools

import jax
import jax.numpy as jnp
from jax import lax
from jax.experimental import pallas as pl
from jax.experimental.pallas import tpu as pltpu
from jax.experimental.pallas import tpu_sc as plsc

DIM = 32
BATCH = 16384
NNB = 4
NC, NS = 2, 16
NW = NC * NS
BW = BATCH // NW
L2 = BW * NNB
L3 = L2 * NNB


def _wid():
    return lax.axis_index("s") * NC + lax.axis_index("c")


def _mesh():
    return plsc.VectorSubcoreMesh(core_axis_name="c", subcore_axis_name="s")


_SC_PARAMS = dict(
    compiler_params=pltpu.CompilerParams(use_tc_tiling_on_sc=False))


def _sc_hop1_body(ii_hbm, adje_hbm, adjr_hbm,
                  e1_out, r1_out, iix_v, e1_v, r1_v, sem):
    w = _wid()
    base = w * BW
    pltpu.sync_copy(ii_hbm.at[pl.ds(w * 4, 4)], iix_v)
    hs = []
    for j in range(BW // 128):
        hs.append(pltpu.async_copy(adje_hbm.at[iix_v.at[j]],
                                   e1_v.at[pl.ds(j * 128, 128)], sem))
        hs.append(pltpu.async_copy(adjr_hbm.at[iix_v.at[j]],
                                   r1_v.at[pl.ds(j * 128, 128)], sem))
    for h in hs:
        h.wait()
    pltpu.sync_copy(e1_v, e1_out.at[pl.ds(base, BW)])
    pltpu.sync_copy(r1_v, r1_out.at[pl.ds(base, BW)])


def _sc_hop2_body(e1f_hbm, adje_hbm, adjr_hbm, e2_out, r2_out,
                  e1x_v, e2_v, r2_v, sem):
    w = _wid()
    pltpu.sync_copy(e1f_hbm.at[pl.ds(w * 16, 16)], e1x_v)
    hs = []
    for j in range(L2 // 128):
        hs.append(pltpu.async_copy(adje_hbm.at[e1x_v.at[j]],
                                   e2_v.at[pl.ds(j * 128, 128)], sem))
        hs.append(pltpu.async_copy(adjr_hbm.at[e1x_v.at[j]],
                                   r2_v.at[pl.ds(j * 128, 128)], sem))
    for h in hs:
        h.wait()
    pltpu.sync_copy(e2_v, e2_out.at[pl.ds(w * L2, L2)])
    pltpu.sync_copy(r2_v, r2_out.at[pl.ds(w * L2, L2)])


def _sc_ent_body(e2f_hbm, ent_hbm, ev_out, e2x_v, ev_v, sem):
    w = _wid()
    pltpu.sync_copy(e2f_hbm.at[pl.ds(w * 16, 16)], e2x_v)
    for g in range(4):
        hs = []
        for j in range(4):
            hs.append(pltpu.async_copy(ent_hbm.at[e2x_v.at[g * 4 + j]],
                                       ev_v.at[pl.ds(j * 128, 128)], sem))
        for h in hs:
            h.wait()
        pltpu.sync_copy(ev_v, ev_out.at[pl.ds(w * 2048 + g * 512, 512)])


@functools.cache
def _build_sc():
    hop1 = functools.partial(
        pl.kernel, mesh=_mesh(), **_SC_PARAMS,
        out_type=[
            jax.ShapeDtypeStruct((BATCH, NNB), jnp.int32),
            jax.ShapeDtypeStruct((BATCH, NNB), jnp.int32),
        ],
        scratch_types=[
            pltpu.VMEM((4, 128), jnp.int32),
            pltpu.VMEM((BW, NNB), jnp.int32),
            pltpu.VMEM((BW, NNB), jnp.int32),
            pltpu.SemaphoreType.DMA,
        ],
    )(_sc_hop1_body)
    hop2 = functools.partial(
        pl.kernel, mesh=_mesh(), **_SC_PARAMS,
        out_type=[
            jax.ShapeDtypeStruct((BATCH * NNB, NNB), jnp.int32),
            jax.ShapeDtypeStruct((BATCH * NNB, NNB), jnp.int32),
        ],
        scratch_types=[
            pltpu.VMEM((16, 128), jnp.int32),
            pltpu.VMEM((L2, NNB), jnp.int32),
            pltpu.VMEM((L2, NNB), jnp.int32),
            pltpu.SemaphoreType.DMA,
        ],
    )(_sc_hop2_body)
    ent = functools.partial(
        pl.kernel, mesh=_mesh(), **_SC_PARAMS,
        out_type=[jax.ShapeDtypeStruct((BATCH * 4, DIM), jnp.float32)],
        scratch_types=[
            pltpu.VMEM((16, 128), jnp.int32),
            pltpu.VMEM((512, DIM), jnp.float32),
            pltpu.SemaphoreType.DMA,
        ],
    )(_sc_ent_body)
    return hop1, hop2, ent


BLK = 1024


def _tc_body(u_ref, r1_ref, r2_ref, ev_ref, rel_ref, w1_ref, b1_ref,
             w2_ref, b2_ref, out_ref):
    u = u_ref[...]
    rel = rel_ref[...]
    p = lax.dot_general(u, rel, (((1,), (1,)), ((), ())),
                        preferred_element_type=jnp.float32)
    riota = lax.broadcasted_iota(jnp.int32, (1, 64), 1)

    def pick_exp(r_col):
        s = jnp.sum(jnp.where(r_col == riota, p, 0.0), axis=1, keepdims=True)
        return jnp.exp(s)

    h1 = []
    for k in range(4):
        e = [pick_exp(r2_ref[:, 4 * k + j:4 * k + j + 1]) for j in range(4)]
        den = e[0] + e[1] + e[2] + e[3]
        agg = jnp.zeros((BLK, DIM), jnp.float32)
        for j in range(4):
            agg = agg + (e[j] / den) * ev_ref[:, 4 * k + j, :]
        hk = lax.dot_general(agg, w2_ref[...], (((1,), (0,)), ((), ())),
                             preferred_element_type=jnp.float32) + b2_ref[...]
        h1.append(jnp.maximum(hk, 0.0))

    e1 = [pick_exp(r1_ref[:, k:k + 1]) for k in range(4)]
    den1 = e1[0] + e1[1] + e1[2] + e1[3]
    aggr = jnp.zeros((BLK, DIM), jnp.float32)
    for k in range(4):
        aggr = aggr + (e1[k] / den1) * h1[k]
    res = jnp.tanh(lax.dot_general(aggr, w1_ref[...],
                                   (((1,), (0,)), ((), ())),
                                   preferred_element_type=jnp.float32)
                   + b1_ref[...])
    out_ref[...] = jax.nn.sigmoid(jnp.sum(u * res, axis=1, keepdims=True))


def _build_tc(interpret=False):
    return pl.pallas_call(
        _tc_body,
        grid=(BATCH // BLK,),
        in_specs=[
            pl.BlockSpec((BLK, DIM), lambda i: (i, 0)),
            pl.BlockSpec((BLK, NNB), lambda i: (i, 0)),
            pl.BlockSpec((BLK, 16), lambda i: (i, 0)),
            pl.BlockSpec((BLK, 16, DIM), lambda i: (i, 0, 0)),
            pl.BlockSpec((64, DIM), lambda i: (0, 0)),
            pl.BlockSpec((DIM, DIM), lambda i: (0, 0)),
            pl.BlockSpec((1, DIM), lambda i: (0, 0)),
            pl.BlockSpec((DIM, DIM), lambda i: (0, 0)),
            pl.BlockSpec((1, DIM), lambda i: (0, 0)),
        ],
        out_specs=pl.BlockSpec((BLK, 1), lambda i: (i, 0)),
        out_shape=jax.ShapeDtypeStruct((BATCH, 1), jnp.float32),
        interpret=interpret,
    )


def kernel(user_indices, item_indices, adj_entity, adj_relation, entity_emb,
           relation_emb, user_emb, W1, b1, W2, b2):
    ui = user_indices.astype(jnp.int32).reshape(NW * 4, 128)
    ii = item_indices.astype(jnp.int32).reshape(NW * 4, 128)
    adj_e = adj_entity.astype(jnp.int32)
    adj_r = adj_relation.astype(jnp.int32)
    u_rows = jnp.take(user_emb, user_indices.astype(jnp.int32), axis=0)
    iif = item_indices.astype(jnp.int32)
    e1 = jnp.take(adj_e, iif, axis=0)
    r1 = jnp.take(adj_r, iif, axis=0)
    e1f = e1.reshape(-1)
    e2 = jnp.take(adj_e, e1f, axis=0)
    r2 = jnp.take(adj_r, e1f, axis=0)
    ev2 = jnp.take(entity_emb, e2.reshape(-1), axis=0)
    out = _build_tc()(u_rows, r1, r2.reshape(BATCH, 16),
                      ev2.reshape(BATCH, 16, DIM), relation_emb, W1,
                      b1.reshape(1, DIM), W2, b2.reshape(1, DIM))
    return out.reshape(BATCH)

# --- scband reference (transcript-rebuilt; emitter-appended) ---
"""Pipeline reference for scband-kgcn-75608604279516 (READ-ONLY COPY).

The authoritative reference and input builder live on the scoring server;
editing this copy changes nothing except your own understanding.
"""

import jax, jax.numpy as jnp
import numpy as np

DIM = 32
N_NEIGHBOR = 4
N_ITER = 2


def setup_inputs(seed: int = 0):
    key = jax.random.key(seed)
    ks = jax.random.split(key, 10)
    n_user = 1000000
    n_entity = 1000000
    n_relation = 64
    batch = 16384
    inp = {}
    inp['user_indices'] = jax.random.randint(ks[0], (batch,), 0, n_user, dtype=jnp.int32).astype(jnp.int64)
    inp['item_indices'] = jax.random.randint(ks[1], (batch,), 0, n_entity, dtype=jnp.int32).astype(jnp.int64)
    inp['adj_entity'] = jax.random.randint(ks[2], (n_entity, N_NEIGHBOR), 0, n_entity, dtype=jnp.int32).astype(jnp.int64)
    inp['adj_relation'] = jax.random.randint(ks[3], (n_entity, N_NEIGHBOR), 0, n_relation, dtype=jnp.int32).astype(jnp.int64)
    # learned parameters
    inp['entity_emb'] = jax.random.uniform(ks[4], (n_entity, DIM), dtype=jnp.float32)  # torch.nn.init.uniform_ default (0,1)
    inp['relation_emb'] = jax.random.normal(ks[5], (n_relation, DIM), dtype=jnp.float32)  # nn.Embedding default N(0,1)
    inp['user_emb'] = jax.random.normal(ks[6], (n_user, DIM), dtype=jnp.float32)
    inp['W1'] = jax.random.normal(ks[7], (DIM, DIM), dtype=jnp.float32) / np.sqrt(DIM)  # conv1 (tanh) linear weight
    inp['b1'] = jnp.zeros((DIM,), jnp.float32)
    inp['W2'] = jax.random.normal(ks[8], (DIM, DIM), dtype=jnp.float32) / np.sqrt(DIM)  # conv2 (relu) linear weight
    inp['b2'] = jnp.zeros((DIM,), jnp.float32)
    return inp


def _aggregate(neighbor_vectors, neighbor_relations, user_embeddings, W, b, act, batch):
    # NeighborAggregator: user-relation attention softmax over neighbors,
    # weighted neighbor sum, linear projection, activation.
    u = user_embeddings.reshape(batch, 1, 1, DIM)
    scores = jnp.sum(u * neighbor_relations, axis=-1)  # [b, n, n_neighbor]
    scores = jax.nn.softmax(scores, axis=-1)[..., None]
    agg = jnp.sum(scores * neighbor_vectors, axis=2)  # [b, n, dim]
    out = agg.reshape(-1, DIM) @ W + b
    return act(out).reshape(batch, -1, DIM)


def reference(user_indices, item_indices, adj_entity, adj_relation, entity_emb, relation_emb, user_emb, W1, b1, W2, b2):
    batch = user_indices.shape[0]
    user_embeddings = jnp.take(user_emb, user_indices, axis=0)
    # get_neighbors
    entities = [item_indices]
    relations = []
    for i in range(N_ITER):
        entities.append(jnp.take(adj_entity, entities[i], axis=0).reshape(batch, -1))
        relations.append(jnp.take(adj_relation, entities[i], axis=0).reshape(batch, -1))
    entity_vectors = [jnp.take(entity_emb, e, axis=0) for e in entities]
    relation_vectors = [jnp.take(relation_emb, r, axis=0) for r in relations]
    for i in range(N_ITER):
        if i == N_ITER - 1:
            W, b, act = W1, b1, jnp.tanh  # conv1, act='tanh'
        else:
            W, b, act = W2, b2, jax.nn.relu  # conv2, act='relu'
        nxt = []
        for hop in range(N_ITER - i):
            nv = entity_vectors[hop + 1].reshape(batch, -1, N_NEIGHBOR, DIM)
            nr = relation_vectors[hop].reshape(batch, -1, N_NEIGHBOR, DIM)
            nxt.append(_aggregate(nv, nr, user_embeddings, W, b, act, batch))
        entity_vectors = nxt
    res = entity_vectors[0].reshape(batch, DIM)
    scores = jnp.sum(user_embeddings * res, axis=1)
    return jax.nn.sigmoid(scores)

if __name__ == "__main__":
    import jax
    _d = setup_inputs()
    print(jax.jit(kernel)(*tuple(_d.values())))

</pallas_src>

<mosaic_0001>
module attributes {stable_mosaic.version = 14 : i64} {
  func.func @_tc_body(%arg0: i32, %arg1: memref<1024x32xf32, #tpu.memory_space<vmem>>, %arg2: memref<1024x4xi32, #tpu.memory_space<vmem>>, %arg3: memref<1024x16xi32, #tpu.memory_space<vmem>>, %arg4: memref<1024x16x32xf32, #tpu.memory_space<vmem>>, %arg5: memref<64x32xf32, #tpu.memory_space<vmem>>, %arg6: memref<32x32xf32, #tpu.memory_space<vmem>>, %arg7: memref<1x32xf32, #tpu.memory_space<vmem>>, %arg8: memref<32x32xf32, #tpu.memory_space<vmem>>, %arg9: memref<1x32xf32, #tpu.memory_space<vmem>>, %arg10: memref<1024x1xf32, #tpu.memory_space<vmem>>) attributes {dimension_semantics = [#tpu.dimension_semantics<arbitrary>], iteration_bounds = array<i64: 16>, scalar_prefetch = 0 : i64, scratch_operands = 0 : i64, tpu.core_type = #tpu.core_type<tc>, window_params = [{transform_indices = @transform_0, window_bounds = array<i64: 1024, 32>}, {transform_indices = @transform_1, window_bounds = array<i64: 1024, 4>}, {transform_indices = @transform_2, window_bounds = array<i64: 1024, 16>}, {transform_indices = @transform_3, window_bounds = array<i64: 1024, 16, 32>}, {pipeline_mode = #tpu.pipeline_mode<synchronous>, transform_indices = @transform_4, window_bounds = array<i64: 64, 32>}, {pipeline_mode = #tpu.pipeline_mode<synchronous>, transform_indices = @transform_5, window_bounds = array<i64: 32, 32>}, {pipeline_mode = #tpu.pipeline_mode<synchronous>, transform_indices = @transform_6, window_bounds = array<i64: 1, 32>}, {pipeline_mode = #tpu.pipeline_mode<synchronous>, transform_indices = @transform_7, window_bounds = array<i64: 32, 32>}, {pipeline_mode = #tpu.pipeline_mode<synchronous>, transform_indices = @transform_8, window_bounds = array<i64: 1, 32>}, {transform_indices = @transform_9, window_bounds = array<i64: 1024, 1>}]} {
    %get3A = arith.constant 0 : index
    %get3A_0 = arith.constant 0 : index
    %get3A_1 = vector.load %arg1[%get3A, %get3A_0] : memref<1024x32xf32, #tpu.memory_space<vmem>>, vector<1024x32xf32>
    %get3A_2 = arith.constant 0 : index
    %get3A_3 = arith.constant 0 : index
    %get3A_4 = vector.load %arg5[%get3A_2, %get3A_3] : memref<64x32xf32, #tpu.memory_space<vmem>>, vector<64x32xf32>
    %dot_general3A = arith.constant dense<0.000000e+00> : vector<1024x64xf32>
    %dot_general3A_5 = tpu.matmul %get3A_1, %get3A_4, %dot_general3A {dimension_numbers = #tpu.dot_dimension_numbers<[1], [1], [0], [0], [0, 0, 1, 0], [], []>, transpose_lhs_hint = false} : vector<1024x32xf32>, vector<64x32xf32>, vector<1024x64xf32> -> vector<1024x64xf32>
    %iota3A = tpu.iota {dimensions = array<i32: 1>} : vector<1x64xi32>
    %get3A_6 = arith.constant 0 : index
    %get3A_7 = arith.constant 0 : index
    %get3A_8 = vector.load %arg3[%get3A_6, %get3A_7] : memref<1024x16xi32, #tpu.memory_space<vmem>>, vector<1024x1xi32>
    %eq3A = vector.broadcast %get3A_8 : vector<1024x1xi32> to vector<1024x64xi32>
    %eq3A_9 = vector.broadcast %iota3A : vector<1x64xi32> to vector<1024x64xi32>
    %eq3A_10 = arith.cmpi eq, %eq3A, %eq3A_9 : vector<1024x64xi32>
    %jit3A = arith.constant 0.000000e+00 : f32
    %broadcast_in_dim3A = vector.broadcast %jit3A : f32 to vector<1024x64xf32>
    %select_n3A = arith.select %eq3A_10, %dot_general3A_5, %broadcast_in_dim3A : vector<1024x64xi1>, vector<1024x64xf32>
    %reduce_sum3A = arith.constant dense<0.000000e+00> : vector<1024xf32>
    %reduce_sum3A_11 = vector.multi_reduction <add>, %select_n3A, %reduce_sum3A [1] : vector<1024x64xf32> to vector<1024xf32>
    %broadcast_in_dim3A_12 = vector.shape_cast %reduce_sum3A_11 : vector<1024xf32> to vector<1024x1xf32>
    %exp3A = math.exp %broadcast_in_dim3A_12 : vector<1024x1xf32>
    %get3A_13 = arith.constant 0 : index
    %get3A_14 = arith.constant 1 : index
    %get3A_15 = vector.load %arg3[%get3A_13, %get3A_14] : memref<1024x16xi32, #tpu.memory_space<vmem>>, vector<1024x1xi32>
    %eq3A_16 = vector.broadcast %get3A_15 : vector<1024x1xi32> to vector<1024x64xi32>
    %eq3A_17 = vector.broadcast %iota3A : vector<1x64xi32> to vector<1024x64xi32>
    %eq3A_18 = arith.cmpi eq, %eq3A_16, %eq3A_17 : vector<1024x64xi32>
    %jit3A_19 = arith.constant 0.000000e+00 : f32
    %broadcast_in_dim3A_20 = vector.broadcast %jit3A_19 : f32 to vector<1024x64xf32>
    %select_n3A_21 = arith.select %eq3A_18, %dot_general3A_5, %broadcast_in_dim3A_20 : vector<1024x64xi1>, vector<1024x64xf32>
    %reduce_sum3A_22 = arith.constant dense<0.000000e+00> : vector<1024xf32>
    %reduce_sum3A_23 = vector.multi_reduction <add>, %select_n3A_21, %reduce_sum3A_22 [1] : vector<1024x64xf32> to vector<1024xf32>
    %broadcast_in_dim3A_24 = vector.shape_cast %reduce_sum3A_23 : vector<1024xf32> to vector<1024x1xf32>
    %exp3A_25 = math.exp %broadcast_in_dim3A_24 : vector<1024x1xf32>
    %get3A_26 = arith.constant 0 : index
    %get3A_27 = arith.constant 2 : index
    %get3A_28 = vector.load %arg3[%get3A_26, %get3A_27] : memref<1024x16xi32, #tpu.memory_space<vmem>>, vector<1024x1xi32>
    %eq3A_29 = vector.broadcast %get3A_28 : vector<1024x1xi32> to vector<1024x64xi32>
    %eq3A_30 = vector.broadcast %iota3A : vector<1x64xi32> to vector<1024x64xi32>
    %eq3A_31 = arith.cmpi eq, %eq3A_29, %eq3A_30 : vector<1024x64xi32>
    %jit3A_32 = arith.constant 0.000000e+00 : f32
    %broadcast_in_dim3A_33 = vector.broadcast %jit3A_32 : f32 to vector<1024x64xf32>
    %select_n3A_34 = arith.select %eq3A_31, %dot_general3A_5, %broadcast_in_dim3A_33 : vector<1024x64xi1>, vector<1024x64xf32>
    %reduce_sum3A_35 = arith.constant dense<0.000000e+00> : vector<1024xf32>
    %reduce_sum3A_36 = vector.multi_reduction <add>, %select_n3A_34, %reduce_sum3A_35 [1] : vector<1024x64xf32> to vector<1024xf32>
    %broadcast_in_dim3A_37 = vector.shape_cast %reduce_sum3A_36 : vector<1024xf32> to vector<1024x1xf32>
    %exp3A_38 = math.exp %broadcast_in_dim3A_37 : vector<1024x1xf32>
    %get3A_39 = arith.constant 0 : index
    %get3A_40 = arith.constant 3 : index
    %get3A_41 = vector.load %arg3[%get3A_39, %get3A_40] : memref<1024x16xi32, #tpu.memory_space<vmem>>, vector<1024x1xi32>
    %eq3A_42 = vector.broadcast %get3A_41 : vector<1024x1xi32> to vector<1024x64xi32>
    %eq3A_43 = vector.broadcast %iota3A : vector<1x64xi32> to vector<1024x64xi32>
    %eq3A_44 = arith.cmpi eq, %eq3A_42, %eq3A_43 : vector<1024x64xi32>
    %jit3A_45 = arith.constant 0.000000e+00 : f32
    %broadcast_in_dim3A_46 = vector.broadcast %jit3A_45 : f32 to vector<1024x64xf32>
    %select_n3A_47 = arith.select %eq3A_44, %dot_general3A_5, %broadcast_in_dim3A_46 : vector<1024x64xi1>, vector<1024x64xf32>
    %reduce_sum3A_48 = arith.constant dense<0.000000e+00> : vector<1024xf32>
    %reduce_sum3A_49 = vector.multi_reduction <add>, %select_n3A_47, %reduce_sum3A_48 [1] : vector<1024x64xf32> to vector<1024xf32>
    %broadcast_in_dim3A_50 = vector.shape_cast %reduce_sum3A_49 : vector<1024xf32> to vector<1024x1xf32>
    %exp3A_51 = math.exp %broadcast_in_dim3A_50 : vector<1024x1xf32>
    %add3A = arith.addf %exp3A, %exp3A_25 : vector<1024x1xf32>
    %add3A_52 = arith.addf %add3A, %exp3A_38 : vector<1024x1xf32>
    %add3A_53 = arith.addf %add3A_52, %exp3A_51 : vector<1024x1xf32>
    %broadcast_in_dim3A_54 = arith.constant 0.000000e+00 : f32
    %broadcast_in_dim3A_55 = vector.broadcast %broadcast_in_dim3A_54 : f32 to vector<1024x32xf32>
    %div3A = arith.divf %exp3A, %add3A_53 : vector<1024x1xf32>
    %get3A_56 = arith.constant 0 : index
    %get3A_57 = arith.constant 0 : index
    %get3A_58 = arith.constant 0 : index
    %get3A_59 = vector.load %arg4[%get3A_56, %get3A_57, %get3A_58] : memref<1024x16x32xf32, #tpu.memory_space<vmem>>, vector<1024x1x32xf32>
    %get3A_60 = vector.shape_cast %get3A_59 : vector<1024x1x32xf32> to vector<1024x32xf32>
    %mul3A = vector.broadcast %div3A : vector<1024x1xf32> to vector<1024x32xf32>
    %mul3A_61 = arith.mulf %mul3A, %get3A_60 : vector<1024x32xf32>
    %add3A_62 = arith.addf %broadcast_in_dim3A_55, %mul3A_61 : vector<1024x32xf32>
    %div3A_63 = arith.divf %exp3A_25, %add3A_53 : vector<1024x1xf32>
    %get3A_64 = arith.constant 0 : index
    %get3A_65 = arith.constant 1 : index
    %get3A_66 = arith.constant 0 : index
    %get3A_67 = vector.load %arg4[%get3A_64, %get3A_65, %get3A_66] : memref<1024x16x32xf32, #tpu.memory_space<vmem>>, vector<1024x1x32xf32>
    %get3A_68 = vector.shape_cast %get3A_67 : vector<1024x1x32xf32> to vector<1024x32xf32>
    %mul3A_69 = vector.broadcast %div3A_63 : vector<1024x1xf32> to vector<1024x32xf32>
    %mul3A_70 = arith.mulf %mul3A_69, %get3A_68 : vector<1024x32xf32>
    %add3A_71 = arith.addf %add3A_62, %mul3A_70 : vector<1024x32xf32>
    %div3A_72 = arith.divf %exp3A_38, %add3A_53 : vector<1024x1xf32>
    %get3A_73 = arith.constant 0 : index
    %get3A_74 = arith.constant 2 : index
    %get3A_75 = arith.constant 0 : index
    %get3A_76 = vector.load %arg4[%get3A_73, %get3A_74, %get3A_75] : memref<1024x16x32xf32, #tpu.memory_space<vmem>>, vector<1024x1x32xf32>
    %get3A_77 = vector.shape_cast %get3A_76 : vector<1024x1x32xf32> to vector<1024x32xf32>
    %mul3A_78 = vector.broadcast %div3A_72 : vector<1024x1xf32> to vector<1024x32xf32>
    %mul3A_79 = arith.mulf %mul3A_78, %get3A_77 : vector<1024x32xf32>
    %add3A_80 = arith.addf %add3A_71, %mul3A_79 : vector<1024x32xf32>
    %div3A_81 = arith.divf %exp3A_51, %add3A_53 : vector<1024x1xf32>
    %get3A_82 = arith.constant 0 : index
    %get3A_83 = arith.constant 3 : index
    %get3A_84 = arith.constant 0 : index
    %get3A_85 = vector.load %arg4[%get3A_82, %get3A_83, %get3A_84] : memref<1024x16x32xf32, #tpu.memory_space<vmem>>, vector<1024x1x32xf32>
    %get3A_86 = vector.shape_cast %get3A_85 : vector<1024x1x32xf32> to vector<1024x32xf32>
    %mul3A_87 = vector.broadcast %div3A_81 : vector<1024x1xf32> to vector<1024x32xf32>
    %mul3A_88 = arith.mulf %mul3A_87, %get3A_86 : vector<1024x32xf32>
    %add3A_89 = arith.addf %add3A_80, %mul3A_88 : vector<1024x32xf32>
    %get3A_90 = arith.constant 0 : index
    %get3A_91 = arith.constant 0 : index
    %get3A_92 = vector.load %arg8[%get3A_90, %get3A_91] : memref<32x32xf32, #tpu.memory_space<vmem>>, vector<32x32xf32>
    %dot_general3A_93 = arith.constant dense<0.000000e+00> : vector<1024x32xf32>
    %dot_general3A_94 = tpu.matmul %add3A_89, %get3A_92, %dot_general3A_93 {dimension_numbers = #tpu.dot_dimension_numbers<[1], [0], [0], [1], [0, 0, 1, 1], [], []>, transpose_lhs_hint = false} : vector<1024x32xf32>, vector<32x32xf32>, vector<1024x32xf32> -> vector<1024x32xf32>
    %get3A_95 = arith.constant 0 : index
    %get3A_96 = arith.constant 0 : index
    %get3A_97 = vector.load %arg9[%get3A_95, %get3A_96] : memref<1x32xf32, #tpu.memory_space<vmem>>, vector<1x32xf32>
    %add3A_98 = vector.broadcast %get3A_97 : vector<1x32xf32> to vector<1024x32xf32>
    %add3A_99 = arith.addf %dot_general3A_94, %add3A_98 : vector<1024x32xf32>
    %max3A = arith.constant 0.000000e+00 : f32
    %max3A_100 = vector.broadcast %max3A : f32 to vector<1024x32xf32>
    %max3A_101 = arith.maximumf %add3A_99, %max3A_100 : vector<1024x32xf32>
    %get3A_102 = arith.constant 0 : index
    %get3A_103 = arith.constant 4 : index
    %get3A_104 = vector.load %arg3[%get3A_102, %get3A_103] : memref<1024x16xi32, #tpu.memory_space<vmem>>, vector<1024x1xi32>
    %eq3A_105 = vector.broadcast %get3A_104 : vector<1024x1xi32> to vector<1024x64xi32>
    %eq3A_106 = vector.broadcast %iota3A : vector<1x64xi32> to vector<1024x64xi32>
    %eq3A_107 = arith.cmpi eq, %eq3A_105, %eq3A_106 : vector<1024x64xi32>
    %jit3A_108 = arith.constant 0.000000e+00 : f32
    %broadcast_in_dim3A_109 = vector.broadcast %jit3A_108 : f32 to vector<1024x64xf32>
    %select_n3A_110 = arith.select %eq3A_107, %dot_general3A_5, %broadcast_in_dim3A_109 : vector<1024x64xi1>, vector<1024x64xf32>
    %reduce_sum3A_111 = arith.constant dense<0.000000e+00> : vector<1024xf32>
    %reduce_sum3A_112 = vector.multi_reduction <add>, %select_n3A_110, %reduce_sum3A_111 [1] : vector<1024x64xf32> to vector<1024xf32>
    %broadcast_in_dim3A_113 = vector.shape_cast %reduce_sum3A_112 : vector<1024xf32> to vector<1024x1xf32>
    %exp3A_114 = math.exp %broadcast_in_dim3A_113 : vector<1024x1xf32>
    %get3A_115 = arith.constant 0 : index
    %get3A_116 = arith.constant 5 : index
    %get3A_117 = vector.load %arg3[%get3A_115, %get3A_116] : memref<1024x16xi32, #tpu.memory_space<vmem>>, vector<1024x1xi32>
    %eq3A_118 = vector.broadcast %get3A_117 : vector<1024x1xi32> to vector<1024x64xi32>
    %eq3A_119 = vector.broadcast %iota3A : vector<1x64xi32> to vector<1024x64xi32>
    %eq3A_120 = arith.cmpi eq, %eq3A_118, %eq3A_119 : vector<1024x64xi32>
    %jit3A_121 = arith.constant 0.000000e+00 : f32
    %broadcast_in_dim3A_122 = vector.broadcast %jit3A_121 : f32 to vector<1024x64xf32>
    %select_n3A_123 = arith.select %eq3A_120, %dot_general3A_5, %broadcast_in_dim3A_122 : vector<1024x64xi1>, vector<1024x64xf32>
    %reduce_sum3A_124 = arith.constant dense<0.000000e+00> : vector<1024xf32>
    %reduce_sum3A_125 = vector.multi_reduction <add>, %select_n3A_123, %reduce_sum3A_124 [1] : vector<1024x64xf32> to vector<1024xf32>
    %broadcast_in_dim3A_126 = vector.shape_cast %reduce_sum3A_125 : vector<1024xf32> to vector<1024x1xf32>
    %exp3A_127 = math.exp %broadcast_in_dim3A_126 : vector<1024x1xf32>
    %get3A_128 = arith.constant 0 : index
    %get3A_129 = arith.constant 6 : index
    %get3A_130 = vector.load %arg3[%get3A_128, %get3A_129] : memref<1024x16xi32, #tpu.memory_space<vmem>>, vector<1024x1xi32>
    %eq3A_131 = vector.broadcast %get3A_130 : vector<1024x1xi32> to vector<1024x64xi32>
    %eq3A_132 = vector.broadcast %iota3A : vector<1x64xi32> to vector<1024x64xi32>
    %eq3A_133 = arith.cmpi eq, %eq3A_131, %eq3A_132 : vector<1024x64xi32>
    %jit3A_134 = arith.constant 0.000000e+00 : f32
    %broadcast_in_dim3A_135 = vector.broadcast %jit3A_134 : f32 to vector<1024x64xf32>
    %select_n3A_136 = arith.select %eq3A_133, %dot_general3A_5, %broadcast_in_dim3A_135 : vector<1024x64xi1>, vector<1024x64xf32>
    %reduce_sum3A_137 = arith.constant dense<0.000000e+00> : vector<1024xf32>
    %reduce_sum3A_138 = vector.multi_reduction <add>, %select_n3A_136, %reduce_sum3A_137 [1] : vector<1024x64xf32> to vector<1024xf32>
    %broadcast_in_dim3A_139 = vector.shape_cast %reduce_sum3A_138 : vector<1024xf32> to vector<1024x1xf32>
    %exp3A_140 = math.exp %broadcast_in_dim3A_139 : vector<1024x1xf32>
    %get3A_141 = arith.constant 0 : index
    %get3A_142 = arith.constant 7 : index
    %get3A_143 = vector.load %arg3[%get3A_141, %get3A_142] : memref<1024x16xi32, #tpu.memory_space<vmem>>, vector<1024x1xi32>
    %eq3A_144 = vector.broadcast %get3A_143 : vector<1024x1xi32> to vector<1024x64xi32>
    %eq3A_145 = vector.broadcast %iota3A : vector<1x64xi32> to vector<1024x64xi32>
    %eq3A_146 = arith.cmpi eq, %eq3A_144, %eq3A_145 : vector<1024x64xi32>
    %jit3A_147 = arith.constant 0.000000e+00 : f32
    %broadcast_in_dim3A_148 = vector.broadcast %jit3A_147 : f32 to vector<1024x64xf32>
    %select_n3A_149 = arith.select %eq3A_146, %dot_general3A_5, %broadcast_in_dim3A_148 : vector<1024x64xi1>, vector<1024x64xf32>
    %reduce_sum3A_150 = arith.constant dense<0.000000e+00> : vector<1024xf32>
    %reduce_sum3A_151 = vector.multi_reduction <add>, %select_n3A_149, %reduce_sum3A_150 [1] : vector<1024x64xf32> to vector<1024xf32>
    %broadcast_in_dim3A_152 = vector.shape_cast %reduce_sum3A_151 : vector<1024xf32> to vector<1024x1xf32>
    %exp3A_153 = math.exp %broadcast_in_dim3A_152 : vector<1024x1xf32>
    %add3A_154 = arith.addf %exp3A_114, %exp3A_127 : vector<1024x1xf32>
    %add3A_155 = arith.addf %add3A_154, %exp3A_140 : vector<1024x1xf32>
    %add3A_156 = arith.addf %add3A_155, %exp3A_153 : vector<1024x1xf32>
    %broadcast_in_dim3A_157 = arith.constant 0.000000e+00 : f32
    %broadcast_in_dim3A_158 = vector.broadcast %broadcast_in_dim3A_157 : f32 to vector<1024x32xf32>
    %div3A_159 = arith.divf %exp3A_114, %add3A_156 : vector<1024x1xf32>
    %get3A_160 = arith.constant 0 : index
    %get3A_161 = arith.constant 4 : index
    %get3A_162 = arith.constant 0 : index
    %get3A_163 = vector.load %arg4[%get3A_160, %get3A_161, %get3A_162] : memref<1024x16x32xf32, #tpu.memory_space<vmem>>, vector<1024x1x32xf32>
    %get3A_164 = vector.shape_cast %get3A_163 : vector<1024x1x32xf32> to vector<1024x32xf32>
    %mul3A_165 = vector.broadcast %div3A_159 : vector<1024x1xf32> to vector<1024x32xf32>
    %mul3A_166 = arith.mulf %mul3A_165, %get3A_164 : vector<1024x32xf32>
    %add3A_167 = arith.addf %broadcast_in_dim3A_158, %mul3A_166 : vector<1024x32xf32>
    %div3A_168 = arith.divf %exp3A_127, %add3A_156 : vector<1024x1xf32>
    %get3A_169 = arith.constant 0 : index
    %get3A_170 = arith.constant 5 : index
    %get3A_171 = arith.constant 0 : index
    %get3A_172 = vector.load %arg4[%get3A_169, %get3A_170, %get3A_171] : memref<1024x16x32xf32, #tpu.memory_space<vmem>>, vector<1024x1x32xf32>
    %get3A_173 = vector.shape_cast %get3A_172 : vector<1024x1x32xf32> to vector<1024x32xf32>
    %mul3A_174 = vector.broadcast %div3A_168 : vector<1024x1xf32> to vector<1024x32xf32>
    %mul3A_175 = arith.mulf %mul3A_174, %get3A_173 : vector<1024x32xf32>
    %add3A_176 = arith.addf %add3A_167, %mul3A_175 : vector<1024x32xf32>
    %div3A_177 = arith.divf %exp3A_140, %add3A_156 : vector<1024x1xf32>
    %get3A_178 = arith.constant 0 : index
    %get3A_179 = arith.constant 6 : index
    %get3A_180 = arith.constant 0 : index
    %get3A_181 = vector.load %arg4[%get3A_178, %get3A_179, %get3A_180] : memref<1024x16x32xf32, #tpu.memory_space<vmem>>, vector<1024x1x32xf32>
    %get3A_182 = vector.shape_cast %get3A_181 : vector<1024x1x32xf32> to vector<1024x32xf32>
    %mul3A_183 = vector.broadcast %div3A_177 : vector<1024x1xf32> to vector<1024x32xf32>
    %mul3A_184 = arith.mulf %mul3A_183, %get3A_182 : vector<1024x32xf32>
    %add3A_185 = arith.addf %add3A_176, %mul3A_184 : vector<1024x32xf32>
    %div3A_186 = arith.divf %exp3A_153, %add3A_156 : vector<1024x1xf32>
    %get3A_187 = arith.constant 0 : index
    %get3A_188 = arith.constant 7 : index
    %get3A_189 = arith.constant 0 : index
    %get3A_190 = vector.load %arg4[%get3A_187, %get3A_188, %get3A_189] : memref<1024x16x32xf32, #tpu.memory_space<vmem>>, vector<1024x1x32xf32>
    %get3A_191 = vector.shape_cast %get3A_190 : vector<1024x1x32xf32> to vector<1024x32xf32>
    %mul3A_192 = vector.broadcast %div3A_186 : vector<1024x1xf32> to vector<1024x32xf32>
    %mul3A_193 = arith.mulf %mul3A_192, %get3A_191 : vector<1024x32xf32>
    %add3A_194 = arith.addf %add3A_185, %mul3A_193 : vector<1024x32xf32>
    %get3A_195 = arith.constant 0 : index
    %get3A_196 = arith.constant 0 : index
    %get3A_197 = vector.load %arg8[%get3A_195, %get3A_196] : memref<32x32xf32, #tpu.memory_space<vmem>>, vector<32x32xf32>
    %dot_general3A_198 = arith.constant dense<0.000000e+00> : vector<1024x32xf32>
    %dot_general3A_199 = tpu.matmul %add3A_194, %get3A_197, %dot_general3A_198 {dimension_numbers = #tpu.dot_dimension_numbers<[1], [0], [0], [1], [0, 0, 1, 1], [], []>, transpose_lhs_hint = false} : vector<1024x32xf32>, vector<32x32xf32>, vector<1024x32xf32> -> vector<1024x32xf32>
    %get3A_200 = arith.constant 0 : index
    %get3A_201 = arith.constant 0 : index
    %get3A_202 = vector.load %arg9[%get3A_200, %get3A_201] : memref<1x32xf32, #tpu.memory_space<vmem>>, vector<1x32xf32>
    %add3A_203 = vector.broadcast %get3A_202 : vector<1x32xf32> to vector<1024x32xf32>
    %add3A_204 = arith.addf %dot_general3A_199, %add3A_203 : vector<1024x32xf32>
    %max3A_205 = arith.constant 0.000000e+00 : f32
    %max3A_206 = vector.broadcast %max3A_205 : f32 to vector<1024x32xf32>
    %max3A_207 = arith.maximumf %add3A_204, %max3A_206 : vector<1024x32xf32>
    %get3A_208 = arith.constant 0 : index
    %get3A_209 = arith.constant 8 : index
    %get3A_210 = vector.load %arg3[%get3A_208, %get3A_209] : memref<1024x16xi32, #tpu.memory_space<vmem>>, vector<1024x1xi32>
    %eq3A_211 = vector.broadcast %get3A_210 : vector<1024x1xi32> to vector<1024x64xi32>
    %eq3A_212 = vector.broadcast %iota3A : vector<1x64xi32> to vector<1024x64xi32>
    %eq3A_213 = arith.cmpi eq, %eq3A_211, %eq3A_212 : vector<1024x64xi32>
    %jit3A_214 = arith.constant 0.000000e+00 : f32
    %broadcast_in_dim3A_215 = vector.broadcast %jit3A_214 : f32 to vector<1024x64xf32>
    %select_n3A_216 = arith.select %eq3A_213, %dot_general3A_5, %broadcast_in_dim3A_215 : vector<1024x64xi1>, vector<1024x64xf32>
    %reduce_sum3A_217 = arith.constant dense<0.000000e+00> : vector<1024xf32>
    %reduce_sum3A_218 = vector.multi_reduction <add>, %select_n3A_216, %reduce_sum3A_217 [1] : vector<1024x64xf32> to vector<1024xf32>
    %broadcast_in_dim3A_219 = vector.shape_cast %reduce_sum3A_218 : vector<1024xf32> to vector<1024x1xf32>
    %exp3A_220 = math.exp %broadcast_in_dim3A_219 : vector<1024x1xf32>
    %get3A_221 = arith.constant 0 : index
    %get3A_222 = arith.constant 9 : index
    %get3A_223 = vector.load %arg3[%get3A_221, %get3A_222] : memref<1024x16xi32, #tpu.memory_space<vmem>>, vector<1024x1xi32>
    %eq3A_224 = vector.broadcast %get3A_223 : vector<1024x1xi32> to vector<1024x64xi32>
    %eq3A_225 = vector.broadcast %iota3A : vector<1x64xi32> to vector<1024x64xi32>
    %eq3A_226 = arith.cmpi eq, %eq3A_224, %eq3A_225 : vector<1024x64xi32>
    %jit3A_227 = arith.constant 0.000000e+00 : f32
    %broadcast_in_dim3A_228 = vector.broadcast %jit3A_227 : f32 to vector<1024x64xf32>
    %select_n3A_229 = arith.select %eq3A_226, %dot_general3A_5, %broadcast_in_dim3A_228 : vector<1024x64xi1>, vector<1024x64xf32>
    %reduce_sum3A_230 = arith.constant dense<0.000000e+00> : vector<1024xf32>
    %reduce_sum3A_231 = vector.multi_reduction <add>, %select_n3A_229, %reduce_sum3A_230 [1] : vector<1024x64xf32> to vector<1024xf32>
    %broadcast_in_dim3A_232 = vector.shape_cast %reduce_sum3A_231 : vector<1024xf32> to vector<1024x1xf32>
    %exp3A_233 = math.exp %broadcast_in_dim3A_232 : vector<1024x1xf32>
    %get3A_234 = arith.constant 0 : index
    %get3A_235 = arith.constant 10 : index
    %get3A_236 = vector.load %arg3[%get3A_234, %get3A_235] : memref<1024x16xi32, #tpu.memory_space<vmem>>, vector<1024x1xi32>
    %eq3A_237 = vector.broadcast %get3A_236 : vector<1024x1xi32> to vector<1024x64xi32>
    %eq3A_238 = vector.broadcast %iota3A : vector<1x64xi32> to vector<1024x64xi32>
    %eq3A_239 = arith.cmpi eq, %eq3A_237, %eq3A_238 : vector<1024x64xi32>
    %jit3A_240 = arith.constant 0.000000e+00 : f32
    %broadcast_in_dim3A_241 = vector.broadcast %jit3A_240 : f32 to vector<1024x64xf32>
    %select_n3A_242 = arith.select %eq3A_239, %dot_general3A_5, %broadcast_in_dim3A_241 : vector<1024x64xi1>, vector<1024x64xf32>
    %reduce_sum3A_243 = arith.constant dense<0.000000e+00> : vector<1024xf32>
    %reduce_sum3A_244 = vector.multi_reduction <add>, %select_n3A_242, %reduce_sum3A_243 [1] : vector<1024x64xf32> to vector<1024xf32>
    %broadcast_in_dim3A_245 = vector.shape_cast %reduce_sum3A_244 : vector<1024xf32> to vector<1024x1xf32>
    %exp3A_246 = math.exp %broadcast_in_dim3A_245 : vector<1024x1xf32>
    %get3A_247 = arith.constant 0 : index
    %get3A_248 = arith.constant 11 : index
    %get3A_249 = vector.load %arg3[%get3A_247, %get3A_248] : memref<1024x16xi32, #tpu.memory_space<vmem>>, vector<1024x1xi32>
    %eq3A_250 = vector.broadcast %get3A_249 : vector<1024x1xi32> to vector<1024x64xi32>
    %eq3A_251 = vector.broadcast %iota3A : vector<1x64xi32> to vector<1024x64xi32>
    %eq3A_252 = arith.cmpi eq, %eq3A_250, %eq3A_251 : vector<1024x64xi32>
    %jit3A_253 = arith.constant 0.000000e+00 : f32
    %broadcast_in_dim3A_254 = vector.broadcast %jit3A_253 : f32 to vector<1024x64xf32>
    %select_n3A_255 = arith.select %eq3A_252, %dot_general3A_5, %broadcast_in_dim3A_254 : vector<1024x64xi1>, vector<1024x64xf32>
    %reduce_sum3A_256 = arith.constant dense<0.000000e+00> : vector<1024xf32>
    %reduce_sum3A_257 = vector.multi_reduction <add>, %select_n3A_255, %reduce_sum3A_256 [1] : vector<1024x64xf32> to vector<1024xf32>
    %broadcast_in_dim3A_258 = vector.shape_cast %reduce_sum3A_257 : vector<1024xf32> to vector<1024x1xf32>
    %exp3A_259 = math.exp %broadcast_in_dim3A_258 : vector<1024x1xf32>
    %add3A_260 = arith.addf %exp3A_220, %exp3A_233 : vector<1024x1xf32>
    %add3A_261 = arith.addf %add3A_260, %exp3A_246 : vector<1024x1xf32>
    %add3A_262 = arith.addf %add3A_261, %exp3A_259 : vector<1024x1xf32>
    %broadcast_in_dim3A_263 = arith.constant 0.000000e+00 : f32
    %broadcast_in_dim3A_264 = vector.broadcast %broadcast_in_dim3A_263 : f32 to vector<1024x32xf32>
    %div3A_265 = arith.divf %exp3A_220, %add3A_262 : vector<1024x1xf32>
    %get3A_266 = arith.constant 0 : index
    %get3A_267 = arith.constant 8 : index
    %get3A_268 = arith.constant 0 : index
    %get3A_269 = vector.load %arg4[%get3A_266, %get3A_267, %get3A_268] : memref<1024x16x32xf32, #tpu.memory_space<vmem>>, vector<1024x1x32xf32>
    %get3A_270 = vector.shape_cast %get3A_269 : vector<1024x1x32xf32> to vector<1024x32xf32>
    %mul3A_271 = vector.broadcast %div3A_265 : vector<1024x1xf32> to vector<1024x32xf32>
    %mul3A_272 = arith.mulf %mul3A_271, %get3A_270 : vector<1024x32xf32>
    %add3A_273 = arith.addf %broadcast_in_dim3A_264, %mul3A_272 : vector<1024x32xf32>
    %div3A_274 = arith.divf %exp3A_233, %add3A_262 : vector<1024x1xf32>
    %get3A_275 = arith.constant 0 : index
    %get3A_276 = arith.constant 9 : index
    %get3A_277 = arith.constant 0 : index
    %get3A_278 = vector.load %arg4[%get3A_275, %get3A_276, %get3A_277] : memref<1024x16x32xf32, #tpu.memory_space<vmem>>, vector<1024x1x32xf32>
    %get3A_279 = vector.shape_cast %get3A_278 : vector<1024x1x32xf32> to vector<1024x32xf32>
    %mul3A_280 = vector.broadcast %div3A_274 : vector<1024x1xf32> to vector<1024x32xf32>
    %mul3A_281 = arith.mulf %mul3A_280, %get3A_279 : vector<1024x32xf32>
    %add3A_282 = arith.addf %add3A_273, %mul3A_281 : vector<1024x32xf32>
    %div3A_283 = arith.divf %exp3A_246, %add3A_262 : vector<1024x1xf32>
    %get3A_284 = arith.constant 0 : index
    %get3A_285 = arith.constant 10 : index
    %get3A_286 = arith.constant 0 : index
    %get3A_287 = vector.load %arg4[%get3A_284, %get3A_285, %get3A_286] : memref<1024x16x32xf32, #tpu.memory_space<vmem>>, vector<1024x1x32xf32>
    %get3A_288 = vector.shape_cast %get3A_287 : vector<1024x1x32xf32> to vector<1024x32xf32>
    %mul3A_289 = vector.broadcast %div3A_283 : vector<1024x1xf32> to vector<1024x32xf32>
    %mul3A_290 = arith.mulf %mul3A_289, %get3A_288 : vector<1024x32xf32>
    %add3A_291 = arith.addf %add3A_282, %mul3A_290 : vector<1024x32xf32>
    %div3A_292 = arith.divf %exp3A_259, %add3A_262 : vector<1024x1xf32>
    %get3A_293 = arith.constant 0 : index
    %get3A_294 = arith.constant 11 : index
    %get3A_295 = arith.constant 0 : index
    %get3A_296 = vector.load %arg4[%get3A_293, %get3A_294, %get3A_295] : memref<1024x16x32xf32, #tpu.memory_space<vmem>>, vector<1024x1x32xf32>
    %get3A_297 = vector.shape_cast %get3A_296 : vector<1024x1x32xf32> to vector<1024x32xf32>
    %mul3A_298 = vector.broadcast %div3A_292 : vector<1024x1xf32> to vector<1024x32xf32>
    %mul3A_299 = arith.mulf %mul3A_298, %get3A_297 : vector<1024x32xf32>
    %add3A_300 = arith.addf %add3A_291, %mul3A_299 : vector<1024x32xf32>
    %get3A_301 = arith.constant 0 : index
    %get3A_302 = arith.constant 0 : index
    %get3A_303 = vector.load %arg8[%get3A_301, %get3A_302] : memref<32x32xf32, #tpu.memory_space<vmem>>, vector<32x32xf32>
    %dot_general3A_304 = arith.constant dense<0.000000e+00> : vector<1024x32xf32>
    %dot_general3A_305 = tpu.matmul %add3A_300, %get3A_303, %dot_general3A_304 {dimension_numbers = #tpu.dot_dimension_numbers<[1], [0], [0], [1], [0, 0, 1, 1], [], []>, transpose_lhs_hint = false} : vector<1024x32xf32>, vector<32x32xf32>, vector<1024x32xf32> -> vector<1024x32xf32>
    %get3A_306 = arith.constant 0 : index
    %get3A_307 = arith.constant 0 : index
    %get3A_308 = vector.load %arg9[%get3A_306, %get3A_307] : memref<1x32xf32, #tpu.memory_space<vmem>>, vector<1x32xf32>
    %add3A_309 = vector.broadcast %get3A_308 : vector<1x32xf32> to vector<1024x32xf32>
    %add3A_310 = arith.addf %dot_general3A_305, %add3A_309 : vector<1024x32xf32>
    %max3A_311 = arith.constant 0.000000e+00 : f32
    %max3A_312 = vector.broadcast %max3A_311 : f32 to vector<1024x32xf32>
    %max3A_313 = arith.maximumf %add3A_310, %max3A_312 : vector<1024x32xf32>
    %get3A_314 = arith.constant 0 : index
    %get3A_315 = arith.constant 12 : index
    %get3A_316 = vector.load %arg3[%get3A_314, %get3A_315] : memref<1024x16xi32, #tpu.memory_space<vmem>>, vector<1024x1xi32>
    %eq3A_317 = vector.broadcast %get3A_316 : vector<1024x1xi32> to vector<1024x64xi32>
    %eq3A_318 = vector.broadcast %iota3A : vector<1x64xi32> to vector<1024x64xi32>
    %eq3A_319 = arith.cmpi eq, %eq3A_317, %eq3A_318 : vector<1024x64xi32>
    %jit3A_320 = arith.constant 0.000000e+00 : f32
    %broadcast_in_dim3A_321 = vector.broadcast %jit3A_320 : f32 to vector<1024x64xf32>
    %select_n3A_322 = arith.select %eq3A_319, %dot_general3A_5, %broadcast_in_dim3A_321 : vector<1024x64xi1>, vector<1024x64xf32>
    %reduce_sum3A_323 = arith.constant dense<0.000000e+00> : vector<1024xf32>
    %reduce_sum3A_324 = vector.multi_reduction <add>, %select_n3A_322, %reduce_sum3A_323 [1] : vector<1024x64xf32> to vector<1024xf32>
    %broadcast_in_dim3A_325 = vector.shape_cast %reduce_sum3A_324 : vector<1024xf32> to vector<1024x1xf32>
    %exp3A_326 = math.exp %broadcast_in_dim3A_325 : vector<1024x1xf32>
    %get3A_327 = arith.constant 0 : index
    %get3A_328 = arith.constant 13 : index
    %get3A_329 = vector.load %arg3[%get3A_327, %get3A_328] : memref<1024x16xi32, #tpu.memory_space<vmem>>, vector<1024x1xi32>
    %eq3A_330 = vector.broadcast %get3A_329 : vector<1024x1xi32> to vector<1024x64xi32>
    %eq3A_331 = vector.broadcast %iota3A : vector<1x64xi32> to vector<1024x64xi32>
    %eq3A_332 = arith.cmpi eq, %eq3A_330, %eq3A_331 : vector<1024x64xi32>
    %jit3A_333 = arith.constant 0.000000e+00 : f32
    %broadcast_in_dim3A_334 = vector.broadcast %jit3A_333 : f32 to vector<1024x64xf32>
    %select_n3A_335 = arith.select %eq3A_332, %dot_general3A_5, %broadcast_in_dim3A_334 : vector<1024x64xi1>, vector<1024x64xf32>
    %reduce_sum3A_336 = arith.constant dense<0.000000e+00> : vector<1024xf32>
    %reduce_sum3A_337 = vector.multi_reduction <add>, %select_n3A_335, %reduce_sum3A_336 [1] : vector<1024x64xf32> to vector<1024xf32>
    %broadcast_in_dim3A_338 = vector.shape_cast %reduce_sum3A_337 : vector<1024xf32> to vector<1024x1xf32>
    %exp3A_339 = math.exp %broadcast_in_dim3A_338 : vector<1024x1xf32>
    %get3A_340 = arith.constant 0 : index
    %get3A_341 = arith.constant 14 : index
    %get3A_342 = vector.load %arg3[%get3A_340, %get3A_341] : memref<1024x16xi32, #tpu.memory_space<vmem>>, vector<1024x1xi32>
    %eq3A_343 = vector.broadcast %get3A_342 : vector<1024x1xi32> to vector<1024x64xi32>
    %eq3A_344 = vector.broadcast %iota3A : vector<1x64xi32> to vector<1024x64xi32>
    %eq3A_345 = arith.cmpi eq, %eq3A_343, %eq3A_344 : vector<1024x64xi32>
    %jit3A_346 = arith.constant 0.000000e+00 : f32
    %broadcast_in_dim3A_347 = vector.broadcast %jit3A_346 : f32 to vector<1024x64xf32>
    %select_n3A_348 = arith.select %eq3A_345, %dot_general3A_5, %broadcast_in_dim3A_347 : vector<1024x64xi1>, vector<1024x64xf32>
    %reduce_sum3A_349 = arith.constant dense<0.000000e+00> : vector<1024xf32>
    %reduce_sum3A_350 = vector.multi_reduction <add>, %select_n3A_348, %reduce_sum3A_349 [1] : vector<1024x64xf32> to vector<1024xf32>
    %broadcast_in_dim3A_351 = vector.shape_cast %reduce_sum3A_350 : vector<1024xf32> to vector<1024x1xf32>
    %exp3A_352 = math.exp %broadcast_in_dim3A_351 : vector<1024x1xf32>
    %get3A_353 = arith.constant 0 : index
    %get3A_354 = arith.constant 15 : index
    %get3A_355 = vector.load %arg3[%get3A_353, %get3A_354] : memref<1024x16xi32, #tpu.memory_space<vmem>>, vector<1024x1xi32>
    %eq3A_356 = vector.broadcast %get3A_355 : vector<1024x1xi32> to vector<1024x64xi32>
    %eq3A_357 = vector.broadcast %iota3A : vector<1x64xi32> to vector<1024x64xi32>
    %eq3A_358 = arith.cmpi eq, %eq3A_356, %eq3A_357 : vector<1024x64xi32>
    %jit3A_359 = arith.constant 0.000000e+00 : f32
    %broadcast_in_dim3A_360 = vector.broadcast %jit3A_359 : f32 to vector<1024x64xf32>
    %select_n3A_361 = arith.select %eq3A_358, %dot_general3A_5, %broadcast_in_dim3A_360 : vector<1024x64xi1>, vector<1024x64xf32>
    %reduce_sum3A_362 = arith.constant dense<0.000000e+00> : vector<1024xf32>
    %reduce_sum3A_363 = vector.multi_reduction <add>, %select_n3A_361, %reduce_sum3A_362 [1] : vector<1024x64xf32> to vector<1024xf32>
    %broadcast_in_dim3A_364 = vector.shape_cast %reduce_sum3A_363 : vector<1024xf32> to vector<1024x1xf32>
    %exp3A_365 = math.exp %broadcast_in_dim3A_364 : vector<1024x1xf32>
    %add3A_366 = arith.addf %exp3A_326, %exp3A_339 : vector<1024x1xf32>
    %add3A_367 = arith.addf %add3A_366, %exp3A_352 : vector<1024x1xf32>
    %add3A_368 = arith.addf %add3A_367, %exp3A_365 : vector<1024x1xf32>
    %broadcast_in_dim3A_369 = arith.constant 0.000000e+00 : f32
    %broadcast_in_dim3A_370 = vector.broadcast %broadcast_in_dim3A_369 : f32 to vector<1024x32xf32>
    %div3A_371 = arith.divf %exp3A_326, %add3A_368 : vector<1024x1xf32>
    %get3A_372 = arith.constant 0 : index
    %get3A_373 = arith.constant 12 : index
    %get3A_374 = arith.constant 0 : index
    %get3A_375 = vector.load %arg4[%get3A_372, %get3A_373, %get3A_374] : memref<1024x16x32xf32, #tpu.memory_space<vmem>>, vector<1024x1x32xf32>
    %get3A_376 = vector.shape_cast %get3A_375 : vector<1024x1x32xf32> to vector<1024x32xf32>
    %mul3A_377 = vector.broadcast %div3A_371 : vector<1024x1xf32> to vector<1024x32xf32>
    %mul3A_378 = arith.mulf %mul3A_377, %get3A_376 : vector<1024x32xf32>
    %add3A_379 = arith.addf %broadcast_in_dim3A_370, %mul3A_378 : vector<1024x32xf32>
    %div3A_380 = arith.divf %exp3A_339, %add3A_368 : vector<1024x1xf32>
    %get3A_381 = arith.constant 0 : index
    %get3A_382 = arith.constant 13 : index
    %get3A_383 = arith.constant 0 : index
    %get3A_384 = vector.load %arg4[%get3A_381, %get3A_382, %get3A_383] : memref<1024x16x32xf32, #tpu.memory_space<vmem>>, vector<1024x1x32xf32>
    %get3A_385 = vector.shape_cast %get3A_384 : vector<1024x1x32xf32> to vector<1024x32xf32>
    %mul3A_386 = vector.broadcast %div3A_380 : vector<1024x1xf32> to vector<1024x32xf32>
    %mul3A_387 = arith.mulf %mul3A_386, %get3A_385 : vector<1024x32xf32>
    %add3A_388 = arith.addf %add3A_379, %mul3A_387 : vector<1024x32xf32>
    %div3A_389 = arith.divf %exp3A_352, %add3A_368 : vector<1024x1xf32>
    %get3A_390 = arith.constant 0 : index
    %get3A_391 = arith.constant 14 : index
    %get3A_392 = arith.constant 0 : index
    %get3A_393 = vector.load %arg4[%get3A_390, %get3A_391, %get3A_392] : memref<1024x16x32xf32, #tpu.memory_space<vmem>>, vector<1024x1x32xf32>
    %get3A_394 = vector.shape_cast %get3A_393 : vector<1024x1x32xf32> to vector<1024x32xf32>
    %mul3A_395 = vector.broadcast %div3A_389 : vector<1024x1xf32> to vector<1024x32xf32>
    %mul3A_396 = arith.mulf %mul3A_395, %get3A_394 : vector<1024x32xf32>
    %add3A_397 = arith.addf %add3A_388, %mul3A_396 : vector<1024x32xf32>
    %div3A_398 = arith.divf %exp3A_365, %add3A_368 : vector<1024x1xf32>
    %get3A_399 = arith.constant 0 : index
    %get3A_400 = arith.constant 15 : index
    %get3A_401 = arith.constant 0 : index
    %get3A_402 = vector.load %arg4[%get3A_399, %get3A_400, %get3A_401] : memref<1024x16x32xf32, #tpu.memory_space<vmem>>, vector<1024x1x32xf32>
    %get3A_403 = vector.shape_cast %get3A_402 : vector<1024x1x32xf32> to vector<1024x32xf32>
    %mul3A_404 = vector.broadcast %div3A_398 : vector<1024x1xf32> to vector<1024x32xf32>
    %mul3A_405 = arith.mulf %mul3A_404, %get3A_403 : vector<1024x32xf32>
    %add3A_406 = arith.addf %add3A_397, %mul3A_405 : vector<1024x32xf32>
    %get3A_407 = arith.constant 0 : index
    %get3A_408 = arith.constant 0 : index
    %get3A_409 = vector.load %arg8[%get3A_407, %get3A_408] : memref<32x32xf32, #tpu.memory_space<vmem>>, vector<32x32xf32>
    %dot_general3A_410 = arith.constant dense<0.000000e+00> : vector<1024x32xf32>
    %dot_general3A_411 = tpu.matmul %add3A_406, %get3A_409, %dot_general3A_410 {dimension_numbers = #tpu.dot_dimension_numbers<[1], [0], [0], [1], [0, 0, 1, 1], [], []>, transpose_lhs_hint = false} : vector<1024x32xf32>, vector<32x32xf32>, vector<1024x32xf32> -> vector<1024x32xf32>
    %get3A_412 = arith.constant 0 : index
    %get3A_413 = arith.constant 0 : index
    %get3A_414 = vector.load %arg9[%get3A_412, %get3A_413] : memref<1x32xf32, #tpu.memory_space<vmem>>, vector<1x32xf32>
    %add3A_415 = vector.broadcast %get3A_414 : vector<1x32xf32> to vector<1024x32xf32>
    %add3A_416 = arith.addf %dot_general3A_411, %add3A_415 : vector<1024x32xf32>
    %max3A_417 = arith.constant 0.000000e+00 : f32
    %max3A_418 = vector.broadcast %max3A_417 : f32 to vector<1024x32xf32>
    %max3A_419 = arith.maximumf %add3A_416, %max3A_418 : vector<1024x32xf32>
    %get3A_420 = arith.constant 0 : index
    %get3A_421 = arith.constant 0 : index
    %get3A_422 = vector.load %arg2[%get3A_420, %get3A_421] : memref<1024x4xi32, #tpu.memory_space<vmem>>, vector<1024x1xi32>
    %eq3A_423 = vector.broadcast %get3A_422 : vector<1024x1xi32> to vector<1024x64xi32>
    %eq3A_424 = vector.broadcast %iota3A : vector<1x64xi32> to vector<1024x64xi32>
    %eq3A_425 = arith.cmpi eq, %eq3A_423, %eq3A_424 : vector<1024x64xi32>
    %jit3A_426 = arith.constant 0.000000e+00 : f32
    %broadcast_in_dim3A_427 = vector.broadcast %jit3A_426 : f32 to vector<1024x64xf32>
    %select_n3A_428 = arith.select %eq3A_425, %dot_general3A_5, %broadcast_in_dim3A_427 : vector<1024x64xi1>, vector<1024x64xf32>
    %reduce_sum3A_429 = arith.constant dense<0.000000e+00> : vector<1024xf32>
    %reduce_sum3A_430 = vector.multi_reduction <add>, %select_n3A_428, %reduce_sum3A_429 [1] : vector<1024x64xf32> to vector<1024xf32>
    %broadcast_in_dim3A_431 = vector.shape_cast %reduce_sum3A_430 : vector<1024xf32> to vector<1024x1xf32>
    %exp3A_432 = math.exp %broadcast_in_dim3A_431 : vector<1024x1xf32>
    %get3A_433 = arith.constant 0 : index
    %get3A_434 = arith.constant 1 : index
    %get3A_435 = vector.load %arg2[%get3A_433, %get3A_434] : memref<1024x4xi32, #tpu.memory_space<vmem>>, vector<1024x1xi32>
    %eq3A_436 = vector.broadcast %get3A_435 : vector<1024x1xi32> to vector<1024x64xi32>
    %eq3A_437 = vector.broadcast %iota3A : vector<1x64xi32> to vector<1024x64xi32>
    %eq3A_438 = arith.cmpi eq, %eq3A_436, %eq3A_437 : vector<1024x64xi32>
    %jit3A_439 = arith.constant 0.000000e+00 : f32
    %broadcast_in_dim3A_440 = vector.broadcast %jit3A_439 : f32 to vector<1024x64xf32>
    %select_n3A_441 = arith.select %eq3A_438, %dot_general3A_5, %broadcast_in_dim3A_440 : vector<1024x64xi1>, vector<1024x64xf32>
    %reduce_sum3A_442 = arith.constant dense<0.000000e+00> : vector<1024xf32>
    %reduce_sum3A_443 = vector.multi_reduction <add>, %select_n3A_441, %reduce_sum3A_442 [1] : vector<1024x64xf32> to vector<1024xf32>
    %broadcast_in_dim3A_444 = vector.shape_cast %reduce_sum3A_443 : vector<1024xf32> to vector<1024x1xf32>
    %exp3A_445 = math.exp %broadcast_in_dim3A_444 : vector<1024x1xf32>
    %get3A_446 = arith.constant 0 : index
    %get3A_447 = arith.constant 2 : index
    %get3A_448 = vector.load %arg2[%get3A_446, %get3A_447] : memref<1024x4xi32, #tpu.memory_space<vmem>>, vector<1024x1xi32>
    %eq3A_449 = vector.broadcast %get3A_448 : vector<1024x1xi32> to vector<1024x64xi32>
    %eq3A_450 = vector.broadcast %iota3A : vector<1x64xi32> to vector<1024x64xi32>
    %eq3A_451 = arith.cmpi eq, %eq3A_449, %eq3A_450 : vector<1024x64xi32>
    %jit3A_452 = arith.constant 0.000000e+00 : f32
    %broadcast_in_dim3A_453 = vector.broadcast %jit3A_452 : f32 to vector<1024x64xf32>
    %select_n3A_454 = arith.select %eq3A_451, %dot_general3A_5, %broadcast_in_dim3A_453 : vector<1024x64xi1>, vector<1024x64xf32>
    %reduce_sum3A_455 = arith.constant dense<0.000000e+00> : vector<1024xf32>
    %reduce_sum3A_456 = vector.multi_reduction <add>, %select_n3A_454, %reduce_sum3A_455 [1] : vector<1024x64xf32> to vector<1024xf32>
    %broadcast_in_dim3A_457 = vector.shape_cast %reduce_sum3A_456 : vector<1024xf32> to vector<1024x1xf32>
    %exp3A_458 = math.exp %broadcast_in_dim3A_457 : vector<1024x1xf32>
    %get3A_459 = arith.constant 0 : index
    %get3A_460 = arith.constant 3 : index
    %get3A_461 = vector.load %arg2[%get3A_459, %get3A_460] : memref<1024x4xi32, #tpu.memory_space<vmem>>, vector<1024x1xi32>
    %eq3A_462 = vector.broadcast %get3A_461 : vector<1024x1xi32> to vector<1024x64xi32>
    %eq3A_463 = vector.broadcast %iota3A : vector<1x64xi32> to vector<1024x64xi32>
    %eq3A_464 = arith.cmpi eq, %eq3A_462, %eq3A_463 : vector<1024x64xi32>
    %jit3A_465 = arith.constant 0.000000e+00 : f32
    %broadcast_in_dim3A_466 = vector.broadcast %jit3A_465 : f32 to vector<1024x64xf32>
    %select_n3A_467 = arith.select %eq3A_464, %dot_general3A_5, %broadcast_in_dim3A_466 : vector<1024x64xi1>, vector<1024x64xf32>
    %reduce_sum3A_468 = arith.constant dense<0.000000e+00> : vector<1024xf32>
    %reduce_sum3A_469 = vector.multi_reduction <add>, %select_n3A_467, %reduce_sum3A_468 [1] : vector<1024x64xf32> to vector<1024xf32>
    %broadcast_in_dim3A_470 = vector.shape_cast %reduce_sum3A_469 : vector<1024xf32> to vector<1024x1xf32>
    %exp3A_471 = math.exp %broadcast_in_dim3A_470 : vector<1024x1xf32>
    %add3A_472 = arith.addf %exp3A_432, %exp3A_445 : vector<1024x1xf32>
    %add3A_473 = arith.addf %add3A_472, %exp3A_458 : vector<1024x1xf32>
    %add3A_474 = arith.addf %add3A_473, %exp3A_471 : vector<1024x1xf32>
    %broadcast_in_dim3A_475 = arith.constant 0.000000e+00 : f32
    %broadcast_in_dim3A_476 = vector.broadcast %broadcast_in_dim3A_475 : f32 to vector<1024x32xf32>
    %div3A_477 = arith.divf %exp3A_432, %add3A_474 : vector<1024x1xf32>
    %mul3A_478 = vector.broadcast %div3A_477 : vector<1024x1xf32> to vector<1024x32xf32>
    %mul3A_479 = arith.mulf %mul3A_478, %max3A_101 : vector<1024x32xf32>
    %add3A_480 = arith.addf %broadcast_in_dim3A_476, %mul3A_479 : vector<1024x32xf32>
    %div3A_481 = arith.divf %exp3A_445, %add3A_474 : vector<1024x1xf32>
    %mul3A_482 = vector.broadcast %div3A_481 : vector<1024x1xf32> to vector<1024x32xf32>
    %mul3A_483 = arith.mulf %mul3A_482, %max3A_207 : vector<1024x32xf32>
    %add3A_484 = arith.addf %add3A_480, %mul3A_483 : vector<1024x32xf32>
    %div3A_485 = arith.divf %exp3A_458, %add3A_474 : vector<1024x1xf32>
    %mul3A_486 = vector.broadcast %div3A_485 : vector<1024x1xf32> to vector<1024x32xf32>
    %mul3A_487 = arith.mulf %mul3A_486, %max3A_313 : vector<1024x32xf32>
    %add3A_488 = arith.addf %add3A_484, %mul3A_487 : vector<1024x32xf32>
    %div3A_489 = arith.divf %exp3A_471, %add3A_474 : vector<1024x1xf32>
    %mul3A_490 = vector.broadcast %div3A_489 : vector<1024x1xf32> to vector<1024x32xf32>
    %mul3A_491 = arith.mulf %mul3A_490, %max3A_419 : vector<1024x32xf32>
    %add3A_492 = arith.addf %add3A_488, %mul3A_491 : vector<1024x32xf32>
    %get3A_493 = arith.constant 0 : index
    %get3A_494 = arith.constant 0 : index
    %get3A_495 = vector.load %arg6[%get3A_493, %get3A_494] : memref<32x32xf32, #tpu.memory_space<vmem>>, vector<32x32xf32>
    %dot_general3A_496 = arith.constant dense<0.000000e+00> : vector<1024x32xf32>
    %dot_general3A_497 = tpu.matmul %add3A_492, %get3A_495, %dot_general3A_496 {dimension_numbers = #tpu.dot_dimension_numbers<[1], [0], [0], [1], [0, 0, 1, 1], [], []>, transpose_lhs_hint = false} : vector<1024x32xf32>, vector<32x32xf32>, vector<1024x32xf32> -> vector<1024x32xf32>
    %get3A_498 = arith.constant 0 : index
    %get3A_499 = arith.constant 0 : index
    %get3A_500 = vector.load %arg7[%get3A_498, %get3A_499] : memref<1x32xf32, #tpu.memory_space<vmem>>, vector<1x32xf32>
    %add3A_501 = vector.broadcast %get3A_500 : vector<1x32xf32> to vector<1024x32xf32>
    %add3A_502 = arith.addf %dot_general3A_497, %add3A_501 : vector<1024x32xf32>
    %tanh3A = math.tanh %add3A_502 : vector<1024x32xf32>
    %mul3A_503 = arith.mulf %get3A_1, %tanh3A : vector<1024x32xf32>
    %reduce_sum3A_504 = arith.constant dense<0.000000e+00> : vector<1024xf32>
    %reduce_sum3A_505 = vector.multi_reduction <add>, %mul3A_503, %reduce_sum3A_504 [1] : vector<1024x32xf32> to vector<1024xf32>
    %broadcast_in_dim3A_506 = vector.shape_cast %reduce_sum3A_505 : vector<1024xf32> to vector<1024x1xf32>
    %logistic3A = arith.negf %broadcast_in_dim3A_506 : vector<1024x1xf32>
    %logistic3A_507 = math.exp %logistic3A : vector<1024x1xf32>
    %logistic3A_508 = arith.constant 1.000000e+00 : f32
    %logistic3A_509 = vector.broadcast %logistic3A_508 : f32 to vector<1024x1xf32>
    %logistic3A_510 = arith.addf %logistic3A_509, %logistic3A_507 : vector<1024x1xf32>
    %logistic3A_511 = arith.divf %logistic3A_509, %logistic3A_510 : vector<1024x1xf32>
    %swap3A = arith.constant 0 : index
    %swap3A_512 = arith.constant 0 : index
    %swap3A_513 = vector.load %arg10[%swap3A, %swap3A_512] : memref<1024x1xf32, #tpu.memory_space<vmem>>, vector<1024x1xf32>
    tpu.vector_store %arg10[%swap3A, %swap3A_512], %logistic3A_511 {strides = array<i32>} : memref<1024x1xf32, #tpu.memory_space<vmem>>, vector<1024x1xf32>,
    return
  }
  func.func @transform_0(%arg0: i32) -> (i32, i32) {
    %c0_i32 = arith.constant 0 : i32
    %c0_i32_0 = arith.constant 0 : i32
    return %arg0, %c0_i32 : i32, i32
  }
  func.func @transform_1(%arg0: i32) -> (i32, i32) {
    %c0_i32 = arith.constant 0 : i32
    %c0_i32_0 = arith.constant 0 : i32
    return %arg0, %c0_i32 : i32, i32
  }
  func.func @transform_2(%arg0: i32) -> (i32, i32) {
    %c0_i32 = arith.constant 0 : i32
    %c0_i32_0 = arith.constant 0 : i32
    return %arg0, %c0_i32 : i32, i32
  }
  func.func @transform_3(%arg0: i32) -> (i32, i32, i32) {
    %c0_i32 = arith.constant 0 : i32
    %c0_i32_0 = arith.constant 0 : i32
    %c0_i32_1 = arith.constant 0 : i32
    return %arg0, %c0_i32, %c0_i32_0 : i32, i32, i32
  }
  func.func @transform_4(%arg0: i32) -> (i32, i32) {
    %c0_i32 = arith.constant 0 : i32
    %c0_i32_0 = arith.constant 0 : i32
    %c0_i32_1 = arith.constant 0 : i32
    return %c0_i32, %c0_i32_0 : i32, i32
  }
  func.func @transform_5(%arg0: i32) -> (i32, i32) {
    %c0_i32 = arith.constant 0 : i32
    %c0_i32_0 = arith.constant 0 : i32
    %c0_i32_1 = arith.constant 0 : i32
    return %c0_i32, %c0_i32_0 : i32, i32
  }
  func.func @transform_6(%arg0: i32) -> (i32, i32) {
    %c0_i32 = arith.constant 0 : i32
    %c0_i32_0 = arith.constant 0 : i32
    %c0_i32_1 = arith.constant 0 : i32
    return %c0_i32, %c0_i32_0 : i32, i32
  }
  func.func @transform_7(%arg0: i32) -> (i32, i32) {
    %c0_i32 = arith.constant 0 : i32
    %c0_i32_0 = arith.constant 0 : i32
    %c0_i32_1 = arith.constant 0 : i32
    return %c0_i32, %c0_i32_0 : i32, i32
  }
  func.func @transform_8(%arg0: i32) -> (i32, i32) {
    %c0_i32 = arith.constant 0 : i32
    %c0_i32_0 = arith.constant 0 : i32
    %c0_i32_1 = arith.constant 0 : i32
    return %c0_i32, %c0_i32_0 : i32, i32
  }
  func.func @transform_9(%arg0: i32) -> (i32, i32) {
    %c0_i32 = arith.constant 0 : i32
    %c0_i32_0 = arith.constant 0 : i32
    return %arg0, %c0_i32 : i32, i32
  }
}

</mosaic_0001>

<sc_bundles>
// kernel: gather_offload_async_start.1
scs
__scs_entry_jumppad:
0x0: {  	(pc) =	sbr.rel $0x88, $3  }
0x1: {  	(tag) =	ssettag $0x0;
	lr =	simm.s32 $0x1  }
0x2: {  	[smem:$0x3F96] =	sst lr;
	_ =	strace $0xD0000000  }
0x3: {  	_ = 	snop  }
0x4: {  	_ = 	snop  }
0x5: {  	_ = 	snop  }
0x6: {  	_ = 	snop  }
0x7: {  	_ = 	snop  }
__scs_overlays_trampoline_lowered:
0x8: {  	[smem:$0x3FA5] =	sst s0  }
0x9: {  	[smem:$0x3FA6] =	sst s1  }
0xa: {  	[smem:$0x3FA7] =	sst s2  }
0xb: {  	[smem:$0x3FA8] =	sst s3  }
0xc: {  	[smem:$0x3FA9] =	sst s4  }
0xd: {  	[smem:$0x3FAA] =	sst s5  }
0xe: {  	[smem:$0x3FAB] =	sst s6  }
0xf: {  	[smem:$0x3FAC] =	sst s7  }
0x10: {  	[smem:$0x3FAD] =	sst s8  }
0x11: {  	[smem:$0x3FAE] =	sst s9;
	s0 =	simm.s32 @!p0 $0x0  }
0x12: {  	s1 =	sld [smem:$0x3F94];
	s0 =	simm.s32 @p0 $0x1  }
0x13: {  	[smem:$0x3FAF] =	sst s0;
	s0 =	simm.s32 @!p1 $0x0  }
0x14: {  	s2 =	sld [smem:$0x3F93];
	s0 =	simm.s32 @p1 $0x1  }
0x15: {  	[smem:$0x3FB0] =	sst s0;
	s0 =	simm.s32 @!p2 $0x0  }
0x16: {  	s3 =	sld [smem:$0x3FDB];
	s0 =	simm.s32 @p2 $0x1  }
0x17: {  	s4 =	simm.s32 $0x1BF5;
	[smem:$0x3FB2] =	sst s0  }
0x18: {  	s0 =	sld [smem:$0x3F95];
	_ =	swait.ge [sflag:s4], $0x0  }
0x19: {  	s7 =	sld [smem:$0x3F96]  }
0x1a: {  	s8 =	sadd.s32 $0xFFFFE003, lr  }
0x1b: {  	s9 =	sadd.s32 $0xFFFFFEF7, lr;
	s5 =	simm.s32 $0xFFFFFFFF;
	p2 =	slt.u32 s8, $0xFFFFF086  }
0x1c: {  	p1 =	slt.u32 s9, $0xF7A;
	s5 =	simm.s32 @!p2 $0x0  }
0x1d: {  	s5 =	simm.s32 @p1 $0x1;
	p0 =	seq.s32 s7, s2  }
0x1e: {  	s7 =	smul.u32 @!p0 $0xF7A, s2;
	p2 =	seq.s32 @!p0 s5, $0x0  }
0x1f: {  	s9 =	smul.u32 $0xF7A, s1;
	s8 =	simm.s32 @!p0 $0x1BF5;
	p2 =	por !p2, p0  }
0x20: {  	[sflag:s8] =	ssyncset.s32 @!p0 $0xFFFFF086;
	s6 =	sadd.s32 @!p0 s3, s7;
	s7 =	simm.s32 @!p0 $0x108  }
0x21: {  	s3 =	sadd.s32 s3, s9;
	s6 =	sadd.s32 @!p0 $0x88, s6;
	s7 =	simm.s32 @p2 $0x1082  }
0x22: {  	[simem:s7], [sflag:s8] =	dma.local @!p0 [hbm:s6], $0xF7A  }
0x23: {  	s9 =	sor.u32 $0xD0000000, s2;
	s6 =	simm.s32 $0x108;
	_ =	swait.ge @!p0 [sflag:s8], $0x0  }
0x24: {  	s3 =	sadd.s32 $0x88, s3;
	s6 =	simm.s32 @!p1 $0x1082;
	[sflag:s4] =	ssyncset.s32 $0xFFFFF086  }
0x25: {  	[simem:s6], [sflag:s4] =	dma.local [hbm:s3], $0xF7A  }
0x26: {  	[smem:$0x3F96] =	sst s1;
	(tag) =	ssettag s2;
	_ =	strace s9  }
0x27: {  	s1 =	sld [smem:$0x3FA6]  }
0x28: {  	s2 =	sld [smem:$0x3FA7]  }
0x29: {  	s4 =	sld [smem:$0x3FA9]  }
0x2a: {  	p0 =	seq.s32 s5, $0x0;
	s5 =	sld [smem:$0x3FAA]  }
0x2b: {  	s6 =	sld [smem:$0x3FAB]  }
0x2c: {  	s7 =	sld [smem:$0x3FAC]  }
0x2d: {  	s3 =	simm.s32 $0x108;
	s8 =	sld [smem:$0x3FAD]  }
0x2e: {  	s3 =	simm.s32 @!p0 $0x1082;
	s9 =	sld [smem:$0x3FAE]  }
0x2f: {  	lr =	sadd.s32 s0, s3;
	s0 =	sld [smem:$0x3FA5]  }
0x30: {  	s3 =	sld [smem:$0x3FA8]  }
0x31: {  	[smem:$0x3FB1] =	sst s10  }
0x32: {  	s10 =	sld [smem:$0x3FAF];
	_ =	sdelay $0x3  }
0x33: {  	p0 =	seq.s32 s10, $0x1;
	s10 =	sld [smem:$0x3FB1];
	_ =	sdelay $0x3  }
0x34: {  	[smem:$0x3FB1] =	sst s10  }
0x35: {  	s10 =	sld [smem:$0x3FB0];
	_ =	sdelay $0x3  }
0x36: {  	p1 =	seq.s32 s10, $0x1;
	s10 =	sld [smem:$0x3FB1];
	_ =	sdelay $0x3  }
0x37: {  	[smem:$0x3FB1] =	sst s10  }
0x38: {  	s10 =	sld [smem:$0x3FB2]  }
0x39: {  	_ = 	snop;
	(pc) =	sbr.ind lr, $3  }
0x3a: {  	_ = 	snop  }
0x3b: {  	_ = 	snop  }
0x3c: {  	p2 =	seq.s32 s10, $0x1;
	s10 =	sld [smem:$0x3FB1]  }
0x3d: {  	_ =	shalt  }
0x3e: {  	_ =	shalt  }
0x3f: {  	_ =	shalt  }
0x40: {  	_ =	shalt  }
0x41: {  	_ =	shalt  }
0x42: {  	_ =	shalt  }
0x43: {  	_ =	shalt  }
0x44: {  	_ =	shalt  }
0x45: {  	_ =	shalt  }
0x46: {  	_ =	shalt  }
0x47: {  	_ =	shalt  }
0x48: {  	_ =	shalt  }
0x49: {  	_ =	shalt  }
0x4a: {  	_ =	shalt  }
0x4b: {  	_ =	shalt  }
0x4c: {  	_ =	shalt  }
0x4d: {  	_ =	shalt  }
0x4e: {  	_ =	shalt  }
0x4f: {  	_ =	shalt  }
0x50: {  	_ =	shalt  }
0x51: {  	_ =	shalt  }
0x52: {  	_ =	shalt  }
0x53: {  	_ =	shalt  }
0x54: {  	_ =	shalt  }
0x55: {  	_ =	shalt  }
0x56: {  	_ =	shalt  }
0x57: {  	_ =	shalt  }
0x58: {  	_ =	shalt  }
0x59: {  	_ =	shalt  }
0x5a: {  	_ =	shalt  }
0x5b: {  	_ =	shalt  }
0x5c: {  	_ =	shalt  }
0x5d: {  	_ =	shalt  }
0x5e: {  	_ =	shalt  }
0x5f: {  	_ =	shalt  }
0x60: {  	_ =	shalt  }
0x61: {  	_ =	shalt  }
0x62: {  	_ =	shalt  }
0x63: {  	_ =	shalt  }
0x64: {  	_ =	shalt  }
0x65: {  	_ =	shalt  }
0x66: {  	_ =	shalt  }
0x67: {  	_ =	shalt  }
0x68: {  	_ =	shalt  }
0x69: {  	_ =	shalt  }
0x6a: {  	_ =	shalt  }
0x6b: {  	_ =	shalt  }
0x6c: {  	_ =	shalt  }
0x6d: {  	_ =	shalt  }
0x6e: {  	_ =	shalt  }
0x6f: {  	_ =	shalt  }
0x70: {  	_ =	shalt  }
0x71: {  	_ =	shalt  }
0x72: {  	_ =	shalt  }
0x73: {  	_ =	shalt  }
0x74: {  	_ =	shalt  }
0x75: {  	_ =	shalt  }
0x76: {  	_ =	shalt  }
0x77: {  	_ =	shalt  }
0x78: {  	_ =	shalt  }
0x79: {  	_ =	shalt  }
0x7a: {  	_ =	shalt  }
0x7b: {  	_ =	shalt  }
0x7c: {  	_ =	shalt  }
0x7d: {  	_ =	shalt  }
0x7e: {  	_ =	shalt  }
0x7f: {  	_ =	shalt  }
0x80: {  	_ =	shalt  }
0x81: {  	_ =	shalt  }
0x82: {  	_ =	shalt  }
0x83: {  	_ =	shalt  }
0x84: {  	_ =	shalt  }
0x85: {  	_ =	shalt  }
0x86: {  	_ =	shalt  }
0x87: {  	_ =	shalt  }
.Lfunc_end0:
.L_simem_size_0:
called_computation.2_lowered:
.L_overlay_start_0:
0x88: {  	s2 =	sld [smem:$0x3FD9]  }
0x89: {  	s3 =	sld [smem:$0x3FFE];
	_ =	sdelay $0x1  }
0x8a: {  	s1 =	srdreg.scid  }
0x8b: {  	s0 =	sand.u32 $0x1, s1  }
0x8c: {  	s17 =	sshll.u32 s0, $0xA;
	s2 =	sadd.s32 s3, s2  }
0x8d: {  	s2 =	sadd.s32 s2, s17  }
0x8e: {  	[smem:$0x3FBD] =	sst s2  }
0x8f: {  	_ = 	snop  }
0x90: {  	s18 =	sld [smem:$0x3FC5];
	(tm) =	ssettm $0x1  }
0x91: {  	s19 =	sld [smem:$0x3FFB];
	_ =	sdelay $0x3  }
0x92: {  	_ =	strace s19  }
0x93: {  	s2 =	sld [smem:$0x3FFC];
	_ =	sdelay $0x3  }
0x94: {  	_ =	strace s2  }
0x95: {  	s2 =	sld [smem:$0x3FFD];
	_ =	sdelay $0x3  }
0x96: {  	_ =	strace s2  }
0x97: {  	_ =	strace $0x8FFFFFFF  }
0x98: {  	s20 =	sld [smem:$0x3FDB];
	_ =	sdelay $0x1  }
0x99: {  	s4 =	simm.s32 $_scs_section_size  }
0x9a: {  	s5 =	simm.s32 $_size__tile_overlayer_lowered;
	s6 =	simm.s32 $_tile_overlayer_lowered  }
0x9b: {  	s7 =	simm.s32 $0x1BFF;
	s21 =	sshll.u32 s6, $0x1;
	s4 =	sadd.s32 s4, s20  }
0x9c: {  	s22 =	simm.s32 $0x0;
	s5 =	sshll.u32 s5, $0x1;
	s6 =	sadd.s32 s21, s4  }
0x9d: {  	[timem:s22], [sflag:s7] =	dma.local [hbm:s6], s5  }
0x9e: {  	_ =	swait.ge [sflag:s7], s5  }
0x9f: {  	s5 =	ssub.s32 $0x0, s5;
	[sflag:s7] =	ssyncset.done $0x0  }
0xa0: {  	[sflag:s7] =	ssyncadd.s32 s5;
	_ =	sdelay $0x1  }
0xa1: {  	s23 =	simm.s32 $0x1B8B  }
0xa2: {  	_ =	swait.ge [sflag:s23], $0x1  }
0xa3: {  	[sflag:s23] =	ssyncset.done $0x0  }
0xa4: {  	[sflag:s23] =	ssyncadd.s32 $0xFFFFFFFF  }
0xa5: {  	s5 =	sld [smem:$0x0]  }
0xa6: {  	s6 =	sand.u32 $0xFFFFFFFE, s1  }
0xa7: {  	p0 =	sne.s32 s1, s6  }
0xa8: {  	s6 =	sshll.u32 @p0 s6, $0xE  }
0xa9: {  	s6 =	sadd.s32 @p0 $0x11B8D, s6;
	s7 =	sshll.u32 @p0 s5, $0x11  }
0xaa: {  	s6 =	sor.u32 @p0 s7, s6  }
0xab: {  	[sflag:s6] =	ssyncadd.remote.s32 @p0 $0x1;
	_ =	sdelay $0x1  }
0xac: {  	s6 =	simm.s32 @p0 $0x1B8D  }
0xad: {  	_ =	swait.eq @p0 [sflag:s6], $0x1  }
0xae: {  	[sflag:s6] =	ssyncadd.s32 @p0 $0xFFFFFFFF  }
0xaf: {  	s7 =	sshll.u32 @!p0 s1, $0xE  }
0xb0: {  	s7 =	sor.u32 @!p0 $0x4000, s7;
	s6 =	simm.s32 @!p0 $0x1B8D  }
0xb1: {  	s5 =	sshll.u32 @!p0 s5, $0x11;
	s7 =	sadd.s32 @!p0 $0x11B8D, s7;
	_ =	swait.eq @!p0 [sflag:s6], $0x1  }
0xb2: {  	s5 =	sor.u32 @!p0 s5, s7;
	[sflag:s6] =	ssyncadd.s32 @!p0 $0xFFFFFFFF  }
0xb3: {  	s25 =	simm.s32 $0x1B8E;
	s24 =	sld [smem:$0x3FFE];
	[sflag:s5] =	ssyncadd.remote.s32 @!p0 $0x1  }
0xb4: {  	s26 =	simm.s32 $execute0_lowered;
	[smem:$0x3FD2] =	sst s25  }
0xb5: {  	s6 =	sshll.u32 s26, $0x1;
	_ =	strace $0x80000055;
	[dreg:$0x1] =	wrdreg $0xFFFFFFFF  }
0xb6: {  	s28 =	simm.s32 $_size_execute0_lowered;
	s4 =	sadd.s32 s4, s6;
	[dreg:$0x0] =	wrdreg $0x0  }
0xb7: {  	s6 =	sshll.u32 s28, $0x1;
	[dreg:$0x2] =	wrdreg s4  }
0xb8: {  	[dreg:$0x3] =	wrdreg s6  }
0xb9: {  	[dreg:$0x4] =	wrdreg $0xC0  }
0xba: {  	_ =	task [dreg:s22], $0x5FFFF  }
0xbb: {  	[dreg:$0x1] =	wrdreg $0xFFFFFFFF  }
0xbc: {  	[dreg:$0x0] =	wrdreg $0x60  }
0xbd: {  	[dreg:$0x2] =	wrdreg s18  }
0xbe: {  	[dreg:$0x3] =	wrdreg s24  }
0xbf: {  	[dreg:$0x4] =	wrdreg $0xA  }
0xc0: {  	_ =	task.clear_ibuf [dreg:s22], $0x5FFFF;
	_ =	strace $0x90000055  }
0xc1: {  	s29 =	simm.s32 $0xA;
	_ =	strace $0x80000057  }
0xc2: {  	_ =	swait.ge [sflag:s29], $0x1  }
0xc3: {  	[sflag:s29] =	ssyncadd.s32 $0xFFFFFFFF  }
0xc4: {  	_ =	strace $0x90000057  }
0xc5: {  	_ =	sfence  }
0xc6: {  	s30 =	sld [smem:$0x0];
	_ =	sdelay $0x2  }
0xc7: {  	s31 =	sshll.u32 s1, $0xD;
	s1 =	sshrl.u32 s1, $0x2  }
0xc8: {  	s4 =	sand.u32 $0x4000, s31;
	s1 =	sadd.s32 s1, s30  }
0xc9: {  	s0 =	sor.u32 s4, s0;
	s1 =	sshll.u32 s1, $0x11  }
0xca: {  	s0 =	sor.u32 s1, s0  }
0xcb: {  	s0 =	sadd.s32 $0x8F2B, s0  }
0xcc: {  	[sflag:s0] =	ssyncadd.remote.s32 $0x1  }
0xcd: {  	_ =	sfence.sel $0xFFFF  }
0xce: {  	[dreg:$0x0] =	wrdreg $0xFFFFFFFF;
	(pc) =	sbr.abs _section_cstart, $3  }
0xcf: {  	[dreg:$0x1] =	wrdreg $0xFFFFFFFF  }
0xd0: {  	_ =	task.clear_ibuf [dreg:s22], $0x2FFFF;
	_ =	strace $0x9FFFFFFF  }
0xd1: {  	(tm) =	ssettm $0x7FFFFFFF  }
tec
execute0_lowered:
.L_overlay_start_1:
0x0: {  	(tag) =	ssettag $0x1  }
0x1: {  	s2 =	rddreg [dreg:$0x0]  }
0x2: {  	s11 =	rddreg [dreg:$0x1];
	s3 =	srdreg.scid  }
0x3: {  	s0 =	rddreg [dreg:$0x2];
	s1 =	stileid.u32  }
0x4: {  	_ =	strace $0x80000056;
	s4 =	simm.s32 $0x1;
	s10 =	simm.s32 $0x3  }
0x5: {  	s13 =	simm.s32 $0x0;
	s16 =	simm.s32 $0x0;
	s3 =	sshll.u32 s3, $0xA  }
0x6: {  	s15 =	simm.s32 $0x0;
	s5 =	sshll.u32 s1, $0xB;
	s6 =	sand.u32 $0x400, s3  }
0x7: {  	[sflag:s4] =	ssyncpa.u1 $0x0;
	s7 =	sadd.s32 $0x130A00, s11;
	s5 =	sor.u32 s5, s6  }
0x8: {  	s3 =	sadd.s32 $0x6A00, s11;
	s6 =	simm.s32 $0x2;
	s8 =	ssub.s32 $0x40000, s5  }
.Ltmp0:
0x9: {  	[sflag:s6] =	ssyncpa.u1 $0x0;
	s9 =	sand.u32 $0x7C00, s8;
	(pc) =	sbr.rel .LBB2_1-.Ltmp0, $4  }
0xa: {  	s14 =	smov.u32 s5;
	p0 =	sne.s32 s9, $0x0;
	s9 =	simm.s32 $0x1  }
0xb: {  	[sflag:s10] =	ssyncpa.u1 $0x0;
	s8 =	sshrl.u32 s8, $0xF;
	s9 =	simm.s32 @!p0 $0x0  }
0xc: {  	s10 =	sadd.s32 $0x1B0A00, s11;
	p0 =	por $0x0, $0x0;
	s8 =	sadd.s32 s9, s8  }
0xd: {  	vm0 =	vmmov $0xffff;
	v0 =	vlaneseq.u32;
	s9 =	sadd.s32 $0x170A00, s11;
	s11 =	sadd.s32 $0x1F0A00, s11;
	s12 =	sadd.s32 $0x1, s8  }
.LBB2_4:
0xe: {  	_ =	sdelay $0x3  }
0xf: {  	[tilespmem:s23], [sflag:$0x1] =	stream.indirect_vreg.gather [hbm4b:s2+s13], $0x1, v1, vm0, $0x4038;
	[tilespmem:$0x10800] =	vst v63  }
0x10: {  	s19 =	sshll.u32 s16, $0x3  }
0x11: {  	s24 =	sand.u32 $0x78, s16;
	s19 =	sand.u32 $0xFFFFFC00, s19  }
0x12: {  	_ =	swait.ge [sflag:s4], $0x8000;
	s16 =	sor.u32 s24, s19  }
0x13: {  	[sflag:s4] =	ssyncset.done $0x0;
	s16 =	sshrl.u32 s16, $0x3  }
0x14: {  	[sflag:s4] =	ssyncadd.s32 $0xFFFF8000;
	s25 =	sadd.s32 s7, s16  }
0x15: {  	[hbm:s25] =	stream.linear.scatter [tilespmem:s18], [sflag:$0x3], $0x2000, $0x38;
	[tilespmem:$0x10800] =	vst v63  }
0x16: {  	s26 =	sadd.s32 $0x2800, s17;
	s28 =	sadd.s32 s16, s9  }
0x17: {  	[hbm:s28] =	stream.linear.scatter [tilespmem:s26], [sflag:$0x3], $0x2000, $0x38;
	[tilespmem:$0x10800] =	vst v63  }
0x18: {  	s29 =	sadd.s32 $0x4800, s17;
	s30 =	sadd.s32 s16, s10  }
0x19: {  	[hbm:s30] =	stream.linear.scatter [tilespmem:s29], [sflag:$0x3], $0x2000, $0x38;
	[tilespmem:$0x10800] =	vst v63  }
0x1a: {  	s31 =	sadd.s32 $0x6800, s17;
	s16 =	sadd.s32 s16, s11  }
0x1b: {  	[hbm:s16] =	stream.linear.scatter [tilespmem:s31], [sflag:$0x3], $0x2000, $0x38;
	[tilespmem:$0x10800] =	vst v63  }
.LBB2_5:
0x1c: {  	s18 =	sadd.s32 $0x8000, s14  }
0x1d: {  	p2 =	sgt.s32 s18, $0x3FFFF  }
0x1e: {  	s18 =	smov.u32 @p2 s5;
	p2 =	sne.s32 s15, s12  }
.Ltmp1:
0x1f: {  	p1 =	slt.u32 s15, $0x2;
	(pc) =	sbr.rel @!p2 .LBB2_6-.Ltmp1, $4  }
0x20: {  	s17 =	simm.s32 @!p1 $0x3  }
0x21: {  	s19 =	sadd.s32 $0x1, s15;
	_ =	swait.ge @!p1 [sflag:s17], $0x8000  }
0x22: {  	s16 =	smov.u32 s14;
	p0 =	por !p0, !p0;
	[sflag:s17] =	ssyncset.done @!p1 $0x0  }
0x23: {  	s15 =	smov.u32 s19;
	s14 =	smov.u32 s18;
	[sflag:s17] =	ssyncadd.s32 @!p1 $0xFFFF8000  }
.LBB2_1:
0x24: {  	p1 =	sge.u32 s15, s8  }
0x25: {  	s17 =	sxor.u32 @!p1 $0xFFFFFFFF, s15  }
0x26: {  	s31 =	sadd.s32 $0xFFFFFFFF, s15;
	s18 =	sshrl.u32 @!p1 s14, $0x3;
	s17 =	sshll.u32 @!p1 s17, $0xA  }
0x27: {  	s19 =	sand.u32 @!p1 $0x7, s14;
	s18 =	sadd.s32 @!p1 s3, s18;
	s17 =	sand.u32 @!p1 $0x400, s17  }
0x28: {  	[tilespmem:s17], [sflag:$0x2] =	stream.linear.gather @!p1 [hbm4b:s18+s19], $0x400, $0x38;
	[tilespmem:$0x10800] =	vst v63  }
0x29: {  	p1 =	sge.u32 s31, s8  }
.Ltmp2:
0x2a: {  	_ = 	snop;
	(pc) =	sbr.rel @p1 .LBB2_5-.Ltmp2, $1  }
0x2b: {  	_ =	sdelay $0x3  }
0x2c: {  	s17 =	simm.s32 $0x1;
	_ =	swait.ge [sflag:s6], $0x400  }
0x2d: {  	s17 =	simm.s32 @!p0 $0x0;
	[sflag:s6] =	ssyncset.done $0x0  }
0x2e: {  	s20 =	sshll.u32 s17, $0xA;
	[sflag:s6] =	ssyncadd.s32 $0xFFFFFC00  }
0x2f: {  	v1 =	vld.msk [tilespmem:s20+$0x0 ss:$0x1], $0xffff;
	_ =	sdelay $0x2  }
0x30: {  	s21 =	ssub.s32 $0x40000, s16  }
0x31: {  	p1 =	slt.s32 s21, $0x400  }
0x32: {  	s21 =	simm.s32 @!p1 $0x400;
	vm1 =	vgt.s32 v1, $0x0  }
0x33: {  	p1 =	sgt.s32 s21, $0x0;
	s17 =	smov.u32 s21;
	v1 =	vnsel vm1, $0x0, v1  }
0x34: {  	s17 =	simm.s32 @!p1 $0x0;
	v1 =	vmin.u32 v1, $0xF423F  }
0x35: {  	s17 =	smin.u32 s17, $0x10;
	v2 =	vshll.u32 v1, $0x3  }
0x36: {  	v3 =	vmov s17;
	v1 =	vand.u32 $0x7F, v1;
	v2 =	vand.u32 $0x7FFC00, v2  }
0x37: {  	vm1 =	vgt.u32 v3, v0;
	v1 =	vor.u32 v1, v2  }
0x38: {  	s25 =	sshll.u32 s15, $0xF;
	v2 =	vnsel vm1, $0x7FFFFFFF, v1  }
0x39: {  	s19 =	simm.s32 $0x0;
	s17 =	sand.u32 $0x8000, s25  }
0x3a: {  	s22 =	sand.u32 $0x1C00, s19;
	s18 =	sor.u32 $0x800, s17;
	v3 =	vor.u32 $0x80, v1  }
0x3b: {  	s23 =	sand.u32 $0x70, s19;
	(ifvalue) =	ssetifvalue $0x7FFFFFFF;
	s22 =	sadd.s32 s22, s18;
	v3 =	vnsel vm1, $0x7FFFFFFF, v3  }
0x3c: {  	(ifvalue) =	ssetifvalue $0x7FFFFFFF;
	s22 =	sadd.s32 s23, s22  }
0x3d: {  	v4 =	vor.u32 $0x100, v1;
	[tilespmem:s22], [sflag:$0x1] =	stream.indirect_vreg.gather [hbm4b:s2+s13], $0x1, v2, vm0, $0x4038;
	[tilespmem:$0x10800] =	vst v63  }
0x3e: {  	(ifvalue) =	ssetifvalue $0x7FFFFFFF;
	v2 =	vnsel vm1, $0x7FFFFFFF, v4  }
0x3f: {  	s23 =	sadd.s32 $0x80, s22;
	(ifvalue) =	ssetifvalue $0x7FFFFFFF  }
0x40: {  	v36 =	vor.u32 $0x180, v1;
	[tilespmem:s23], [sflag:$0x1] =	stream.indirect_vreg.gather [hbm4b:s2+s13], $0x1, v3, vm0, $0x4038;
	[tilespmem:$0x10800] =	vst v63  }
0x41: {  	v3 =	vnsel vm1, $0x7FFFFFFF, v36;
	(ifvalue) =	ssetifvalue $0x7FFFFFFF  }
0x42: {  	s26 =	sadd.s32 $0x100, s22;
	(ifvalue) =	ssetifvalue $0x7FFFFFFF  }
0x43: {  	v37 =	vor.u32 $0x200, v1;
	[tilespmem:s26], [sflag:$0x1] =	stream.indirect_vreg.gather [hbm4b:s2+s13], $0x1, v2, vm0, $0x4038;
	[tilespmem:$0x10800] =	vst v63  }
0x44: {  	v2 =	vnsel vm1, $0x7FFFFFFF, v37;
	(ifvalue) =	ssetifvalue $0x7FFFFFFF  }
0x45: {  	s28 =	sadd.s32 $0x180, s22;
	(ifvalue) =	ssetifvalue $0x7FFFFFFF  }
0x46: {  	v38 =	vor.u32 $0x280, v1;
	[tilespmem:s28], [sflag:$0x1] =	stream.indirect_vreg.gather [hbm4b:s2+s13], $0x1, v3, vm0, $0x4038;
	[tilespmem:$0x10800] =	vst v63  }
0x47: {  	v3 =	vnsel vm1, $0x7FFFFFFF, v38;
	(ifvalue) =	ssetifvalue $0x7FFFFFFF  }
0x48: {  	s29 =	sadd.s32 $0x200, s22;
	(ifvalue) =	ssetifvalue $0x7FFFFFFF  }
0x49: {  	v39 =	vor.u32 $0x300, v1;
	[tilespmem:s29], [sflag:$0x1] =	stream.indirect_vreg.gather [hbm4b:s2+s13], $0x1, v2, vm0, $0x4038;
	[tilespmem:$0x10800] =	vst v63  }
0x4a: {  	v2 =	vnsel vm1, $0x7FFFFFFF, v39;
	(ifvalue) =	ssetifvalue $0x7FFFFFFF  }
0x4b: {  	s30 =	sadd.s32 $0x280, s22;
	(ifvalue) =	ssetifvalue $0x7FFFFFFF  }
0x4c: {  	v40 =	vor.u32 $0x380, v1;
	[tilespmem:s30], [sflag:$0x1] =	stream.indirect_vreg.gather [hbm4b:s2+s13], $0x1, v3, vm0, $0x4038;
	[tilespmem:$0x10800] =	vst v63  }
0x4d: {  	v3 =	vnsel vm1, $0x7FFFFFFF, v40;
	(ifvalue) =	ssetifvalue $0x7FFFFFFF  }
0x4e: {  	s19 =	sor.u32 s19, s19;
	s31 =	sadd.s32 $0x300, s22;
	(ifvalue) =	ssetifvalue $0x7FFFFFFF  }
0x4f: {  	v41 =	vadd.s32 $0x7A1400, v1;
	[tilespmem:s31], [sflag:$0x1] =	stream.indirect_vreg.gather [hbm4b:s2+s13], $0x1, v2, vm0, $0x4038;
	[tilespmem:$0x10800] =	vst v63  }
0x50: {  	s19 =	sor.u32 $0x380, s19;
	v2 =	vnsel vm1, $0x7FFFFFFF, v41;
	(ifvalue) =	ssetifvalue $0x7FFFFFFF  }
0x51: {  	s19 =	sadd.s32 s19, s18;
	(ifvalue) =	ssetifvalue $0x7FFFFFFF  }
0x52: {  	v42 =	vadd.s32 $0x7A1480, v1;
	[tilespmem:s19], [sflag:$0x1] =	stream.indirect_vreg.gather [hbm4b:s2+s13], $0x1, v3, vm0, $0x4038;
	[tilespmem:$0x10800] =	vst v63  }
0x53: {  	v3 =	vnsel vm1, $0x7FFFFFFF, v42;
	(ifvalue) =	ssetifvalue $0x7FFFFFFF  }
0x54: {  	s24 =	sadd.s32 $0x2000, s22;
	(ifvalue) =	ssetifvalue $0x7FFFFFFF  }
0x55: {  	v43 =	vadd.s32 $0x7A1500, v1;
	[tilespmem:s24], [sflag:$0x1] =	stream.indirect_vreg.gather [hbm4b:s2+s13], $0x1, v2, vm0, $0x4038;
	[tilespmem:$0x10800] =	vst v63  }
0x56: {  	v2 =	vnsel vm1, $0x7FFFFFFF, v43;
	(ifvalue) =	ssetifvalue $0x7FFFFFFF  }
0x57: {  	s25 =	sadd.s32 $0x2080, s22;
	(ifvalue) =	ssetifvalue $0x7FFFFFFF  }
0x58: {  	v44 =	vadd.s32 $0x7A1580, v1;
	[tilespmem:s25], [sflag:$0x1] =	stream.indirect_vreg.gather [hbm4b:s2+s13], $0x1, v3, vm0, $0x4038;
	[tilespmem:$0x10800] =	vst v63  }
0x59: {  	v3 =	vnsel vm1, $0x7FFFFFFF, v44;
	(ifvalue) =	ssetifvalue $0x7FFFFFFF  }
0x5a: {  	s26 =	sadd.s32 $0x2100, s22;
	(ifvalue) =	ssetifvalue $0x7FFFFFFF  }
0x5b: {  	v45 =	vadd.s32 $0x7A1600, v1;
	[tilespmem:s26], [sflag:$0x1] =	stream.indirect_vreg.gather [hbm4b:s2+s13], $0x1, v2, vm0, $0x4038;
	[tilespmem:$0x10800] =	vst v63  }
0x5c: {  	v2 =	vnsel vm1, $0x7FFFFFFF, v45;
	(ifvalue) =	ssetifvalue $0x7FFFFFFF  }
0x5d: {  	s28 =	sadd.s32 $0x2180, s22;
	(ifvalue) =	ssetifvalue $0x7FFFFFFF  }
0x5e: {  	v46 =	vadd.s32 $0x7A1680, v1;
	[tilespmem:s28], [sflag:$0x1] =	stream.indirect_vreg.gather [hbm4b:s2+s13], $0x1, v3, vm0, $0x4038;
	[tilespmem:$0x10800] =	vst v63  }
0x5f: {  	v3 =	vnsel vm1, $0x7FFFFFFF, v46;
	(ifvalue) =	ssetifvalue $0x7FFFFFFF  }
0x60: {  	s29 =	sadd.s32 $0x2200, s22;
	(ifvalue) =	ssetifvalue $0x7FFFFFFF  }
0x61: {  	v47 =	vadd.s32 $0x7A1700, v1;
	[tilespmem:s29], [sflag:$0x1] =	stream.indirect_vreg.gather [hbm4b:s2+s13], $0x1, v2, vm0, $0x4038;
	[tilespmem:$0x10800] =	vst v63  }
0x62: {  	v2 =	vnsel vm1, $0x7FFFFFFF, v47;
	(ifvalue) =	ssetifvalue $0x7FFFFFFF  }
0x63: {  	s30 =	sadd.s32 $0x2280, s22;
	(ifvalue) =	ssetifvalue $0x7FFFFFFF  }
0x64: {  	v48 =	vadd.s32 $0x7A1780, v1;
	[tilespmem:s30], [sflag:$0x1] =	stream.indirect_vreg.gather [hbm4b:s2+s13], $0x1, v3, vm0, $0x4038;
	[tilespmem:$0x10800] =	vst v63  }
0x65: {  	v3 =	vnsel vm1, $0x7FFFFFFF, v48;
	(ifvalue) =	ssetifvalue $0x7FFFFFFF  }
0x66: {  	s31 =	sadd.s32 $0x2300, s22;
	(ifvalue) =	ssetifvalue $0x7FFFFFFF  }
0x67: {  	v49 =	vadd.s32 $0xF42800, v1;
	[tilespmem:s31], [sflag:$0x1] =	stream.indirect_vreg.gather [hbm4b:s2+s13], $0x1, v2, vm0, $0x4038;
	[tilespmem:$0x10800] =	vst v63  }
0x68: {  	v2 =	vnsel vm1, $0x7FFFFFFF, v49;
	(ifvalue) =	ssetifvalue $0x7FFFFFFF  }
0x69: {  	s23 =	sadd.s32 $0x2380, s22;
	(ifvalue) =	ssetifvalue $0x7FFFFFFF  }
0x6a: {  	v50 =	vadd.s32 $0xF42880, v1;
	[tilespmem:s23], [sflag:$0x1] =	stream.indirect_vreg.gather [hbm4b:s2+s13], $0x1, v3, vm0, $0x4038;
	[tilespmem:$0x10800] =	vst v63  }
0x6b: {  	v3 =	vnsel vm1, $0x7FFFFFFF, v50;
	(ifvalue) =	ssetifvalue $0x7FFFFFFF  }
0x6c: {  	s24 =	sadd.s32 $0x4000, s22;
	(ifvalue) =	ssetifvalue $0x7FFFFFFF  }
0x6d: {  	v51 =	vadd.s32 $0xF42900, v1;
	[tilespmem:s24], [sflag:$0x1] =	stream.indirect_vreg.gather [hbm4b:s2+s13], $0x1, v2, vm0, $0x4038;
	[tilespmem:$0x10800] =	vst v63  }
0x6e: {  	v2 =	vnsel vm1, $0x7FFFFFFF, v51;
	(ifvalue) =	ssetifvalue $0x7FFFFFFF  }
0x6f: {  	s25 =	sadd.s32 $0x4080, s22;
	(ifvalue) =	ssetifvalue $0x7FFFFFFF  }
0x70: {  	v52 =	vadd.s32 $0xF42980, v1;
	[tilespmem:s25], [sflag:$0x1] =	stream.indirect_vreg.gather [hbm4b:s2+s13], $0x1, v3, vm0, $0x4038;
	[tilespmem:$0x10800] =	vst v63  }
0x71: {  	v3 =	vnsel vm1, $0x7FFFFFFF, v52;
	(ifvalue) =	ssetifvalue $0x7FFFFFFF  }
0x72: {  	s26 =	sadd.s32 $0x4100, s22;
	(ifvalue) =	ssetifvalue $0x7FFFFFFF  }
0x73: {  	v53 =	vadd.s32 $0xF42A00, v1;
	[tilespmem:s26], [sflag:$0x1] =	stream.indirect_vreg.gather [hbm4b:s2+s13], $0x1, v2, vm0, $0x4038;
	[tilespmem:$0x10800] =	vst v63  }
0x74: {  	v2 =	vnsel vm1, $0x7FFFFFFF, v53;
	(ifvalue) =	ssetifvalue $0x7FFFFFFF  }
0x75: {  	s28 =	sadd.s32 $0x4180, s22;
	(ifvalue) =	ssetifvalue $0x7FFFFFFF  }
0x76: {  	v54 =	vadd.s32 $0xF42A80, v1;
	[tilespmem:s28], [sflag:$0x1] =	stream.indirect_vreg.gather [hbm4b:s2+s13], $0x1, v3, vm0, $0x4038;
	[tilespmem:$0x10800] =	vst v63  }
0x77: {  	v3 =	vnsel vm1, $0x7FFFFFFF, v54;
	(ifvalue) =	ssetifvalue $0x7FFFFFFF  }
0x78: {  	s29 =	sadd.s32 $0x4200, s22;
	(ifvalue) =	ssetifvalue $0x7FFFFFFF  }
0x79: {  	v55 =	vadd.s32 $0xF42B00, v1;
	[tilespmem:s29], [sflag:$0x1] =	stream.indirect_vreg.gather [hbm4b:s2+s13], $0x1, v2, vm0, $0x4038;
	[tilespmem:$0x10800] =	vst v63  }
0x7a: {  	v2 =	vnsel vm1, $0x7FFFFFFF, v55;
	(ifvalue) =	ssetifvalue $0x7FFFFFFF  }
0x7b: {  	s30 =	sadd.s32 $0x4280, s22;
	(ifvalue) =	ssetifvalue $0x7FFFFFFF  }
0x7c: {  	v56 =	vadd.s32 $0xF42B80, v1;
	[tilespmem:s30], [sflag:$0x1] =	stream.indirect_vreg.gather [hbm4b:s2+s13], $0x1, v3, vm0, $0x4038;
	[tilespmem:$0x10800] =	vst v63  }
0x7d: {  	v3 =	vnsel vm1, $0x7FFFFFFF, v56;
	(ifvalue) =	ssetifvalue $0x7FFFFFFF  }
0x7e: {  	s31 =	sadd.s32 $0x4300, s22;
	(ifvalue) =	ssetifvalue $0x7FFFFFFF  }
0x7f: {  	v57 =	vadd.s32 $0x16E3C00, v1;
	[tilespmem:s31], [sflag:$0x1] =	stream.indirect_vreg.gather [hbm4b:s2+s13], $0x1, v2, vm0, $0x4038;
	[tilespmem:$0x10800] =	vst v63  }
0x80: {  	v2 =	vnsel vm1, $0x7FFFFFFF, v57;
	(ifvalue) =	ssetifvalue $0x7FFFFFFF  }
0x81: {  	s23 =	sadd.s32 $0x4380, s22;
	(ifvalue) =	ssetifvalue $0x7FFFFFFF  }
0x82: {  	v58 =	vadd.s32 $0x16E3C80, v1;
	[tilespmem:s23], [sflag:$0x1] =	stream.indirect_vreg.gather [hbm4b:s2+s13], $0x1, v3, vm0, $0x4038;
	[tilespmem:$0x10800] =	vst v63  }
0x83: {  	v3 =	vnsel vm1, $0x7FFFFFFF, v58;
	(ifvalue) =	ssetifvalue $0x7FFFFFFF  }
0x84: {  	s24 =	sadd.s32 $0x6000, s22;
	(ifvalue) =	ssetifvalue $0x7FFFFFFF  }
0x85: {  	v59 =	vadd.s32 $0x16E3D00, v1;
	[tilespmem:s24], [sflag:$0x1] =	stream.indirect_vreg.gather [hbm4b:s2+s13], $0x1, v2, vm0, $0x4038;
	[tilespmem:$0x10800] =	vst v63  }
0x86: {  	v2 =	vnsel vm1, $0x7FFFFFFF, v59;
	(ifvalue) =	ssetifvalue $0x7FFFFFFF  }
0x87: {  	s25 =	sadd.s32 $0x6080, s22;
	(ifvalue) =	ssetifvalue $0x7FFFFFFF  }
0x88: {  	v60 =	vadd.s32 $0x16E3D80, v1;
	[tilespmem:s25], [sflag:$0x1] =	stream.indirect_vreg.gather [hbm4b:s2+s13], $0x1, v3, vm0, $0x4038;
	[tilespmem:$0x10800] =	vst v63  }
0x89: {  	v3 =	vnsel vm1, $0x7FFFFFFF, v60;
	(ifvalue) =	ssetifvalue $0x7FFFFFFF  }
0x8a: {  	s26 =	sadd.s32 $0x6100, s22;
	(ifvalue) =	ssetifvalue $0x7FFFFFFF  }
0x8b: {  	v61 =	vadd.s32 $0x16E3E00, v1;
	[tilespmem:s26], [sflag:$0x1] =	stream.indirect_vreg.gather [hbm4b:s2+s13], $0x1, v2, vm0, $0x4038;
	[tilespmem:$0x10800] =	vst v63  }
0x8c: {  	v2 =	vnsel vm1, $0x7FFFFFFF, v61;
	(ifvalue) =	ssetifvalue $0x7FFFFFFF  }
0x8d: {  	s28 =	sadd.s32 $0x6180, s22;
	(ifvalue) =	ssetifvalue $0x7FFFFFFF  }
0x8e: {  	v62 =	vadd.s32 $0x16E3E80, v1;
	[tilespmem:s28], [sflag:$0x1] =	stream.indirect_vreg.gather [hbm4b:s2+s13], $0x1, v3, vm0, $0x4038;
	[tilespmem:$0x10800] =	vst v63  }
0x8f: {  	v3 =	vnsel vm1, $0x7FFFFFFF, v62;
	(ifvalue) =	ssetifvalue $0x7FFFFFFF  }
0x90: {  	s29 =	sadd.s32 $0x6200, s22;
	(ifvalue) =	ssetifvalue $0x7FFFFFFF  }
0x91: {  	v63 =	vadd.s32 $0x16E3F00, v1;
	[tilespmem:s29], [sflag:$0x1] =	stream.indirect_vreg.gather [hbm4b:s2+s13], $0x1, v2, vm0, $0x4038;
	[tilespmem:$0x10800] =	vst v63  }
0x92: {  	v2 =	vnsel vm1, $0x7FFFFFFF, v63;
	(ifvalue) =	ssetifvalue $0x7FFFFFFF  }
0x93: {  	s30 =	sadd.s32 $0x6280, s22;
	(ifvalue) =	ssetifvalue $0x7FFFFFFF  }
0x94: {  	v1 =	vadd.s32 $0x16E3F80, v1;
	[tilespmem:s30], [sflag:$0x1] =	stream.indirect_vreg.gather [hbm4b:s2+s13], $0x1, v3, vm0, $0x4038;
	[tilespmem:$0x10800] =	vst v63  }
0x95: {  	v1 =	vnsel vm1, $0x7FFFFFFF, v1;
	(ifvalue) =	ssetifvalue $0x7FFFFFFF  }
0x96: {  	s20 =	sadd.s32 $0x10, s20;
	s31 =	sadd.s32 $0x6300, s22;
	(ifvalue) =	ssetifvalue $0x7FFFFFFF  }
0x97: {  	[tilespmem:s31], [sflag:$0x1] =	stream.indirect_vreg.gather [hbm4b:s2+s13], $0x1, v2, vm0, $0x4038;
	[tilespmem:$0x10800] =	vst v63  }
0x98: {  	s21 =	sadd.s32 $0xFFFFFFF0, s21;
	s19 =	simm.s32 $0x80;
	(ifvalue) =	ssetifvalue $0x7FFFFFFF  }
0x99: {  	s23 =	sadd.s32 $0x6380, s22;
	s22 =	simm.s32 $0x10;
	(ifvalue) =	ssetifvalue $0x7FFFFFFF  }
.LBB2_3:
0x9a: {  	[tilespmem:s23], [sflag:$0x1] =	stream.indirect_vreg.gather [hbm4b:s2+s13], $0x1, v1, vm0, $0x4038;
	[tilespmem:$0x10800] =	vst v63  }
0x9b: {  	p1 =	sne.s32 s19, $0x1F80;
	s24 =	smov.u32 s19;
	s19 =	sadd.s32 $0x80, s19;
	v1 =	vld.msk [tilespmem:s20+$0x0 ss:$0x1], $0xffff  }
0x9c: {  	(ifvalue) =	ssetifvalue $0x7FFFFFFF;
	_ =	sdelay $0x3  }
0x9d: {  	vm1 =	vgt.s32 v1, $0x0  }
0x9e: {  	p2 =	sgt.s32 s21, $0x0;
	s23 =	smov.u32 s21;
	v1 =	vnsel vm1, $0x0, v1  }
0x9f: {  	s23 =	simm.s32 @!p2 $0x0;
	v1 =	vmin.u32 v1, $0xF423F  }
0xa0: {  	s23 =	smin.u32 s23, $0x10;
	v2 =	vshll.u32 v1, $0x3  }
0xa1: {  	v3 =	vmov s23;
	v1 =	vand.u32 $0x7F, v1;
	v2 =	vand.u32 $0x7FFC00, v2  }
0xa2: {  	vm1 =	vgt.u32 v3, v0;
	v1 =	vor.u32 v1, v2  }
0xa3: {  	v2 =	vnsel vm1, $0x7FFFFFFF, v1;
	v3 =	vor.u32 $0x80, v1  }
0xa4: {  	v4 =	vor.u32 $0x100, v1;
	v5 =	vor.u32 $0x180, v1;
	v6 =	vor.u32 $0x200, v1  }
0xa5: {  	v7 =	vor.u32 $0x280, v1;
	v8 =	vor.u32 $0x300, v1;
	v9 =	vor.u32 $0x380, v1  }
0xa6: {  	s23 =	sand.u32 $0x1C00, s24;
	v5 =	vnsel vm1, $0x7FFFFFFF, v5;
	v6 =	vnsel vm1, $0x7FFFFFFF, v6;
	v7 =	vnsel vm1, $0x7FFFFFFF, v7  }
0xa7: {  	s25 =	sand.u32 $0x70, s22;
	s23 =	sadd.s32 s23, s18;
	v3 =	vnsel vm1, $0x7FFFFFFF, v3;
	v16 =	vnsel vm1, $0x7FFFFFFF, v8;
	v8 =	vadd.s32 $0x7A1400, v1  }
0xa8: {  	s23 =	sadd.s32 s25, s23;
	v17 =	vnsel vm1, $0x7FFFFFFF, v9;
	v18 =	vnsel vm1, $0x7FFFFFFF, v8;
	(ifvalue) =	ssetifvalue $0x7FFFFFFF  }
0xa9: {  	v8 =	vadd.s32 $0x7A1500, v1;
	[tilespmem:s23], [sflag:$0x1] =	stream.indirect_vreg.gather [hbm4b:s2+s13], $0x1, v2, vm0, $0x4038;
	v2 =	vadd.s32 $0x7A1480, v1;
	[tilespmem:$0x10800] =	vst v63  }
0xaa: {  	v4 =	vnsel vm1, $0x7FFFFFFF, v4;
	v20 =	vnsel vm1, $0x7FFFFFFF, v8;
	(ifvalue) =	ssetifvalue $0x7FFFFFFF;
	v19 =	vnsel vm1, $0x7FFFFFFF, v2  }
0xab: {  	s25 =	sadd.s32 $0x80, s23;
	v8 =	vadd.s32 $0x7A1600, v1;
	v2 =	vadd.s32 $0x7A1580, v1;
	(ifvalue) =	ssetifvalue $0x7FFFFFFF  }
0xac: {  	v22 =	vnsel vm1, $0x7FFFFFFF, v8;
	v21 =	vnsel vm1, $0x7FFFFFFF, v2;
	v2 =	vadd.s32 $0x7A1680, v1;
	[tilespmem:s25], [sflag:$0x1] =	stream.indirect_vreg.gather [hbm4b:s2+s13], $0x1, v3, vm0, $0x4038;
	[tilespmem:$0x10800] =	vst v63  }
0xad: {  	v23 =	vnsel vm1, $0x7FFFFFFF, v2;
	v2 =	vadd.s32 $0x7A1700, v1;
	v3 =	vadd.s32 $0xF42880, v1  }
0xae: {  	(ifvalue) =	ssetifvalue $0x7FFFFFFF;
	v24 =	vnsel vm1, $0x7FFFFFFF, v2;
	v2 =	vadd.s32 $0x7A1780, v1;
	v15 =	vnsel vm1, $0x7FFFFFFF, v3  }
0xaf: {  	s25 =	sadd.s32 $0x100, s23;
	v3 =	vadd.s32 $0xF42A00, v1;
	(ifvalue) =	ssetifvalue $0x7FFFFFFF;
	v25 =	vnsel vm1, $0x7FFFFFFF, v2;
	v2 =	vadd.s32 $0xF42800, v1  }
0xb0: {  	v12 =	vnsel vm1, $0x7FFFFFFF, v3;
	v3 =	vadd.s32 $0x16E3C00, v1;
	[tilespmem:s25], [sflag:$0x1] =	stream.indirect_vreg.gather [hbm4b:s2+s13], $0x1, v4, vm0, $0x4038;
	[tilespmem:$0x10800] =	vst v63  }
0xb1: {  	v26 =	vnsel vm1, $0x7FFFFFFF, v2;
	v2 =	vadd.s32 $0xF42900, v1;
	s25 =	sadd.s32 $0x180, s23;
	(ifvalue) =	ssetifvalue $0x7FFFFFFF  }
0xb2: {  	v4 =	vadd.s32 $0xF42A80, v1;
	v13 =	vnsel vm1, $0x7FFFFFFF, v2;
	(ifvalue) =	ssetifvalue $0x7FFFFFFF  }
0xb3: {  	v8 =	vnsel vm1, $0x7FFFFFFF, v3;
	v2 =	vadd.s32 $0xF42980, v1;
	[tilespmem:s25], [sflag:$0x1] =	stream.indirect_vreg.gather [hbm4b:s2+s13], $0x1, v5, vm0, $0x4038;
	[tilespmem:$0x10800] =	vst v63  }
0xb4: {  	v3 =	vadd.s32 $0x16E3D80, v1;
	v10 =	vnsel vm1, $0x7FFFFFFF, v4;
	v14 =	vnsel vm1, $0x7FFFFFFF, v2;
	(ifvalue) =	ssetifvalue $0x7FFFFFFF  }
0xb5: {  	v2 =	vadd.s32 $0xF42B00, v1;
	s25 =	sadd.s32 $0x200, s23;
	(ifvalue) =	ssetifvalue $0x7FFFFFFF  }
0xb6: {  	v11 =	vnsel vm1, $0x7FFFFFFF, v2;
	v2 =	vadd.s32 $0xF42B80, v1;
	[tilespmem:s25], [sflag:$0x1] =	stream.indirect_vreg.gather [hbm4b:s2+s13], $0x1, v6, vm0, $0x4038;
	[tilespmem:$0x10800] =	vst v63  }
0xb7: {  	v4 =	vadd.s32 $0x16E3E00, v1;
	v9 =	vnsel vm1, $0x7FFFFFFF, v2;
	v2 =	vadd.s32 $0x16E3C80, v1;
	(ifvalue) =	ssetifvalue $0x7FFFFFFF  }
0xb8: {  	s25 =	sadd.s32 $0x280, s23;
	v6 =	vnsel vm1, $0x7FFFFFFF, v2;
	(ifvalue) =	ssetifvalue $0x7FFFFFFF  }
0xb9: {  	v5 =	vnsel vm1, $0x7FFFFFFF, v3;
	v2 =	vadd.s32 $0x16E3D00, v1;
	[tilespmem:s25], [sflag:$0x1] =	stream.indirect_vreg.gather [hbm4b:s2+s13], $0x1, v7, vm0, $0x4038;
	[tilespmem:$0x10800] =	vst v63  }
0xba: {  	v3 =	vadd.s32 $0x16E3E80, v1;
	v7 =	vnsel vm1, $0x7FFFFFFF, v2;
	v2 =	vnsel vm1, $0x7FFFFFFF, v4;
	(ifvalue) =	ssetifvalue $0x7FFFFFFF  }
0xbb: {  	s24 =	sor.u32 s24, s22;
	s25 =	sadd.s32 $0x300, s23;
	v4 =	vnsel vm1, $0x7FFFFFFF, v3;
	(ifvalue) =	ssetifvalue $0x7FFFFFFF  }
0xbc: {  	v3 =	vadd.s32 $0x16E3F00, v1;
	v1 =	vadd.s32 $0x16E3F80, v1;
	[tilespmem:s25], [sflag:$0x1] =	stream.indirect_vreg.gather [hbm4b:s2+s13], $0x1, v16, vm0, $0x4038;
	[tilespmem:$0x10800] =	vst v63  }
0xbd: {  	s24 =	sor.u32 $0x380, s24;
	v3 =	vnsel vm1, $0x7FFFFFFF, v3;
	v1 =	vnsel vm1, $0x7FFFFFFF, v1;
	(ifvalue) =	ssetifvalue $0x7FFFFFFF  }
0xbe: {  	s24 =	sadd.s32 s24, s18;
	(ifvalue) =	ssetifvalue $0x7FFFFFFF  }
0xbf: {  	[tilespmem:s24], [sflag:$0x1] =	stream.indirect_vreg.gather [hbm4b:s2+s13], $0x1, v17, vm0, $0x4038;
	[tilespmem:$0x10800] =	vst v63  }
0xc0: {  	(ifvalue) =	ssetifvalue $0x7FFFFFFF  }
0xc1: {  	s24 =	sadd.s32 $0x2000, s23;
	(ifvalue) =	ssetifvalue $0x7FFFFFFF  }
0xc2: {  	[tilespmem:s24], [sflag:$0x1] =	stream.indirect_vreg.gather [hbm4b:s2+s13], $0x1, v18, vm0, $0x4038;
	[tilespmem:$0x10800] =	vst v63  }
0xc3: {  	(ifvalue) =	ssetifvalue $0x7FFFFFFF  }
0xc4: {  	s24 =	sadd.s32 $0x2080, s23;
	(ifvalue) =	ssetifvalue $0x7FFFFFFF  }
0xc5: {  	[tilespmem:s24], [sflag:$0x1] =	stream.indirect_vreg.gather [hbm4b:s2+s13], $0x1, v19, vm0, $0x4038;
	[tilespmem:$0x10800] =	vst v63  }
0xc6: {  	(ifvalue) =	ssetifvalue $0x7FFFFFFF  }
0xc7: {  	s24 =	sadd.s32 $0x2100, s23;
	(ifvalue) =	ssetifvalue $0x7FFFFFFF  }
0xc8: {  	[tilespmem:s24], [sflag:$0x1] =	stream.indirect_vreg.gather [hbm4b:s2+s13], $0x1, v20, vm0, $0x4038;
	[tilespmem:$0x10800] =	vst v63  }
0xc9: {  	(ifvalue) =	ssetifvalue $0x7FFFFFFF  }
0xca: {  	s24 =	sadd.s32 $0x2180, s23;
	(ifvalue) =	ssetifvalue $0x7FFFFFFF  }
0xcb: {  	[tilespmem:s24], [sflag:$0x1] =	stream.indirect_vreg.gather [hbm4b:s2+s13], $0x1, v21, vm0, $0x4038;
	[tilespmem:$0x10800] =	vst v63  }
0xcc: {  	(ifvalue) =	ssetifvalue $0x7FFFFFFF  }
0xcd: {  	s24 =	sadd.s32 $0x2200, s23;
	(ifvalue) =	ssetifvalue $0x7FFFFFFF  }
0xce: {  	[tilespmem:s24], [sflag:$0x1] =	stream.indirect_vreg.gather [hbm4b:s2+s13], $0x1, v22, vm0, $0x4038;
	[tilespmem:$0x10800] =	vst v63  }
0xcf: {  	(ifvalue) =	ssetifvalue $0x7FFFFFFF  }
0xd0: {  	s24 =	sadd.s32 $0x2280, s23;
	(ifvalue) =	ssetifvalue $0x7FFFFFFF  }
0xd1: {  	[tilespmem:s24], [sflag:$0x1] =	stream.indirect_vreg.gather [hbm4b:s2+s13], $0x1, v23, vm0, $0x4038;
	[tilespmem:$0x10800] =	vst v63  }
0xd2: {  	(ifvalue) =	ssetifvalue $0x7FFFFFFF  }
0xd3: {  	s24 =	sadd.s32 $0x2300, s23;
	(ifvalue) =	ssetifvalue $0x7FFFFFFF  }
0xd4: {  	[tilespmem:s24], [sflag:$0x1] =	stream.indirect_vreg.gather [hbm4b:s2+s13], $0x1, v24, vm0, $0x4038;
	[tilespmem:$0x10800] =	vst v63  }
0xd5: {  	(ifvalue) =	ssetifvalue $0x7FFFFFFF  }
0xd6: {  	s24 =	sadd.s32 $0x2380, s23;
	(ifvalue) =	ssetifvalue $0x7FFFFFFF  }
0xd7: {  	[tilespmem:s24], [sflag:$0x1] =	stream.indirect_vreg.gather [hbm4b:s2+s13], $0x1, v25, vm0, $0x4038;
	[tilespmem:$0x10800] =	vst v63  }
0xd8: {  	(ifvalue) =	ssetifvalue $0x7FFFFFFF  }
0xd9: {  	s24 =	sadd.s32 $0x4000, s23;
	(ifvalue) =	ssetifvalue $0x7FFFFFFF  }
0xda: {  	[tilespmem:s24], [sflag:$0x1] =	stream.indirect_vreg.gather [hbm4b:s2+s13], $0x1, v26, vm0, $0x4038;
	[tilespmem:$0x10800] =	vst v63  }
0xdb: {  	(ifvalue) =	ssetifvalue $0x7FFFFFFF  }
0xdc: {  	s24 =	sadd.s32 $0x4080, s23;
	(ifvalue) =	ssetifvalue $0x7FFFFFFF  }
0xdd: {  	[tilespmem:s24], [sflag:$0x1] =	stream.indirect_vreg.gather [hbm4b:s2+s13], $0x1, v15, vm0, $0x4038;
	[tilespmem:$0x10800] =	vst v63  }
0xde: {  	(ifvalue) =	ssetifvalue $0x7FFFFFFF  }
0xdf: {  	s24 =	sadd.s32 $0x4100, s23;
	(ifvalue) =	ssetifvalue $0x7FFFFFFF  }
0xe0: {  	[tilespmem:s24], [sflag:$0x1] =	stream.indirect_vreg.gather [hbm4b:s2+s13], $0x1, v13, vm0, $0x4038;
	[tilespmem:$0x10800] =	vst v63  }
0xe1: {  	(ifvalue) =	ssetifvalue $0x7FFFFFFF  }
0xe2: {  	s24 =	sadd.s32 $0x4180, s23;
	(ifvalue) =	ssetifvalue $0x7FFFFFFF  }
0xe3: {  	[tilespmem:s24], [sflag:$0x1] =	stream.indirect_vreg.gather [hbm4b:s2+s13], $0x1, v14, vm0, $0x4038;
	[tilespmem:$0x10800] =	vst v63  }
0xe4: {  	(ifvalue) =	ssetifvalue $0x7FFFFFFF  }
0xe5: {  	s24 =	sadd.s32 $0x4200, s23;
	(ifvalue) =	ssetifvalue $0x7FFFFFFF  }
0xe6: {  	[tilespmem:s24], [sflag:$0x1] =	stream.indirect_vreg.gather [hbm4b:s2+s13], $0x1, v12, vm0, $0x4038;
	[tilespmem:$0x10800] =	vst v63  }
0xe7: {  	(ifvalue) =	ssetifvalue $0x7FFFFFFF  }
0xe8: {  	s24 =	sadd.s32 $0x4280, s23;
	(ifvalue) =	ssetifvalue $0x7FFFFFFF  }
0xe9: {  	[tilespmem:s24], [sflag:$0x1] =	stream.indirect_vreg.gather [hbm4b:s2+s13], $0x1, v10, vm0, $0x4038;
	[tilespmem:$0x10800] =	vst v63  }
0xea: {  	(ifvalue) =	ssetifvalue $0x7FFFFFFF  }
0xeb: {  	s24 =	sadd.s32 $0x4300, s23;
	(ifvalue) =	ssetifvalue $0x7FFFFFFF  }
0xec: {  	[tilespmem:s24], [sflag:$0x1] =	stream.indirect_vreg.gather [hbm4b:s2+s13], $0x1, v11, vm0, $0x4038;
	[tilespmem:$0x10800] =	vst v63  }
0xed: {  	(ifvalue) =	ssetifvalue $0x7FFFFFFF  }
0xee: {  	s24 =	sadd.s32 $0x4380, s23;
	(ifvalue) =	ssetifvalue $0x7FFFFFFF  }
0xef: {  	[tilespmem:s24], [sflag:$0x1] =	stream.indirect_vreg.gather [hbm4b:s2+s13], $0x1, v9, vm0, $0x4038;
	[tilespmem:$0x10800] =	vst v63  }
0xf0: {  	(ifvalue) =	ssetifvalue $0x7FFFFFFF  }
0xf1: {  	s24 =	sadd.s32 $0x6000, s23;
	(ifvalue) =	ssetifvalue $0x7FFFFFFF  }
0xf2: {  	[tilespmem:s24], [sflag:$0x1] =	stream.indirect_vreg.gather [hbm4b:s2+s13], $0x1, v8, vm0, $0x4038;
	[tilespmem:$0x10800] =	vst v63  }
0xf3: {  	(ifvalue) =	ssetifvalue $0x7FFFFFFF  }
0xf4: {  	s24 =	sadd.s32 $0x6080, s23;
	(ifvalue) =	ssetifvalue $0x7FFFFFFF  }
0xf5: {  	[tilespmem:s24], [sflag:$0x1] =	stream.indirect_vreg.gather [hbm4b:s2+s13], $0x1, v6, vm0, $0x4038;
	[tilespmem:$0x10800] =	vst v63  }
0xf6: {  	(ifvalue) =	ssetifvalue $0x7FFFFFFF  }
0xf7: {  	s24 =	sadd.s32 $0x6100, s23;
	(ifvalue) =	ssetifvalue $0x7FFFFFFF  }
0xf8: {  	[tilespmem:s24], [sflag:$0x1] =	stream.indirect_vreg.gather [hbm4b:s2+s13], $0x1, v7, vm0, $0x4038;
	[tilespmem:$0x10800] =	vst v63  }
0xf9: {  	(ifvalue) =	ssetifvalue $0x7FFFFFFF  }
0xfa: {  	s24 =	sadd.s32 $0x6180, s23;
	(ifvalue) =	ssetifvalue $0x7FFFFFFF  }
0xfb: {  	[tilespmem:s24], [sflag:$0x1] =	stream.indirect_vreg.gather [hbm4b:s2+s13], $0x1, v5, vm0, $0x4038;
	[tilespmem:$0x10800] =	vst v63  }
0xfc: {  	(ifvalue) =	ssetifvalue $0x7FFFFFFF  }
0xfd: {  	s24 =	sadd.s32 $0x6200, s23;
	(ifvalue) =	ssetifvalue $0x7FFFFFFF  }
0xfe: {  	[tilespmem:s24], [sflag:$0x1] =	stream.indirect_vreg.gather [hbm4b:s2+s13], $0x1, v2, vm0, $0x4038;
	[tilespmem:$0x10800] =	vst v63  }
0xff: {  	(ifvalue) =	ssetifvalue $0x7FFFFFFF  }
0x100: {  	s24 =	sadd.s32 $0x6280, s23;
	(ifvalue) =	ssetifvalue $0x7FFFFFFF  }
0x101: {  	[tilespmem:s24], [sflag:$0x1] =	stream.indirect_vreg.gather [hbm4b:s2+s13], $0x1, v4, vm0, $0x4038;
	[tilespmem:$0x10800] =	vst v63  }
.Ltmp3:
0x102: {  	(ifvalue) =	ssetifvalue $0x7FFFFFFF;
	(pc) =	sbr.rel @p1 .LBB2_3-.Ltmp3, $4  }
0x103: {  	s24 =	sadd.s32 $0x6300, s23;
	(ifvalue) =	ssetifvalue $0x7FFFFFFF  }
0x104: {  	[tilespmem:s24], [sflag:$0x1] =	stream.indirect_vreg.gather [hbm4b:s2+s13], $0x1, v3, vm0, $0x4038;
	[tilespmem:$0x10800] =	vst v63  }
0x105: {  	s21 =	sadd.s32 $0xFFFFFFF0, s21;
	s20 =	sadd.s32 $0x10, s20;
	(ifvalue) =	ssetifvalue $0x7FFFFFFF  }
0x106: {  	s22 =	sadd.s32 $0x10, s22;
	s23 =	sadd.s32 $0x6380, s23;
	(ifvalue) =	ssetifvalue $0x7FFFFFFF  }
.Ltmp4:
0x107: {  	_ = 	snop;
	(pc) =	sbr.rel .LBB2_4-.Ltmp4, $1  }
0x108: {  	_ =	sdelay $0x3  }
.LBB2_6:
0x109: {  	_ =	sfence.sel $0x180000  }
0x10a: {  	s2 =	simm.s32 $0x2;
	[bflag:$0x0] =	sbarrier.arrive $0xFFFF  }
0x10b: {  	s30 =	simm.s32 $0x3;
	[sflag:s2] =	ssyncpa.u1 $0x1  }
0x10c: {  	s31 =	simm.s32 $0x1;
	[sflag:s30] =	ssyncpa.u1 $0x1  }
0x10d: {  	[sflag:s31] =	ssyncpa.u1 $0x1  }
0x10e: {  	p0 =	sne.s32 s1, $0x0;
	_ =	strace $0x90000056  }
0x10f: {  	s0 =	sadd.s32 @!p0 $0x100000, s0;
	[bflag:$0x2] =	sbarrier.arrive $0xFFFF  }
0x110: {  	[sflag:s0] =	ssyncadd.tile.s32 @!p0 $0x1;
	_ =	shalt  }
.Lfunc_end2:
_tile_overlayer_lowered:
.L_overlay_start_2:
0x111: {  	(tag) =	ssettag $0x2  }
0x112: {  	s0 =	rddreg [dreg:$0x0];
	s2 =	stileid.u32  }
0x113: {  	s1 =	rddreg [dreg:$0x1];
	p0 =	sne.s32 s2, $0x0  }
0x114: {  	s3 =	rddreg [dreg:$0x2];
	[bflag:$0x3] =	sbarrier.arrive $0xFFFF;
	s2 =	simm.s32 @!p0 $0x1C01  }
0x115: {  	[timem:s3], [sflag:s2] =	dma.local @!p0 [hbm:s0], s1  }
0x116: {  	s0 =	simm.s32 @!p0 $0x1  }
0x117: {  	_ =	swait.ge @!p0 [sflag:s0], s1  }
0x118: {  	s1 =	ssub.s32 @!p0 $0x0, s1;
	[sflag:s0] =	ssyncset.done @!p0 $0x0  }
0x119: {  	[sflag:s0] =	ssyncadd.s32 @!p0 s1  }
0x11a: {  	[bflag:$0x3] =	sbarrier.arrive $0xFFFF  }
0x11b: {  	_ =	shalt  }

// kernel: gather_offload_async_start.2
scs
__scs_entry_jumppad:
0x0: {  	(pc) =	sbr.rel $0x88, $3  }
0x1: {  	(tag) =	ssettag $0x0;
	lr =	simm.s32 $0x1  }
0x2: {  	[smem:$0x3F96] =	sst lr;
	_ =	strace $0xD0000000  }
0x3: {  	_ = 	snop  }
0x4: {  	_ = 	snop  }
0x5: {  	_ = 	snop  }
0x6: {  	_ = 	snop  }
0x7: {  	_ = 	snop  }
__scs_overlays_trampoline_lowered:
0x8: {  	[smem:$0x3FA5] =	sst s0  }
0x9: {  	[smem:$0x3FA6] =	sst s1  }
0xa: {  	[smem:$0x3FA7] =	sst s2  }
0xb: {  	[smem:$0x3FA8] =	sst s3  }
0xc: {  	[smem:$0x3FA9] =	sst s4  }
0xd: {  	[smem:$0x3FAA] =	sst s5  }
0xe: {  	[smem:$0x3FAB] =	sst s6  }
0xf: {  	[smem:$0x3FAC] =	sst s7  }
0x10: {  	[smem:$0x3FAD] =	sst s8  }
0x11: {  	[smem:$0x3FAE] =	sst s9;
	s0 =	simm.s32 @!p0 $0x0  }
0x12: {  	s1 =	sld [smem:$0x3F94];
	s0 =	simm.s32 @p0 $0x1  }
0x13: {  	[smem:$0x3FAF] =	sst s0;
	s0 =	simm.s32 @!p1 $0x0  }
0x14: {  	s2 =	sld [smem:$0x3F93];
	s0 =	simm.s32 @p1 $0x1  }
0x15: {  	[smem:$0x3FB0] =	sst s0;
	s0 =	simm.s32 @!p2 $0x0  }
0x16: {  	s3 =	sld [smem:$0x3FDB];
	s0 =	simm.s32 @p2 $0x1  }
0x17: {  	s4 =	simm.s32 $0x1BF5;
	[smem:$0x3FB2] =	sst s0  }
0x18: {  	s0 =	sld [smem:$0x3F95];
	_ =	swait.ge [sflag:s4], $0x0  }
0x19: {  	s7 =	sld [smem:$0x3F96]  }
0x1a: {  	s8 =	sadd.s32 $0xFFFFE003, lr  }
0x1b: {  	s9 =	sadd.s32 $0xFFFFFEF7, lr;
	s5 =	simm.s32 $0xFFFFFFFF;
	p2 =	slt.u32 s8, $0xFFFFF086  }
0x1c: {  	p1 =	slt.u32 s9, $0xF7A;
	s5 =	simm.s32 @!p2 $0x0  }
0x1d: {  	s5 =	simm.s32 @p1 $0x1;
	p0 =	seq.s32 s7, s2  }
0x1e: {  	s7 =	smul.u32 @!p0 $0xF7A, s2;
	p2 =	seq.s32 @!p0 s5, $0x0  }
0x1f: {  	s9 =	smul.u32 $0xF7A, s1;
	s8 =	simm.s32 @!p0 $0x1BF5;
	p2 =	por !p2, p0  }
0x20: {  	[sflag:s8] =	ssyncset.s32 @!p0 $0xFFFFF086;
	s6 =	sadd.s32 @!p0 s3, s7;
	s7 =	simm.s32 @!p0 $0x108  }
0x21: {  	s3 =	sadd.s32 s3, s9;
	s6 =	sadd.s32 @!p0 $0x88, s6;
	s7 =	simm.s32 @p2 $0x1082  }
0x22: {  	[simem:s7], [sflag:s8] =	dma.local @!p0 [hbm:s6], $0xF7A  }
0x23: {  	s9 =	sor.u32 $0xD0000000, s2;
	s6 =	simm.s32 $0x108;
	_ =	swait.ge @!p0 [sflag:s8], $0x0  }
0x24: {  	s3 =	sadd.s32 $0x88, s3;
	s6 =	simm.s32 @!p1 $0x1082;
	[sflag:s4] =	ssyncset.s32 $0xFFFFF086  }
0x25: {  	[simem:s6], [sflag:s4] =	dma.local [hbm:s3], $0xF7A  }
0x26: {  	[smem:$0x3F96] =	sst s1;
	(tag) =	ssettag s2;
	_ =	strace s9  }
0x27: {  	s1 =	sld [smem:$0x3FA6]  }
0x28: {  	s2 =	sld [smem:$0x3FA7]  }
0x29: {  	s4 =	sld [smem:$0x3FA9]  }
0x2a: {  	p0 =	seq.s32 s5, $0x0;
	s5 =	sld [smem:$0x3FAA]  }
0x2b: {  	s6 =	sld [smem:$0x3FAB]  }
0x2c: {  	s7 =	sld [smem:$0x3FAC]  }
0x2d: {  	s3 =	simm.s32 $0x108;
	s8 =	sld [smem:$0x3FAD]  }
0x2e: {  	s3 =	simm.s32 @!p0 $0x1082;
	s9 =	sld [smem:$0x3FAE]  }
0x2f: {  	lr =	sadd.s32 s0, s3;
	s0 =	sld [smem:$0x3FA5]  }
0x30: {  	s3 =	sld [smem:$0x3FA8]  }
0x31: {  	[smem:$0x3FB1] =	sst s10  }
0x32: {  	s10 =	sld [smem:$0x3FAF];
	_ =	sdelay $0x3  }
0x33: {  	p0 =	seq.s32 s10, $0x1;
	s10 =	sld [smem:$0x3FB1];
	_ =	sdelay $0x3  }
0x34: {  	[smem:$0x3FB1] =	sst s10  }
0x35: {  	s10 =	sld [smem:$0x3FB0];
	_ =	sdelay $0x3  }
0x36: {  	p1 =	seq.s32 s10, $0x1;
	s10 =	sld [smem:$0x3FB1];
	_ =	sdelay $0x3  }
0x37: {  	[smem:$0x3FB1] =	sst s10  }
0x38: {  	s10 =	sld [smem:$0x3FB2]  }
0x39: {  	_ = 	snop;
	(pc) =	sbr.ind lr, $3  }
0x3a: {  	_ = 	snop  }
0x3b: {  	_ = 	snop  }
0x3c: {  	p2 =	seq.s32 s10, $0x1;
	s10 =	sld [smem:$0x3FB1]  }
0x3d: {  	_ =	shalt  }
0x3e: {  	_ =	shalt  }
0x3f: {  	_ =	shalt  }
0x40: {  	_ =	shalt  }
0x41: {  	_ =	shalt  }
0x42: {  	_ =	shalt  }
0x43: {  	_ =	shalt  }
0x44: {  	_ =	shalt  }
0x45: {  	_ =	shalt  }
0x46: {  	_ =	shalt  }
0x47: {  	_ =	shalt  }
0x48: {  	_ =	shalt  }
0x49: {  	_ =	shalt  }
0x4a: {  	_ =	shalt  }
0x4b: {  	_ =	shalt  }
0x4c: {  	_ =	shalt  }
0x4d: {  	_ =	shalt  }
0x4e: {  	_ =	shalt  }
0x4f: {  	_ =	shalt  }
0x50: {  	_ =	shalt  }
0x51: {  	_ =	shalt  }
0x52: {  	_ =	shalt  }
0x53: {  	_ =	shalt  }
0x54: {  	_ =	shalt  }
0x55: {  	_ =	shalt  }
0x56: {  	_ =	shalt  }
0x57: {  	_ =	shalt  }
0x58: {  	_ =	shalt  }
0x59: {  	_ =	shalt  }
0x5a: {  	_ =	shalt  }
0x5b: {  	_ =	shalt  }
0x5c: {  	_ =	shalt  }
0x5d: {  	_ =	shalt  }
0x5e: {  	_ =	shalt  }
0x5f: {  	_ =	shalt  }
0x60: {  	_ =	shalt  }
0x61: {  	_ =	shalt  }
0x62: {  	_ =	shalt  }
0x63: {  	_ =	shalt  }
0x64: {  	_ =	shalt  }
0x65: {  	_ =	shalt  }
0x66: {  	_ =	shalt  }
0x67: {  	_ =	shalt  }
0x68: {  	_ =	shalt  }
0x69: {  	_ =	shalt  }
0x6a: {  	_ =	shalt  }
0x6b: {  	_ =	shalt  }
0x6c: {  	_ =	shalt  }
0x6d: {  	_ =	shalt  }
0x6e: {  	_ =	shalt  }
0x6f: {  	_ =	shalt  }
0x70: {  	_ =	shalt  }
0x71: {  	_ =	shalt  }
0x72: {  	_ =	shalt  }
0x73: {  	_ =	shalt  }
0x74: {  	_ =	shalt  }
0x75: {  	_ =	shalt  }
0x76: {  	_ =	shalt  }
0x77: {  	_ =	shalt  }
0x78: {  	_ =	shalt  }
0x79: {  	_ =	shalt  }
0x7a: {  	_ =	shalt  }
0x7b: {  	_ =	shalt  }
0x7c: {  	_ =	shalt  }
0x7d: {  	_ =	shalt  }
0x7e: {  	_ =	shalt  }
0x7f: {  	_ =	shalt  }
0x80: {  	_ =	shalt  }
0x81: {  	_ =	shalt  }
0x82: {  	_ =	shalt  }
0x83: {  	_ =	shalt  }
0x84: {  	_ =	shalt  }
0x85: {  	_ =	shalt  }
0x86: {  	_ =	shalt  }
0x87: {  	_ =	shalt  }
.Lfunc_end0:
.L_simem_size_0:
called_computation.3_lowered:
.L_overlay_start_0:
0x88: {  	s2 =	sld [smem:$0x3FD9]  }
0x89: {  	s3 =	sld [smem:$0x3FFE];
	_ =	sdelay $0x1  }
0x8a: {  	s1 =	srdreg.scid  }
0x8b: {  	s0 =	sand.u32 $0x1, s1  }
0x8c: {  	s17 =	sshll.u32 s0, $0xA;
	s2 =	sadd.s32 s3, s2  }
0x8d: {  	s2 =	sadd.s32 s2, s17  }
0x8e: {  	[smem:$0x3FBD] =	sst s2  }
0x8f: {  	_ = 	snop  }
0x90: {  	s2 =	sld [smem:$0x3FC6];
	(tm) =	ssettm $0x1  }
0x91: {  	s18 =	sld [smem:$0x3FFB];
	_ =	sdelay $0x3  }
0x92: {  	_ =	strace s18  }
0x93: {  	s3 =	sld [smem:$0x3FFC];
	_ =	sdelay $0x3  }
0x94: {  	_ =	strace s3  }
0x95: {  	s3 =	sld [smem:$0x3FFD];
	_ =	sdelay $0x3  }
0x96: {  	_ =	strace s3  }
0x97: {  	_ =	strace $0x8FFFFFFF  }
0x98: {  	s19 =	sld [smem:$0x3FDB];
	_ =	sdelay $0x1  }
0x99: {  	s4 =	simm.s32 $_scs_section_size  }
0x9a: {  	s5 =	simm.s32 $_size__tile_overlayer_lowered;
	s6 =	simm.s32 $_tile_overlayer_lowered  }
0x9b: {  	s22 =	simm.s32 $0x1BFF;
	s21 =	sshll.u32 s6, $0x1;
	s3 =	sadd.s32 s4, s19  }
0x9c: {  	s7 =	simm.s32 $0x0;
	s20 =	sshll.u32 s5, $0x1;
	s5 =	sadd.s32 s21, s3  }
0x9d: {  	[timem:s7], [sflag:s22] =	dma.local [hbm:s5], s20  }
0x9e: {  	_ =	swait.ge [sflag:s22], s20  }
0x9f: {  	s4 =	ssub.s32 $0x0, s20;
	[sflag:s22] =	ssyncset.done $0x0  }
0xa0: {  	[sflag:s22] =	ssyncadd.s32 s4;
	_ =	sdelay $0x1  }
0xa1: {  	s23 =	simm.s32 $0x1B8B  }
0xa2: {  	_ =	swait.ge [sflag:s23], $0x1  }
0xa3: {  	[sflag:s23] =	ssyncset.done $0x0  }
0xa4: {  	s25 =	simm.s32 $0x1B8E;
	s24 =	sld [smem:$0x3FFE];
	[sflag:s23] =	ssyncadd.s32 $0xFFFFFFFF  }
0xa5: {  	s26 =	simm.s32 $execute0_lowered;
	[smem:$0x3FD2] =	sst s25  }
0xa6: {  	s5 =	sshll.u32 s26, $0x1;
	_ =	strace $0x8000004F;
	[dreg:$0x1] =	wrdreg $0xFFFFFFFF  }
0xa7: {  	s28 =	simm.s32 $_size_execute0_lowered;
	s3 =	sadd.s32 s3, s5;
	[dreg:$0x0] =	wrdreg $0x0  }
0xa8: {  	s5 =	sshll.u32 s28, $0x1;
	[dreg:$0x2] =	wrdreg s3  }
0xa9: {  	[dreg:$0x3] =	wrdreg s5  }
0xaa: {  	[dreg:$0x4] =	wrdreg $0xC0  }
0xab: {  	_ =	task [dreg:s7], $0x5FFFF  }
0xac: {  	[dreg:$0x1] =	wrdreg $0xFFFFFFFF  }
0xad: {  	[dreg:$0x0] =	wrdreg $0x60  }
0xae: {  	[dreg:$0x2] =	wrdreg s2  }
0xaf: {  	[dreg:$0x3] =	wrdreg s24  }
0xb0: {  	[dreg:$0x4] =	wrdreg $0xB  }
0xb1: {  	_ =	task.clear_ibuf [dreg:s7], $0x5FFFF;
	_ =	strace $0x9000004F  }
0xb2: {  	s29 =	simm.s32 $0xB;
	_ =	strace $0x80000051  }
0xb3: {  	_ =	swait.ge [sflag:s29], $0x1  }
0xb4: {  	[sflag:s29] =	ssyncadd.s32 $0xFFFFFFFF  }
0xb5: {  	_ =	strace $0x90000051  }
0xb6: {  	_ =	sfence  }
0xb7: {  	s30 =	sld [smem:$0x0];
	_ =	sdelay $0x2  }
0xb8: {  	s31 =	sshll.u32 s1, $0xD;
	s1 =	sshrl.u32 s1, $0x2  }
0xb9: {  	s3 =	sand.u32 $0x4000, s31;
	s1 =	sadd.s32 s1, s30  }
0xba: {  	s0 =	sor.u32 s3, s0;
	s1 =	sshll.u32 s1, $0x11  }
0xbb: {  	s0 =	sor.u32 s1, s0  }
0xbc: {  	s0 =	sadd.s32 $0x8F2B, s0  }
0xbd: {  	[sflag:s0] =	ssyncadd.remote.s32 $0x1  }
0xbe: {  	_ =	sfence.sel $0xFFFF  }
0xbf: {  	[dreg:$0x0] =	wrdreg $0xFFFFFFFF;
	(pc) =	sbr.abs _section_cstart, $3  }
0xc0: {  	[dreg:$0x1] =	wrdreg $0xFFFFFFFF  }
0xc1: {  	_ =	task.clear_ibuf [dreg:s7], $0x2FFFF;
	_ =	strace $0x9FFFFFFF  }
0xc2: {  	(tm) =	ssettm $0x7FFFFFFF  }
0xc3: {  	_ =	shalt  }
tec
execute0_lowered:
.L_overlay_start_1:
0x0: {  	(tag) =	ssettag $0x1  }
0x1: {  	s1 =	srdreg.scid  }
0x2: {  	s2 =	rddreg [dreg:$0x0];
	s0 =	stileid.u32  }
0x3: {  	s6 =	rddreg [dreg:$0x1];
	s5 =	simm.s32 $0x2;
	s1 =	sshll.u32 s1, $0x9  }
0x4: {  	s10 =	simm.s32 $0x3;
	s3 =	sshll.u32 s0, $0xA;
	s4 =	sand.u32 $0x200, s1  }
0x5: {  	s12 =	simm.s32 $0x0;
	s11 =	simm.s32 $0x0;
	s3 =	sor.u32 s3, s4  }
0x6: {  	s1 =	rddreg [dreg:$0x2];
	_ =	strace $0x80000050;
	s4 =	sshrl.u32 s3, $0x3  }
0x7: {  	s7 =	ssub.s32 $0x4000, s3;
	s8 =	sadd.s32 s4, s6;
	s4 =	simm.s32 $0x1  }
.Ltmp0:
0x8: {  	s9 =	sand.u32 $0x3E00, s7;
	s7 =	sshrl.u32 s7, $0xE;
	(pc) =	sbr.rel .LBB2_1-.Ltmp0, $4  }
0x9: {  	s6 =	sadd.s32 $0x4800, s6;
	p0 =	sne.s32 s9, $0x0;
	s9 =	simm.s32 $0x1  }
0xa: {  	[sflag:s4] =	ssyncpa.u1 $0x0;
	s8 =	sadd.s32 $0x4000, s8;
	s9 =	simm.s32 @!p0 $0x0  }
0xb: {  	[sflag:s5] =	ssyncpa.u1 $0x0;
	p0 =	por $0x0, $0x0;
	s7 =	sadd.s32 s9, s7  }
0xc: {  	vm0 =	vmmov $0xffff;
	[sflag:s10] =	ssyncpa.u1 $0x0;
	s10 =	simm.s32 $0x0;
	s9 =	sadd.s32 $0x1, s7  }
.LBB2_4:
0xd: {  	_ =	sdelay $0x3  }
0xe: {  	[tilespmem:s20], [sflag:$0x1] =	stream.indirect_vreg.gather [hbm4b:s2+s10], $0x1, v0, vm0, $0x4038;
	[tilespmem:$0x1400] =	vst v63  }
0xf: {  	s14 =	sadd.s32 s17, s14  }
0x10: {  	v0 =	vld.msk [tilespmem:s14+$0x0 ss:$0x1], $0xffff;
	_ =	sdelay $0x4  }
0x11: {  	vm1 =	vgt.s32 v0, $0x0  }
0x12: {  	v0 =	vnsel vm1, $0x0, v0  }
0x13: {  	v0 =	vmin.u32 v0, $0xF423F  }
0x14: {  	v1 =	vshll.u32 v0, $0x2  }
0x15: {  	v0 =	vand.u32 $0x7F, v0;
	v1 =	vand.u32 $0x3FFE00, v1  }
0x16: {  	v0 =	vor.u32 v0, v1;
	_ =	sdelay $0x1  }
0x17: {  	s28 =	sand.u32 $0x600, s16  }
0x18: {  	s15 =	sand.u32 $0x70, s15;
	(ifvalue) =	ssetifvalue $0x7FFFFFFF;
	s14 =	sadd.s32 s28, s13;
	v1 =	vor.u32 $0x80, v0  }
0x19: {  	s14 =	sadd.s32 s15, s14;
	(ifvalue) =	ssetifvalue $0x7FFFFFFF  }
0x1a: {  	[tilespmem:s14], [sflag:$0x1] =	stream.indirect_vreg.gather [hbm4b:s2+s10], $0x1, v0, vm0, $0x4038;
	[tilespmem:$0x1400] =	vst v63  }
0x1b: {  	v2 =	vor.u32 $0x100, v0;
	(ifvalue) =	ssetifvalue $0x7FFFFFFF  }
0x1c: {  	s15 =	sadd.s32 $0x80, s14;
	(ifvalue) =	ssetifvalue $0x7FFFFFFF  }
0x1d: {  	[tilespmem:s15], [sflag:$0x1] =	stream.indirect_vreg.gather [hbm4b:s2+s10], $0x1, v1, vm0, $0x4038;
	[tilespmem:$0x1400] =	vst v63  }
0x1e: {  	v0 =	vor.u32 $0x180, v0;
	(ifvalue) =	ssetifvalue $0x7FFFFFFF  }
0x1f: {  	s29 =	sadd.s32 $0x100, s14;
	(ifvalue) =	ssetifvalue $0x7FFFFFFF  }
0x20: {  	[tilespmem:s29], [sflag:$0x1] =	stream.indirect_vreg.gather [hbm4b:s2+s10], $0x1, v2, vm0, $0x4038;
	[tilespmem:$0x1400] =	vst v63  }
0x21: {  	(ifvalue) =	ssetifvalue $0x7FFFFFFF  }
0x22: {  	s30 =	sshll.u32 s12, $0x2;
	s14 =	sadd.s32 $0x180, s14;
	(ifvalue) =	ssetifvalue $0x7FFFFFFF  }
0x23: {  	[tilespmem:s14], [sflag:$0x1] =	stream.indirect_vreg.gather [hbm4b:s2+s10], $0x1, v0, vm0, $0x4038;
	[tilespmem:$0x1400] =	vst v63  }
0x24: {  	s31 =	sand.u32 $0x78, s12;
	s14 =	sand.u32 $0x7FFFFE00, s30  }
0x25: {  	_ =	swait.ge [sflag:s4], $0x800;
	s12 =	sor.u32 s31, s14  }
0x26: {  	[sflag:s4] =	ssyncset.done $0x0;
	s12 =	sshrl.u32 s12, $0x3  }
0x27: {  	[sflag:s4] =	ssyncadd.s32 $0xFFFFF800;
	s12 =	sadd.s32 s6, s12  }
0x28: {  	[hbm:s12] =	stream.linear.scatter [tilespmem:s13], [sflag:$0x3], $0x800, $0x38;
	[tilespmem:$0x1400] =	vst v63  }
.LBB2_5:
0x29: {  	p2 =	sne.s32 s11, s9  }
.Ltmp1:
0x2a: {  	p1 =	slt.u32 s11, $0x2;
	(pc) =	sbr.rel @!p2 .LBB2_6-.Ltmp1, $4  }
0x2b: {  	s12 =	simm.s32 @!p1 $0x3  }
0x2c: {  	_ =	swait.ge @!p1 [sflag:s12], $0x800  }
0x2d: {  	s13 =	sadd.s32 $0x1, s11;
	p0 =	por !p0, !p0;
	[sflag:s12] =	ssyncset.done @!p1 $0x0  }
0x2e: {  	s11 =	smov.u32 s13;
	[sflag:s12] =	ssyncadd.s32 @!p1 $0xFFFFF800;
	s12 =	smov.u32 s3  }
.LBB2_1:
0x2f: {  	p1 =	sge.u32 s11, s7  }
0x30: {  	s13 =	sxor.u32 @!p1 $0xFFFFFFFF, s11  }
0x31: {  	s13 =	sshll.u32 @!p1 s13, $0x9  }
0x32: {  	s31 =	sadd.s32 $0xFFFFFFFF, s11;
	s14 =	simm.s32 @!p1 $0x0;
	s13 =	sand.u32 @!p1 $0x200, s13  }
0x33: {  	[tilespmem:s13], [sflag:$0x2] =	stream.linear.gather @!p1 [hbm4b:s8+s14], $0x200, $0x38;
	[tilespmem:$0x1400] =	vst v63  }
0x34: {  	p1 =	sge.u32 s31, s7  }
.Ltmp2:
0x35: {  	_ = 	snop;
	(pc) =	sbr.rel @p1 .LBB2_5-.Ltmp2, $1  }
0x36: {  	_ =	sdelay $0x3  }
0x37: {  	s13 =	simm.s32 $0x1  }
0x38: {  	_ =	swait.ge [sflag:s5], $0x200;
	s13 =	simm.s32 @!p0 $0x0  }
0x39: {  	[sflag:s5] =	ssyncset.done $0x0;
	s14 =	sshll.u32 s13, $0x9  }
0x3a: {  	[sflag:s5] =	ssyncadd.s32 $0xFFFFFE00;
	s13 =	sadd.s32 $0x0, s14  }
0x3b: {  	v0 =	vld.msk [tilespmem:s13+$0x0 ss:$0x1], $0xffff;
	_ =	sdelay $0x4  }
0x3c: {  	vm1 =	vgt.s32 v0, $0x0  }
0x3d: {  	v0 =	vnsel vm1, $0x0, v0  }
0x3e: {  	v0 =	vmin.u32 v0, $0xF423F  }
0x3f: {  	v1 =	vshll.u32 v0, $0x2  }
0x40: {  	v0 =	vand.u32 $0x7F, v0;
	v1 =	vand.u32 $0x3FFE00, v1  }
0x41: {  	s31 =	sshll.u32 s11, $0xB;
	v0 =	vor.u32 v0, v1  }
0x42: {  	s15 =	simm.s32 $0x0;
	s13 =	sand.u32 $0x800, s31  }
0x43: {  	s16 =	sand.u32 $0x600, s15;
	s13 =	sor.u32 $0x400, s13  }
0x44: {  	s15 =	sand.u32 $0x70, s15;
	(ifvalue) =	ssetifvalue $0x7FFFFFFF;
	s16 =	sadd.s32 s16, s13;
	v1 =	vor.u32 $0x80, v0  }
0x45: {  	(ifvalue) =	ssetifvalue $0x7FFFFFFF;
	s20 =	sadd.s32 s15, s16  }
0x46: {  	[tilespmem:s20], [sflag:$0x1] =	stream.indirect_vreg.gather [hbm4b:s2+s10], $0x1, v0, vm0, $0x4038;
	[tilespmem:$0x1400] =	vst v63  }
0x47: {  	v2 =	vor.u32 $0x100, v0;
	(ifvalue) =	ssetifvalue $0x7FFFFFFF  }
0x48: {  	s15 =	sadd.s32 $0x80, s20;
	(ifvalue) =	ssetifvalue $0x7FFFFFFF  }
0x49: {  	[tilespmem:s15], [sflag:$0x1] =	stream.indirect_vreg.gather [hbm4b:s2+s10], $0x1, v1, vm0, $0x4038;
	[tilespmem:$0x1400] =	vst v63  }
0x4a: {  	s18 =	simm.s32 $0x20;
	v0 =	vor.u32 $0x180, v0;
	(ifvalue) =	ssetifvalue $0x7FFFFFFF  }
0x4b: {  	s19 =	simm.s32 $0x80;
	s17 =	sadd.s32 $0x100, s20;
	(ifvalue) =	ssetifvalue $0x7FFFFFFF  }
0x4c: {  	[tilespmem:s17], [sflag:$0x1] =	stream.indirect_vreg.gather [hbm4b:s2+s10], $0x1, v2, vm0, $0x4038;
	[tilespmem:$0x1400] =	vst v63  }
0x4d: {  	s16 =	simm.s32 $0x40;
	s20 =	sadd.s32 $0x180, s20;
	(ifvalue) =	ssetifvalue $0x7FFFFFFF  }
0x4e: {  	s15 =	simm.s32 $0x10;
	s17 =	simm.s32 $0x10;
	(ifvalue) =	ssetifvalue $0x7FFFFFFF  }
.LBB2_3:
0x4f: {  	[tilespmem:s20], [sflag:$0x1] =	stream.indirect_vreg.gather [hbm4b:s2+s10], $0x1, v0, vm0, $0x4038;
	[tilespmem:$0x1400] =	vst v63  }
0x50: {  	p1 =	sne.s32 s18, $0x1F0;
	s20 =	sadd.s32 s17, s14;
	s17 =	sshra.s32 s19, $0x2  }
0x51: {  	v0 =	vld.msk [tilespmem:s20+$0x0 ss:$0x1], $0xffff;
	s20 =	smov.u32 s18;
	s18 =	sadd.s32 $0x10, s18  }
0x52: {  	(ifvalue) =	ssetifvalue $0x7FFFFFFF;
	_ =	sdelay $0x4  }
0x53: {  	vm1 =	vgt.s32 v0, $0x0  }
0x54: {  	v0 =	vnsel vm1, $0x0, v0  }
0x55: {  	v0 =	vmin.u32 v0, $0xF423F  }
0x56: {  	v1 =	vshll.u32 v0, $0x2  }
0x57: {  	v0 =	vand.u32 $0x7F, v0;
	v1 =	vand.u32 $0x3FFE00, v1  }
0x58: {  	v0 =	vor.u32 v0, v1;
	_ =	sdelay $0x1  }
0x59: {  	s21 =	sand.u32 $0x600, s16;
	s16 =	smov.u32 s19  }
0x5a: {  	s22 =	sand.u32 $0x70, s15;
	s21 =	sadd.s32 s21, s13;
	s15 =	smov.u32 s20;
	v1 =	vor.u32 $0x80, v0  }
0x5b: {  	s20 =	sadd.s32 s22, s21;
	(ifvalue) =	ssetifvalue $0x7FFFFFFF  }
0x5c: {  	[tilespmem:s20], [sflag:$0x1] =	stream.indirect_vreg.gather [hbm4b:s2+s10], $0x1, v0, vm0, $0x4038;
	[tilespmem:$0x1400] =	vst v63  }
0x5d: {  	v2 =	vor.u32 $0x100, v0;
	(ifvalue) =	ssetifvalue $0x7FFFFFFF  }
0x5e: {  	s21 =	sadd.s32 $0x80, s20;
	(ifvalue) =	ssetifvalue $0x7FFFFFFF  }
0x5f: {  	[tilespmem:s21], [sflag:$0x1] =	stream.indirect_vreg.gather [hbm4b:s2+s10], $0x1, v1, vm0, $0x4038;
	[tilespmem:$0x1400] =	vst v63  }
.Ltmp3:
0x60: {  	v0 =	vor.u32 $0x180, v0;
	(ifvalue) =	ssetifvalue $0x7FFFFFFF;
	(pc) =	sbr.rel @p1 .LBB2_3-.Ltmp3, $4  }
0x61: {  	s21 =	sadd.s32 $0x100, s20;
	(ifvalue) =	ssetifvalue $0x7FFFFFFF  }
0x62: {  	[tilespmem:s21], [sflag:$0x1] =	stream.indirect_vreg.gather [hbm4b:s2+s10], $0x1, v2, vm0, $0x4038;
	[tilespmem:$0x1400] =	vst v63  }
0x63: {  	(ifvalue) =	ssetifvalue $0x7FFFFFFF  }
0x64: {  	s19 =	sadd.s32 $0x40, s19;
	s20 =	sadd.s32 $0x180, s20;
	(ifvalue) =	ssetifvalue $0x7FFFFFFF  }
.Ltmp4:
0x65: {  	_ = 	snop;
	(pc) =	sbr.rel .LBB2_4-.Ltmp4, $1  }
0x66: {  	_ =	sdelay $0x3  }
.LBB2_6:
0x67: {  	_ =	sfence.sel $0x180000  }
0x68: {  	s2 =	simm.s32 $0x2;
	[bflag:$0x0] =	sbarrier.arrive $0xFFFF  }
0x69: {  	s30 =	simm.s32 $0x3;
	[sflag:s2] =	ssyncpa.u1 $0x1  }
0x6a: {  	s31 =	simm.s32 $0x1;
	[sflag:s30] =	ssyncpa.u1 $0x1  }
0x6b: {  	[sflag:s31] =	ssyncpa.u1 $0x1  }
0x6c: {  	p0 =	sne.s32 s0, $0x0;
	_ =	strace $0x90000050  }
0x6d: {  	s0 =	sadd.s32 @!p0 $0x100000, s1;
	[bflag:$0x2] =	sbarrier.arrive $0xFFFF  }
0x6e: {  	[sflag:s0] =	ssyncadd.tile.s32 @!p0 $0x1;
	_ =	shalt  }
.Lfunc_end2:
_tile_overlayer_lowered:
.L_overlay_start_2:
0x6f: {  	(tag) =	ssettag $0x2  }
0x70: {  	s0 =	rddreg [dreg:$0x0];
	s2 =	stileid.u32  }
0x71: {  	s1 =	rddreg [dreg:$0x1];
	p0 =	sne.s32 s2, $0x0  }
0x72: {  	s3 =	rddreg [dreg:$0x2];
	[bflag:$0x3] =	sbarrier.arrive $0xFFFF;
	s2 =	simm.s32 @!p0 $0x1C01  }
0x73: {  	[timem:s3], [sflag:s2] =	dma.local @!p0 [hbm:s0], s1  }
0x74: {  	s0 =	simm.s32 @!p0 $0x1  }
0x75: {  	_ =	swait.ge @!p0 [sflag:s0], s1  }
0x76: {  	s1 =	ssub.s32 @!p0 $0x0, s1;
	[sflag:s0] =	ssyncset.done @!p0 $0x0  }
0x77: {  	[sflag:s0] =	ssyncadd.s32 @!p0 s1  }
0x78: {  	[bflag:$0x3] =	sbarrier.arrive $0xFFFF  }
0x79: {  	_ =	shalt  }

// kernel: gather_offload_async_start.3
scs
__scs_entry_jumppad:
0x0: {  	(pc) =	sbr.rel $0x88, $3  }
0x1: {  	(tag) =	ssettag $0x0;
	lr =	simm.s32 $0x1  }
0x2: {  	[smem:$0x3F96] =	sst lr;
	_ =	strace $0xD0000000  }
0x3: {  	_ = 	snop  }
0x4: {  	_ = 	snop  }
0x5: {  	_ = 	snop  }
0x6: {  	_ = 	snop  }
0x7: {  	_ = 	snop  }
__scs_overlays_trampoline_lowered:
0x8: {  	[smem:$0x3FA5] =	sst s0  }
0x9: {  	[smem:$0x3FA6] =	sst s1  }
0xa: {  	[smem:$0x3FA7] =	sst s2  }
0xb: {  	[smem:$0x3FA8] =	sst s3  }
0xc: {  	[smem:$0x3FA9] =	sst s4  }
0xd: {  	[smem:$0x3FAA] =	sst s5  }
0xe: {  	[smem:$0x3FAB] =	sst s6  }
0xf: {  	[smem:$0x3FAC] =	sst s7  }
0x10: {  	[smem:$0x3FAD] =	sst s8  }
0x11: {  	[smem:$0x3FAE] =	sst s9;
	s0 =	simm.s32 @!p0 $0x0  }
0x12: {  	s1 =	sld [smem:$0x3F94];
	s0 =	simm.s32 @p0 $0x1  }
0x13: {  	[smem:$0x3FAF] =	sst s0;
	s0 =	simm.s32 @!p1 $0x0  }
0x14: {  	s2 =	sld [smem:$0x3F93];
	s0 =	simm.s32 @p1 $0x1  }
0x15: {  	[smem:$0x3FB0] =	sst s0;
	s0 =	simm.s32 @!p2 $0x0  }
0x16: {  	s3 =	sld [smem:$0x3FDB];
	s0 =	simm.s32 @p2 $0x1  }
0x17: {  	s4 =	simm.s32 $0x1BF5;
	[smem:$0x3FB2] =	sst s0  }
0x18: {  	s0 =	sld [smem:$0x3F95];
	_ =	swait.ge [sflag:s4], $0x0  }
0x19: {  	s7 =	sld [smem:$0x3F96]  }
0x1a: {  	s8 =	sadd.s32 $0xFFFFE003, lr  }
0x1b: {  	s9 =	sadd.s32 $0xFFFFFEF7, lr;
	s5 =	simm.s32 $0xFFFFFFFF;
	p2 =	slt.u32 s8, $0xFFFFF086  }
0x1c: {  	p1 =	slt.u32 s9, $0xF7A;
	s5 =	simm.s32 @!p2 $0x0  }
0x1d: {  	s5 =	simm.s32 @p1 $0x1;
	p0 =	seq.s32 s7, s2  }
0x1e: {  	s7 =	smul.u32 @!p0 $0xF7A, s2;
	p2 =	seq.s32 @!p0 s5, $0x0  }
0x1f: {  	s9 =	smul.u32 $0xF7A, s1;
	s8 =	simm.s32 @!p0 $0x1BF5;
	p2 =	por !p2, p0  }
0x20: {  	[sflag:s8] =	ssyncset.s32 @!p0 $0xFFFFF086;
	s6 =	sadd.s32 @!p0 s3, s7;
	s7 =	simm.s32 @!p0 $0x108  }
0x21: {  	s3 =	sadd.s32 s3, s9;
	s6 =	sadd.s32 @!p0 $0x88, s6;
	s7 =	simm.s32 @p2 $0x1082  }
0x22: {  	[simem:s7], [sflag:s8] =	dma.local @!p0 [hbm:s6], $0xF7A  }
0x23: {  	s9 =	sor.u32 $0xD0000000, s2;
	s6 =	simm.s32 $0x108;
	_ =	swait.ge @!p0 [sflag:s8], $0x0  }
0x24: {  	s3 =	sadd.s32 $0x88, s3;
	s6 =	simm.s32 @!p1 $0x1082;
	[sflag:s4] =	ssyncset.s32 $0xFFFFF086  }
0x25: {  	[simem:s6], [sflag:s4] =	dma.local [hbm:s3], $0xF7A  }
0x26: {  	[smem:$0x3F96] =	sst s1;
	(tag) =	ssettag s2;
	_ =	strace s9  }
0x27: {  	s1 =	sld [smem:$0x3FA6]  }
0x28: {  	s2 =	sld [smem:$0x3FA7]  }
0x29: {  	s4 =	sld [smem:$0x3FA9]  }
0x2a: {  	p0 =	seq.s32 s5, $0x0;
	s5 =	sld [smem:$0x3FAA]  }
0x2b: {  	s6 =	sld [smem:$0x3FAB]  }
0x2c: {  	s7 =	sld [smem:$0x3FAC]  }
0x2d: {  	s3 =	simm.s32 $0x108;
	s8 =	sld [smem:$0x3FAD]  }
0x2e: {  	s3 =	simm.s32 @!p0 $0x1082;
	s9 =	sld [smem:$0x3FAE]  }
0x2f: {  	lr =	sadd.s32 s0, s3;
	s0 =	sld [smem:$0x3FA5]  }
0x30: {  	s3 =	sld [smem:$0x3FA8]  }
0x31: {  	[smem:$0x3FB1] =	sst s10  }
0x32: {  	s10 =	sld [smem:$0x3FAF];
	_ =	sdelay $0x3  }
0x33: {  	p0 =	seq.s32 s10, $0x1;
	s10 =	sld [smem:$0x3FB1];
	_ =	sdelay $0x3  }
0x34: {  	[smem:$0x3FB1] =	sst s10  }
0x35: {  	s10 =	sld [smem:$0x3FB0];
	_ =	sdelay $0x3  }
0x36: {  	p1 =	seq.s32 s10, $0x1;
	s10 =	sld [smem:$0x3FB1];
	_ =	sdelay $0x3  }
0x37: {  	[smem:$0x3FB1] =	sst s10  }
0x38: {  	s10 =	sld [smem:$0x3FB2]  }
0x39: {  	_ = 	snop;
	(pc) =	sbr.ind lr, $3  }
0x3a: {  	_ = 	snop  }
0x3b: {  	_ = 	snop  }
0x3c: {  	p2 =	seq.s32 s10, $0x1;
	s10 =	sld [smem:$0x3FB1]  }
0x3d: {  	_ =	shalt  }
0x3e: {  	_ =	shalt  }
0x3f: {  	_ =	shalt  }
0x40: {  	_ =	shalt  }
0x41: {  	_ =	shalt  }
0x42: {  	_ =	shalt  }
0x43: {  	_ =	shalt  }
0x44: {  	_ =	shalt  }
0x45: {  	_ =	shalt  }
0x46: {  	_ =	shalt  }
0x47: {  	_ =	shalt  }
0x48: {  	_ =	shalt  }
0x49: {  	_ =	shalt  }
0x4a: {  	_ =	shalt  }
0x4b: {  	_ =	shalt  }
0x4c: {  	_ =	shalt  }
0x4d: {  	_ =	shalt  }
0x4e: {  	_ =	shalt  }
0x4f: {  	_ =	shalt  }
0x50: {  	_ =	shalt  }
0x51: {  	_ =	shalt  }
0x52: {  	_ =	shalt  }
0x53: {  	_ =	shalt  }
0x54: {  	_ =	shalt  }
0x55: {  	_ =	shalt  }
0x56: {  	_ =	shalt  }
0x57: {  	_ =	shalt  }
0x58: {  	_ =	shalt  }
0x59: {  	_ =	shalt  }
0x5a: {  	_ =	shalt  }
0x5b: {  	_ =	shalt  }
0x5c: {  	_ =	shalt  }
0x5d: {  	_ =	shalt  }
0x5e: {  	_ =	shalt  }
0x5f: {  	_ =	shalt  }
0x60: {  	_ =	shalt  }
0x61: {  	_ =	shalt  }
0x62: {  	_ =	shalt  }
0x63: {  	_ =	shalt  }
0x64: {  	_ =	shalt  }
0x65: {  	_ =	shalt  }
0x66: {  	_ =	shalt  }
0x67: {  	_ =	shalt  }
0x68: {  	_ =	shalt  }
0x69: {  	_ =	shalt  }
0x6a: {  	_ =	shalt  }
0x6b: {  	_ =	shalt  }
0x6c: {  	_ =	shalt  }
0x6d: {  	_ =	shalt  }
0x6e: {  	_ =	shalt  }
0x6f: {  	_ =	shalt  }
0x70: {  	_ =	shalt  }
0x71: {  	_ =	shalt  }
0x72: {  	_ =	shalt  }
0x73: {  	_ =	shalt  }
0x74: {  	_ =	shalt  }
0x75: {  	_ =	shalt  }
0x76: {  	_ =	shalt  }
0x77: {  	_ =	shalt  }
0x78: {  	_ =	shalt  }
0x79: {  	_ =	shalt  }
0x7a: {  	_ =	shalt  }
0x7b: {  	_ =	shalt  }
0x7c: {  	_ =	shalt  }
0x7d: {  	_ =	shalt  }
0x7e: {  	_ =	shalt  }
0x7f: {  	_ =	shalt  }
0x80: {  	_ =	shalt  }
0x81: {  	_ =	shalt  }
0x82: {  	_ =	shalt  }
0x83: {  	_ =	shalt  }
0x84: {  	_ =	shalt  }
0x85: {  	_ =	shalt  }
0x86: {  	_ =	shalt  }
0x87: {  	_ =	shalt  }
.Lfunc_end0:
.L_simem_size_0:
called_computation.4_lowered:
.L_overlay_start_0:
0x88: {  	s2 =	sld [smem:$0x3FD9]  }
0x89: {  	s3 =	sld [smem:$0x3FFE];
	_ =	sdelay $0x1  }
0x8a: {  	s1 =	srdreg.scid  }
0x8b: {  	s0 =	sand.u32 $0x1, s1  }
0x8c: {  	s17 =	sshll.u32 s0, $0xA;
	s2 =	sadd.s32 s3, s2  }
0x8d: {  	s2 =	sadd.s32 s2, s17  }
0x8e: {  	[smem:$0x3FBD] =	sst s2  }
0x8f: {  	_ = 	snop  }
0x90: {  	s2 =	sld [smem:$0x3FC7];
	(tm) =	ssettm $0x1  }
0x91: {  	s18 =	sld [smem:$0x3FFB];
	_ =	sdelay $0x3  }
0x92: {  	_ =	strace s18  }
0x93: {  	s3 =	sld [smem:$0x3FFC];
	_ =	sdelay $0x3  }
0x94: {  	_ =	strace s3  }
0x95: {  	s3 =	sld [smem:$0x3FFD];
	_ =	sdelay $0x3  }
0x96: {  	_ =	strace s3  }
0x97: {  	_ =	strace $0x8FFFFFFF  }
0x98: {  	s19 =	sld [smem:$0x3FDB];
	_ =	sdelay $0x1  }
0x99: {  	s4 =	simm.s32 $_scs_section_size  }
0x9a: {  	s5 =	simm.s32 $_size__tile_overlayer_lowered;
	s6 =	simm.s32 $_tile_overlayer_lowered  }
0x9b: {  	s22 =	simm.s32 $0x1BFF;
	s21 =	sshll.u32 s6, $0x1;
	s3 =	sadd.s32 s4, s19  }
0x9c: {  	s7 =	simm.s32 $0x0;
	s20 =	sshll.u32 s5, $0x1;
	s5 =	sadd.s32 s21, s3  }
0x9d: {  	[timem:s7], [sflag:s22] =	dma.local [hbm:s5], s20  }
0x9e: {  	_ =	swait.ge [sflag:s22], s20  }
0x9f: {  	s4 =	ssub.s32 $0x0, s20;
	[sflag:s22] =	ssyncset.done $0x0  }
0xa0: {  	[sflag:s22] =	ssyncadd.s32 s4;
	_ =	sdelay $0x1  }
0xa1: {  	s23 =	simm.s32 $0x1B8B  }
0xa2: {  	_ =	swait.ge [sflag:s23], $0x1  }
0xa3: {  	[sflag:s23] =	ssyncset.done $0x0  }
0xa4: {  	s25 =	simm.s32 $0x1B8E;
	s24 =	sld [smem:$0x3FFE];
	[sflag:s23] =	ssyncadd.s32 $0xFFFFFFFF  }
0xa5: {  	s26 =	simm.s32 $execute0_lowered;
	[smem:$0x3FD2] =	sst s25  }
0xa6: {  	s5 =	sshll.u32 s26, $0x1;
	_ =	strace $0x80000046;
	[dreg:$0x1] =	wrdreg $0xFFFFFFFF  }
0xa7: {  	s28 =	simm.s32 $_size_execute0_lowered;
	s3 =	sadd.s32 s3, s5;
	[dreg:$0x0] =	wrdreg $0x0  }
0xa8: {  	s5 =	sshll.u32 s28, $0x1;
	[dreg:$0x2] =	wrdreg s3  }
0xa9: {  	[dreg:$0x3] =	wrdreg s5  }
0xaa: {  	[dreg:$0x4] =	wrdreg $0xC0  }
0xab: {  	_ =	task [dreg:s7], $0x5FFFF  }
0xac: {  	[dreg:$0x1] =	wrdreg $0xFFFFFFFF  }
0xad: {  	[dreg:$0x0] =	wrdreg $0x60  }
0xae: {  	[dreg:$0x2] =	wrdreg s2  }
0xaf: {  	[dreg:$0x3] =	wrdreg s24  }
0xb0: {  	[dreg:$0x4] =	wrdreg $0x9  }
0xb1: {  	_ =	task.clear_ibuf [dreg:s7], $0x5FFFF;
	_ =	strace $0x90000046  }
0xb2: {  	s29 =	simm.s32 $0x9;
	_ =	strace $0x80000048  }
0xb3: {  	_ =	swait.ge [sflag:s29], $0x1  }
0xb4: {  	[sflag:s29] =	ssyncadd.s32 $0xFFFFFFFF  }
0xb5: {  	_ =	strace $0x90000048  }
0xb6: {  	_ =	sfence  }
0xb7: {  	s30 =	sld [smem:$0x0];
	_ =	sdelay $0x2  }
0xb8: {  	s31 =	sshll.u32 s1, $0xD;
	s1 =	sshrl.u32 s1, $0x2  }
0xb9: {  	s3 =	sand.u32 $0x4000, s31;
	s1 =	sadd.s32 s1, s30  }
0xba: {  	s0 =	sor.u32 s3, s0;
	s1 =	sshll.u32 s1, $0x11  }
0xbb: {  	s0 =	sor.u32 s1, s0  }
0xbc: {  	s0 =	sadd.s32 $0x8F2B, s0  }
0xbd: {  	[sflag:s0] =	ssyncadd.remote.s32 $0x1  }
0xbe: {  	_ =	sfence.sel $0xFFFF  }
0xbf: {  	[dreg:$0x0] =	wrdreg $0xFFFFFFFF;
	(pc) =	sbr.abs _section_cstart, $3  }
0xc0: {  	[dreg:$0x1] =	wrdreg $0xFFFFFFFF  }
0xc1: {  	_ =	task.clear_ibuf [dreg:s7], $0x2FFFF;
	_ =	strace $0x9FFFFFFF  }
0xc2: {  	(tm) =	ssettm $0x7FFFFFFF  }
0xc3: {  	_ =	shalt  }
tec
execute0_lowered:
.L_overlay_start_1:
0x0: {  	(tag) =	ssettag $0x1  }
0x1: {  	s1 =	srdreg.scid  }
0x2: {  	s2 =	rddreg [dreg:$0x0];
	s0 =	stileid.u32  }
0x3: {  	s6 =	rddreg [dreg:$0x1];
	s5 =	simm.s32 $0x2;
	s1 =	sshll.u32 s1, $0x9  }
0x4: {  	s10 =	simm.s32 $0x3;
	s3 =	sshll.u32 s0, $0xA;
	s4 =	sand.u32 $0x200, s1  }
0x5: {  	s12 =	simm.s32 $0x0;
	s11 =	simm.s32 $0x0;
	s3 =	sor.u32 s3, s4  }
0x6: {  	s1 =	rddreg [dreg:$0x2];
	_ =	strace $0x80000047;
	s4 =	sshrl.u32 s3, $0x3  }
0x7: {  	s7 =	ssub.s32 $0x4000, s3;
	s8 =	sadd.s32 s4, s6;
	s4 =	simm.s32 $0x1  }
.Ltmp0:
0x8: {  	s9 =	sand.u32 $0x3E00, s7;
	s7 =	sshrl.u32 s7, $0xE;
	(pc) =	sbr.rel .LBB2_1-.Ltmp0, $4  }
0x9: {  	s6 =	sadd.s32 $0x4800, s6;
	p0 =	sne.s32 s9, $0x0;
	s9 =	simm.s32 $0x1  }
0xa: {  	[sflag:s4] =	ssyncpa.u1 $0x0;
	s8 =	sadd.s32 $0x4000, s8;
	s9 =	simm.s32 @!p0 $0x0  }
0xb: {  	[sflag:s5] =	ssyncpa.u1 $0x0;
	p0 =	por $0x0, $0x0;
	s7 =	sadd.s32 s9, s7  }
0xc: {  	vm0 =	vmmov $0xffff;
	[sflag:s10] =	ssyncpa.u1 $0x0;
	s10 =	simm.s32 $0x0;
	s9 =	sadd.s32 $0x1, s7  }
.LBB2_4:
0xd: {  	_ =	sdelay $0x3  }
0xe: {  	[tilespmem:s20], [sflag:$0x1] =	stream.indirect_vreg.gather [hbm4b:s2+s10], $0x1, v0, vm0, $0x4038;
	[tilespmem:$0x1400] =	vst v63  }
0xf: {  	s14 =	sadd.s32 s17, s14  }
0x10: {  	v0 =	vld.msk [tilespmem:s14+$0x0 ss:$0x1], $0xffff;
	_ =	sdelay $0x4  }
0x11: {  	vm1 =	vgt.s32 v0, $0x0  }
0x12: {  	v0 =	vnsel vm1, $0x0, v0  }
0x13: {  	v0 =	vmin.u32 v0, $0xF423F  }
0x14: {  	v1 =	vshll.u32 v0, $0x2  }
0x15: {  	v0 =	vand.u32 $0x7F, v0;
	v1 =	vand.u32 $0x3FFE00, v1  }
0x16: {  	v0 =	vor.u32 v0, v1;
	_ =	sdelay $0x1  }
0x17: {  	s28 =	sand.u32 $0x600, s16  }
0x18: {  	s15 =	sand.u32 $0x70, s15;
	(ifvalue) =	ssetifvalue $0x7FFFFFFF;
	s14 =	sadd.s32 s28, s13;
	v1 =	vor.u32 $0x80, v0  }
0x19: {  	s14 =	sadd.s32 s15, s14;
	(ifvalue) =	ssetifvalue $0x7FFFFFFF  }
0x1a: {  	[tilespmem:s14], [sflag:$0x1] =	stream.indirect_vreg.gather [hbm4b:s2+s10], $0x1, v0, vm0, $0x4038;
	[tilespmem:$0x1400] =	vst v63  }
0x1b: {  	v2 =	vor.u32 $0x100, v0;
	(ifvalue) =	ssetifvalue $0x7FFFFFFF  }
0x1c: {  	s15 =	sadd.s32 $0x80, s14;
	(ifvalue) =	ssetifvalue $0x7FFFFFFF  }
0x1d: {  	[tilespmem:s15], [sflag:$0x1] =	stream.indirect_vreg.gather [hbm4b:s2+s10], $0x1, v1, vm0, $0x4038;
	[tilespmem:$0x1400] =	vst v63  }
0x1e: {  	v0 =	vor.u32 $0x180, v0;
	(ifvalue) =	ssetifvalue $0x7FFFFFFF  }
0x1f: {  	s29 =	sadd.s32 $0x100, s14;
	(ifvalue) =	ssetifvalue $0x7FFFFFFF  }
0x20: {  	[tilespmem:s29], [sflag:$0x1] =	stream.indirect_vreg.gather [hbm4b:s2+s10], $0x1, v2, vm0, $0x4038;
	[tilespmem:$0x1400] =	vst v63  }
0x21: {  	(ifvalue) =	ssetifvalue $0x7FFFFFFF  }
0x22: {  	s30 =	sshll.u32 s12, $0x2;
	s14 =	sadd.s32 $0x180, s14;
	(ifvalue) =	ssetifvalue $0x7FFFFFFF  }
0x23: {  	[tilespmem:s14], [sflag:$0x1] =	stream.indirect_vreg.gather [hbm4b:s2+s10], $0x1, v0, vm0, $0x4038;
	[tilespmem:$0x1400] =	vst v63  }
0x24: {  	s31 =	sand.u32 $0x78, s12;
	s14 =	sand.u32 $0x7FFFFE00, s30  }
0x25: {  	_ =	swait.ge [sflag:s4], $0x800;
	s12 =	sor.u32 s31, s14  }
0x26: {  	[sflag:s4] =	ssyncset.done $0x0;
	s12 =	sshrl.u32 s12, $0x3  }
0x27: {  	[sflag:s4] =	ssyncadd.s32 $0xFFFFF800;
	s12 =	sadd.s32 s6, s12  }
0x28: {  	[hbm:s12] =	stream.linear.scatter [tilespmem:s13], [sflag:$0x3], $0x800, $0x38;
	[tilespmem:$0x1400] =	vst v63  }
.LBB2_5:
0x29: {  	p2 =	sne.s32 s11, s9  }
.Ltmp1:
0x2a: {  	p1 =	slt.u32 s11, $0x2;
	(pc) =	sbr.rel @!p2 .LBB2_6-.Ltmp1, $4  }
0x2b: {  	s12 =	simm.s32 @!p1 $0x3  }
0x2c: {  	_ =	swait.ge @!p1 [sflag:s12], $0x800  }
0x2d: {  	s13 =	sadd.s32 $0x1, s11;
	p0 =	por !p0, !p0;
	[sflag:s12] =	ssyncset.done @!p1 $0x0  }
0x2e: {  	s11 =	smov.u32 s13;
	[sflag:s12] =	ssyncadd.s32 @!p1 $0xFFFFF800;
	s12 =	smov.u32 s3  }
.LBB2_1:
0x2f: {  	p1 =	sge.u32 s11, s7  }
0x30: {  	s13 =	sxor.u32 @!p1 $0xFFFFFFFF, s11  }
0x31: {  	s13 =	sshll.u32 @!p1 s13, $0x9  }
0x32: {  	s31 =	sadd.s32 $0xFFFFFFFF, s11;
	s14 =	simm.s32 @!p1 $0x0;
	s13 =	sand.u32 @!p1 $0x200, s13  }
0x33: {  	[tilespmem:s13], [sflag:$0x2] =	stream.linear.gather @!p1 [hbm4b:s8+s14], $0x200, $0x38;
	[tilespmem:$0x1400] =	vst v63  }
0x34: {  	p1 =	sge.u32 s31, s7  }
.Ltmp2:
0x35: {  	_ = 	snop;
	(pc) =	sbr.rel @p1 .LBB2_5-.Ltmp2, $1  }
0x36: {  	_ =	sdelay $0x3  }
0x37: {  	s13 =	simm.s32 $0x1  }
0x38: {  	_ =	swait.ge [sflag:s5], $0x200;
	s13 =	simm.s32 @!p0 $0x0  }
0x39: {  	[sflag:s5] =	ssyncset.done $0x0;
	s14 =	sshll.u32 s13, $0x9  }
0x3a: {  	[sflag:s5] =	ssyncadd.s32 $0xFFFFFE00;
	s13 =	sadd.s32 $0x0, s14  }
0x3b: {  	v0 =	vld.msk [tilespmem:s13+$0x0 ss:$0x1], $0xffff;
	_ =	sdelay $0x4  }
0x3c: {  	vm1 =	vgt.s32 v0, $0x0  }
0x3d: {  	v0 =	vnsel vm1, $0x0, v0  }
0x3e: {  	v0 =	vmin.u32 v0, $0xF423F  }
0x3f: {  	v1 =	vshll.u32 v0, $0x2  }
0x40: {  	v0 =	vand.u32 $0x7F, v0;
	v1 =	vand.u32 $0x3FFE00, v1  }
0x41: {  	s31 =	sshll.u32 s11, $0xB;
	v0 =	vor.u32 v0, v1  }
0x42: {  	s15 =	simm.s32 $0x0;
	s13 =	sand.u32 $0x800, s31  }
0x43: {  	s16 =	sand.u32 $0x600, s15;
	s13 =	sor.u32 $0x400, s13  }
0x44: {  	s15 =	sand.u32 $0x70, s15;
	(ifvalue) =	ssetifvalue $0x7FFFFFFF;
	s16 =	sadd.s32 s16, s13;
	v1 =	vor.u32 $0x80, v0  }
0x45: {  	(ifvalue) =	ssetifvalue $0x7FFFFFFF;
	s20 =	sadd.s32 s15, s16  }
0x46: {  	[tilespmem:s20], [sflag:$0x1] =	stream.indirect_vreg.gather [hbm4b:s2+s10], $0x1, v0, vm0, $0x4038;
	[tilespmem:$0x1400] =	vst v63  }
0x47: {  	v2 =	vor.u32 $0x100, v0;
	(ifvalue) =	ssetifvalue $0x7FFFFFFF  }
0x48: {  	s15 =	sadd.s32 $0x80, s20;
	(ifvalue) =	ssetifvalue $0x7FFFFFFF  }
0x49: {  	[tilespmem:s15], [sflag:$0x1] =	stream.indirect_vreg.gather [hbm4b:s2+s10], $0x1, v1, vm0, $0x4038;
	[tilespmem:$0x1400] =	vst v63  }
0x4a: {  	s18 =	simm.s32 $0x20;
	v0 =	vor.u32 $0x180, v0;
	(ifvalue) =	ssetifvalue $0x7FFFFFFF  }
0x4b: {  	s19 =	simm.s32 $0x80;
	s17 =	sadd.s32 $0x100, s20;
	(ifvalue) =	ssetifvalue $0x7FFFFFFF  }
0x4c: {  	[tilespmem:s17], [sflag:$0x1] =	stream.indirect_vreg.gather [hbm4b:s2+s10], $0x1, v2, vm0, $0x4038;
	[tilespmem:$0x1400] =	vst v63  }
0x4d: {  	s16 =	simm.s32 $0x40;
	s20 =	sadd.s32 $0x180, s20;
	(ifvalue) =	ssetifvalue $0x7FFFFFFF  }
0x4e: {  	s15 =	simm.s32 $0x10;
	s17 =	simm.s32 $0x10;
	(ifvalue) =	ssetifvalue $0x7FFFFFFF  }
.LBB2_3:
0x4f: {  	[tilespmem:s20], [sflag:$0x1] =	stream.indirect_vreg.gather [hbm4b:s2+s10], $0x1, v0, vm0, $0x4038;
	[tilespmem:$0x1400] =	vst v63  }
0x50: {  	p1 =	sne.s32 s18, $0x1F0;
	s20 =	sadd.s32 s17, s14;
	s17 =	sshra.s32 s19, $0x2  }
0x51: {  	v0 =	vld.msk [tilespmem:s20+$0x0 ss:$0x1], $0xffff;
	s20 =	smov.u32 s18;
	s18 =	sadd.s32 $0x10, s18  }
0x52: {  	(ifvalue) =	ssetifvalue $0x7FFFFFFF;
	_ =	sdelay $0x4  }
0x53: {  	vm1 =	vgt.s32 v0, $0x0  }
0x54: {  	v0 =	vnsel vm1, $0x0, v0  }
0x55: {  	v0 =	vmin.u32 v0, $0xF423F  }
0x56: {  	v1 =	vshll.u32 v0, $0x2  }
0x57: {  	v0 =	vand.u32 $0x7F, v0;
	v1 =	vand.u32 $0x3FFE00, v1  }
0x58: {  	v0 =	vor.u32 v0, v1;
	_ =	sdelay $0x1  }
0x59: {  	s21 =	sand.u32 $0x600, s16;
	s16 =	smov.u32 s19  }
0x5a: {  	s22 =	sand.u32 $0x70, s15;
	s21 =	sadd.s32 s21, s13;
	s15 =	smov.u32 s20;
	v1 =	vor.u32 $0x80, v0  }
0x5b: {  	s20 =	sadd.s32 s22, s21;
	(ifvalue) =	ssetifvalue $0x7FFFFFFF  }
0x5c: {  	[tilespmem:s20], [sflag:$0x1] =	stream.indirect_vreg.gather [hbm4b:s2+s10], $0x1, v0, vm0, $0x4038;
	[tilespmem:$0x1400] =	vst v63  }
0x5d: {  	v2 =	vor.u32 $0x100, v0;
	(ifvalue) =	ssetifvalue $0x7FFFFFFF  }
0x5e: {  	s21 =	sadd.s32 $0x80, s20;
	(ifvalue) =	ssetifvalue $0x7FFFFFFF  }
0x5f: {  	[tilespmem:s21], [sflag:$0x1] =	stream.indirect_vreg.gather [hbm4b:s2+s10], $0x1, v1, vm0, $0x4038;
	[tilespmem:$0x1400] =	vst v63  }
.Ltmp3:
0x60: {  	v0 =	vor.u32 $0x180, v0;
	(ifvalue) =	ssetifvalue $0x7FFFFFFF;
	(pc) =	sbr.rel @p1 .LBB2_3-.Ltmp3, $4  }
0x61: {  	s21 =	sadd.s32 $0x100, s20;
	(ifvalue) =	ssetifvalue $0x7FFFFFFF  }
0x62: {  	[tilespmem:s21], [sflag:$0x1] =	stream.indirect_vreg.gather [hbm4b:s2+s10], $0x1, v2, vm0, $0x4038;
	[tilespmem:$0x1400] =	vst v63  }
0x63: {  	(ifvalue) =	ssetifvalue $0x7FFFFFFF  }
0x64: {  	s19 =	sadd.s32 $0x40, s19;
	s20 =	sadd.s32 $0x180, s20;
	(ifvalue) =	ssetifvalue $0x7FFFFFFF  }
.Ltmp4:
0x65: {  	_ = 	snop;
	(pc) =	sbr.rel .LBB2_4-.Ltmp4, $1  }
0x66: {  	_ =	sdelay $0x3  }
.LBB2_6:
0x67: {  	_ =	sfence.sel $0x180000  }
0x68: {  	s2 =	simm.s32 $0x2;
	[bflag:$0x0] =	sbarrier.arrive $0xFFFF  }
0x69: {  	s30 =	simm.s32 $0x3;
	[sflag:s2] =	ssyncpa.u1 $0x1  }
0x6a: {  	s31 =	simm.s32 $0x1;
	[sflag:s30] =	ssyncpa.u1 $0x1  }
0x6b: {  	[sflag:s31] =	ssyncpa.u1 $0x1  }
0x6c: {  	p0 =	sne.s32 s0, $0x0;
	_ =	strace $0x90000047  }
0x6d: {  	s0 =	sadd.s32 @!p0 $0x100000, s1;
	[bflag:$0x2] =	sbarrier.arrive $0xFFFF  }
0x6e: {  	[sflag:s0] =	ssyncadd.tile.s32 @!p0 $0x1;
	_ =	shalt  }
.Lfunc_end2:
_tile_overlayer_lowered:
.L_overlay_start_2:
0x6f: {  	(tag) =	ssettag $0x2  }
0x70: {  	s0 =	rddreg [dreg:$0x0];
	s2 =	stileid.u32  }
0x71: {  	s1 =	rddreg [dreg:$0x1];
	p0 =	sne.s32 s2, $0x0  }
0x72: {  	s3 =	rddreg [dreg:$0x2];
	[bflag:$0x3] =	sbarrier.arrive $0xFFFF;
	s2 =	simm.s32 @!p0 $0x1C01  }
0x73: {  	[timem:s3], [sflag:s2] =	dma.local @!p0 [hbm:s0], s1  }
0x74: {  	s0 =	simm.s32 @!p0 $0x1  }
0x75: {  	_ =	swait.ge @!p0 [sflag:s0], s1  }
0x76: {  	s1 =	ssub.s32 @!p0 $0x0, s1;
	[sflag:s0] =	ssyncset.done @!p0 $0x0  }
0x77: {  	[sflag:s0] =	ssyncadd.s32 @!p0 s1  }
0x78: {  	[bflag:$0x3] =	sbarrier.arrive $0xFFFF  }
0x79: {  	_ =	shalt  }

// kernel: gather_offload_async_start.4
scs
__scs_entry_jumppad:
0x0: {  	(pc) =	sbr.rel $0x88, $3  }
0x1: {  	(tag) =	ssettag $0x0;
	lr =	simm.s32 $0x1  }
0x2: {  	[smem:$0x3F96] =	sst lr;
	_ =	strace $0xD0000000  }
0x3: {  	_ = 	snop  }
0x4: {  	_ = 	snop  }
0x5: {  	_ = 	snop  }
0x6: {  	_ = 	snop  }
0x7: {  	_ = 	snop  }
__scs_overlays_trampoline_lowered:
0x8: {  	[smem:$0x3FA5] =	sst s0  }
0x9: {  	[smem:$0x3FA6] =	sst s1  }
0xa: {  	[smem:$0x3FA7] =	sst s2  }
0xb: {  	[smem:$0x3FA8] =	sst s3  }
0xc: {  	[smem:$0x3FA9] =	sst s4  }
0xd: {  	[smem:$0x3FAA] =	sst s5  }
0xe: {  	[smem:$0x3FAB] =	sst s6  }
0xf: {  	[smem:$0x3FAC] =	sst s7  }
0x10: {  	[smem:$0x3FAD] =	sst s8  }
0x11: {  	[smem:$0x3FAE] =	sst s9;
	s0 =	simm.s32 @!p0 $0x0  }
0x12: {  	s1 =	sld [smem:$0x3F94];
	s0 =	simm.s32 @p0 $0x1  }
0x13: {  	[smem:$0x3FAF] =	sst s0;
	s0 =	simm.s32 @!p1 $0x0  }
0x14: {  	s2 =	sld [smem:$0x3F93];
	s0 =	simm.s32 @p1 $0x1  }
0x15: {  	[smem:$0x3FB0] =	sst s0;
	s0 =	simm.s32 @!p2 $0x0  }
0x16: {  	s3 =	sld [smem:$0x3FDB];
	s0 =	simm.s32 @p2 $0x1  }
0x17: {  	s4 =	simm.s32 $0x1BF5;
	[smem:$0x3FB2] =	sst s0  }
0x18: {  	s0 =	sld [smem:$0x3F95];
	_ =	swait.ge [sflag:s4], $0x0  }
0x19: {  	s7 =	sld [smem:$0x3F96]  }
0x1a: {  	s8 =	sadd.s32 $0xFFFFE003, lr  }
0x1b: {  	s9 =	sadd.s32 $0xFFFFFEF7, lr;
	s5 =	simm.s32 $0xFFFFFFFF;
	p2 =	slt.u32 s8, $0xFFFFF086  }
0x1c: {  	p1 =	slt.u32 s9, $0xF7A;
	s5 =	simm.s32 @!p2 $0x0  }
0x1d: {  	s5 =	simm.s32 @p1 $0x1;
	p0 =	seq.s32 s7, s2  }
0x1e: {  	s7 =	smul.u32 @!p0 $0xF7A, s2;
	p2 =	seq.s32 @!p0 s5, $0x0  }
0x1f: {  	s9 =	smul.u32 $0xF7A, s1;
	s8 =	simm.s32 @!p0 $0x1BF5;
	p2 =	por !p2, p0  }
0x20: {  	[sflag:s8] =	ssyncset.s32 @!p0 $0xFFFFF086;
	s6 =	sadd.s32 @!p0 s3, s7;
	s7 =	simm.s32 @!p0 $0x108  }
0x21: {  	s3 =	sadd.s32 s3, s9;
	s6 =	sadd.s32 @!p0 $0x88, s6;
	s7 =	simm.s32 @p2 $0x1082  }
0x22: {  	[simem:s7], [sflag:s8] =	dma.local @!p0 [hbm:s6], $0xF7A  }
0x23: {  	s9 =	sor.u32 $0xD0000000, s2;
	s6 =	simm.s32 $0x108;
	_ =	swait.ge @!p0 [sflag:s8], $0x0  }
0x24: {  	s3 =	sadd.s32 $0x88, s3;
	s6 =	simm.s32 @!p1 $0x1082;
	[sflag:s4] =	ssyncset.s32 $0xFFFFF086  }
0x25: {  	[simem:s6], [sflag:s4] =	dma.local [hbm:s3], $0xF7A  }
0x26: {  	[smem:$0x3F96] =	sst s1;
	(tag) =	ssettag s2;
	_ =	strace s9  }
0x27: {  	s1 =	sld [smem:$0x3FA6]  }
0x28: {  	s2 =	sld [smem:$0x3FA7]  }
0x29: {  	s4 =	sld [smem:$0x3FA9]  }
0x2a: {  	p0 =	seq.s32 s5, $0x0;
	s5 =	sld [smem:$0x3FAA]  }
0x2b: {  	s6 =	sld [smem:$0x3FAB]  }
0x2c: {  	s7 =	sld [smem:$0x3FAC]  }
0x2d: {  	s3 =	simm.s32 $0x108;
	s8 =	sld [smem:$0x3FAD]  }
0x2e: {  	s3 =	simm.s32 @!p0 $0x1082;
	s9 =	sld [smem:$0x3FAE]  }
0x2f: {  	lr =	sadd.s32 s0, s3;
	s0 =	sld [smem:$0x3FA5]  }
0x30: {  	s3 =	sld [smem:$0x3FA8]  }
0x31: {  	[smem:$0x3FB1] =	sst s10  }
0x32: {  	s10 =	sld [smem:$0x3FAF];
	_ =	sdelay $0x3  }
0x33: {  	p0 =	seq.s32 s10, $0x1;
	s10 =	sld [smem:$0x3FB1];
	_ =	sdelay $0x3  }
0x34: {  	[smem:$0x3FB1] =	sst s10  }
0x35: {  	s10 =	sld [smem:$0x3FB0];
	_ =	sdelay $0x3  }
0x36: {  	p1 =	seq.s32 s10, $0x1;
	s10 =	sld [smem:$0x3FB1];
	_ =	sdelay $0x3  }
0x37: {  	[smem:$0x3FB1] =	sst s10  }
0x38: {  	s10 =	sld [smem:$0x3FB2]  }
0x39: {  	_ = 	snop;
	(pc) =	sbr.ind lr, $3  }
0x3a: {  	_ = 	snop  }
0x3b: {  	_ = 	snop  }
0x3c: {  	p2 =	seq.s32 s10, $0x1;
	s10 =	sld [smem:$0x3FB1]  }
0x3d: {  	_ =	shalt  }
0x3e: {  	_ =	shalt  }
0x3f: {  	_ =	shalt  }
0x40: {  	_ =	shalt  }
0x41: {  	_ =	shalt  }
0x42: {  	_ =	shalt  }
0x43: {  	_ =	shalt  }
0x44: {  	_ =	shalt  }
0x45: {  	_ =	shalt  }
0x46: {  	_ =	shalt  }
0x47: {  	_ =	shalt  }
0x48: {  	_ =	shalt  }
0x49: {  	_ =	shalt  }
0x4a: {  	_ =	shalt  }
0x4b: {  	_ =	shalt  }
0x4c: {  	_ =	shalt  }
0x4d: {  	_ =	shalt  }
0x4e: {  	_ =	shalt  }
0x4f: {  	_ =	shalt  }
0x50: {  	_ =	shalt  }
0x51: {  	_ =	shalt  }
0x52: {  	_ =	shalt  }
0x53: {  	_ =	shalt  }
0x54: {  	_ =	shalt  }
0x55: {  	_ =	shalt  }
0x56: {  	_ =	shalt  }
0x57: {  	_ =	shalt  }
0x58: {  	_ =	shalt  }
0x59: {  	_ =	shalt  }
0x5a: {  	_ =	shalt  }
0x5b: {  	_ =	shalt  }
0x5c: {  	_ =	shalt  }
0x5d: {  	_ =	shalt  }
0x5e: {  	_ =	shalt  }
0x5f: {  	_ =	shalt  }
0x60: {  	_ =	shalt  }
0x61: {  	_ =	shalt  }
0x62: {  	_ =	shalt  }
0x63: {  	_ =	shalt  }
0x64: {  	_ =	shalt  }
0x65: {  	_ =	shalt  }
0x66: {  	_ =	shalt  }
0x67: {  	_ =	shalt  }
0x68: {  	_ =	shalt  }
0x69: {  	_ =	shalt  }
0x6a: {  	_ =	shalt  }
0x6b: {  	_ =	shalt  }
0x6c: {  	_ =	shalt  }
0x6d: {  	_ =	shalt  }
0x6e: {  	_ =	shalt  }
0x6f: {  	_ =	shalt  }
0x70: {  	_ =	shalt  }
0x71: {  	_ =	shalt  }
0x72: {  	_ =	shalt  }
0x73: {  	_ =	shalt  }
0x74: {  	_ =	shalt  }
0x75: {  	_ =	shalt  }
0x76: {  	_ =	shalt  }
0x77: {  	_ =	shalt  }
0x78: {  	_ =	shalt  }
0x79: {  	_ =	shalt  }
0x7a: {  	_ =	shalt  }
0x7b: {  	_ =	shalt  }
0x7c: {  	_ =	shalt  }
0x7d: {  	_ =	shalt  }
0x7e: {  	_ =	shalt  }
0x7f: {  	_ =	shalt  }
0x80: {  	_ =	shalt  }
0x81: {  	_ =	shalt  }
0x82: {  	_ =	shalt  }
0x83: {  	_ =	shalt  }
0x84: {  	_ =	shalt  }
0x85: {  	_ =	shalt  }
0x86: {  	_ =	shalt  }
0x87: {  	_ =	shalt  }
.Lfunc_end0:
.L_simem_size_0:
called_computation.5_lowered:
.L_overlay_start_0:
0x88: {  	s2 =	sld [smem:$0x3FD9]  }
0x89: {  	s3 =	sld [smem:$0x3FFE];
	_ =	sdelay $0x1  }
0x8a: {  	s1 =	srdreg.scid  }
0x8b: {  	s0 =	sand.u32 $0x1, s1  }
0x8c: {  	s17 =	sshll.u32 s0, $0xA;
	s2 =	sadd.s32 s3, s2  }
0x8d: {  	s2 =	sadd.s32 s2, s17  }
0x8e: {  	[smem:$0x3FBD] =	sst s2  }
0x8f: {  	_ = 	snop  }
0x90: {  	s2 =	sld [smem:$0x3FC6];
	(tm) =	ssettm $0x1  }
0x91: {  	s18 =	sld [smem:$0x3FFB];
	_ =	sdelay $0x3  }
0x92: {  	_ =	strace s18  }
0x93: {  	s3 =	sld [smem:$0x3FFC];
	_ =	sdelay $0x3  }
0x94: {  	_ =	strace s3  }
0x95: {  	s3 =	sld [smem:$0x3FFD];
	_ =	sdelay $0x3  }
0x96: {  	_ =	strace s3  }
0x97: {  	_ =	strace $0x8FFFFFFF  }
0x98: {  	s19 =	sld [smem:$0x3FDB];
	_ =	sdelay $0x1  }
0x99: {  	s4 =	simm.s32 $_scs_section_size  }
0x9a: {  	s5 =	simm.s32 $_size__tile_overlayer_lowered;
	s6 =	simm.s32 $_tile_overlayer_lowered  }
0x9b: {  	s22 =	simm.s32 $0x1BFF;
	s21 =	sshll.u32 s6, $0x1;
	s3 =	sadd.s32 s4, s19  }
0x9c: {  	s7 =	simm.s32 $0x0;
	s20 =	sshll.u32 s5, $0x1;
	s5 =	sadd.s32 s21, s3  }
0x9d: {  	[timem:s7], [sflag:s22] =	dma.local [hbm:s5], s20  }
0x9e: {  	_ =	swait.ge [sflag:s22], s20  }
0x9f: {  	s4 =	ssub.s32 $0x0, s20;
	[sflag:s22] =	ssyncset.done $0x0  }
0xa0: {  	[sflag:s22] =	ssyncadd.s32 s4;
	_ =	sdelay $0x1  }
0xa1: {  	s23 =	simm.s32 $0x1B8B  }
0xa2: {  	_ =	swait.ge [sflag:s23], $0x1  }
0xa3: {  	[sflag:s23] =	ssyncset.done $0x0  }
0xa4: {  	s25 =	simm.s32 $0x1B8E;
	s24 =	sld [smem:$0x3FFE];
	[sflag:s23] =	ssyncadd.s32 $0xFFFFFFFF  }
0xa5: {  	s26 =	simm.s32 $execute0_lowered;
	[smem:$0x3FD2] =	sst s25  }
0xa6: {  	s5 =	sshll.u32 s26, $0x1;
	_ =	strace $0x80000049;
	[dreg:$0x1] =	wrdreg $0xFFFFFFFF  }
0xa7: {  	s28 =	simm.s32 $_size_execute0_lowered;
	s3 =	sadd.s32 s3, s5;
	[dreg:$0x0] =	wrdreg $0x0  }
0xa8: {  	s5 =	sshll.u32 s28, $0x1;
	[dreg:$0x2] =	wrdreg s3  }
0xa9: {  	[dreg:$0x3] =	wrdreg s5  }
0xaa: {  	[dreg:$0x4] =	wrdreg $0xC0  }
0xab: {  	_ =	task [dreg:s7], $0x5FFFF  }
0xac: {  	[dreg:$0x1] =	wrdreg $0xFFFFFFFF  }
0xad: {  	[dreg:$0x0] =	wrdreg $0x60  }
0xae: {  	[dreg:$0x2] =	wrdreg s2  }
0xaf: {  	[dreg:$0x3] =	wrdreg s24  }
0xb0: {  	[dreg:$0x4] =	wrdreg $0x9  }
0xb1: {  	_ =	task.clear_ibuf [dreg:s7], $0x5FFFF;
	_ =	strace $0x90000049  }
0xb2: {  	s29 =	simm.s32 $0x9;
	_ =	strace $0x8000004B  }
0xb3: {  	_ =	swait.ge [sflag:s29], $0x1  }
0xb4: {  	[sflag:s29] =	ssyncadd.s32 $0xFFFFFFFF  }
0xb5: {  	_ =	strace $0x9000004B  }
0xb6: {  	_ =	sfence  }
0xb7: {  	s30 =	sld [smem:$0x0];
	_ =	sdelay $0x2  }
0xb8: {  	s31 =	sshll.u32 s1, $0xD;
	s1 =	sshrl.u32 s1, $0x2  }
0xb9: {  	s3 =	sand.u32 $0x4000, s31;
	s1 =	sadd.s32 s1, s30  }
0xba: {  	s0 =	sor.u32 s3, s0;
	s1 =	sshll.u32 s1, $0x11  }
0xbb: {  	s0 =	sor.u32 s1, s0  }
0xbc: {  	s0 =	sadd.s32 $0x8F2B, s0  }
0xbd: {  	[sflag:s0] =	ssyncadd.remote.s32 $0x1  }
0xbe: {  	_ =	sfence.sel $0xFFFF  }
0xbf: {  	[dreg:$0x0] =	wrdreg $0xFFFFFFFF;
	(pc) =	sbr.abs _section_cstart, $3  }
0xc0: {  	[dreg:$0x1] =	wrdreg $0xFFFFFFFF  }
0xc1: {  	_ =	task.clear_ibuf [dreg:s7], $0x2FFFF;
	_ =	strace $0x9FFFFFFF  }
0xc2: {  	(tm) =	ssettm $0x7FFFFFFF  }
0xc3: {  	_ =	shalt  }
tec
execute0_lowered:
.L_overlay_start_1:
0x0: {  	(tag) =	ssettag $0x1  }
0x1: {  	s1 =	srdreg.scid  }
0x2: {  	s2 =	rddreg [dreg:$0x0];
	s0 =	stileid.u32  }
0x3: {  	s6 =	rddreg [dreg:$0x1];
	s5 =	simm.s32 $0x2;
	s1 =	sshll.u32 s1, $0xB  }
0x4: {  	s10 =	simm.s32 $0x3;
	s3 =	sshll.u32 s0, $0xC;
	s4 =	sand.u32 $0x800, s1  }
0x5: {  	s12 =	simm.s32 $0x0;
	s11 =	simm.s32 $0x0;
	s3 =	sor.u32 s3, s4  }
0x6: {  	s1 =	rddreg [dreg:$0x2];
	_ =	strace $0x8000004A;
	s4 =	sshrl.u32 s3, $0x3  }
0x7: {  	s7 =	ssub.s32 $0x10000, s3;
	s8 =	sadd.s32 s4, s6;
	s4 =	simm.s32 $0x1  }
.Ltmp0:
0x8: {  	s9 =	sand.u32 $0xF800, s7;
	s7 =	sshrl.u32 s7, $0x10;
	(pc) =	sbr.rel .LBB2_1-.Ltmp0, $4  }
0x9: {  	s6 =	sadd.s32 $0x8A00, s6;
	p0 =	sne.s32 s9, $0x0;
	s9 =	simm.s32 $0x1  }
0xa: {  	[sflag:s4] =	ssyncpa.u1 $0x0;
	s8 =	sadd.s32 $0x6A00, s8;
	s9 =	simm.s32 @!p0 $0x0  }
0xb: {  	[sflag:s5] =	ssyncpa.u1 $0x0;
	p0 =	por $0x0, $0x0;
	s7 =	sadd.s32 s9, s7  }
0xc: {  	vm0 =	vmmov $0xffff;
	[sflag:s10] =	ssyncpa.u1 $0x0;
	s10 =	simm.s32 $0x0;
	s9 =	sadd.s32 $0x1, s7  }
.LBB2_4:
0xd: {  	_ =	sdelay $0x3  }
0xe: {  	[tilespmem:s20], [sflag:$0x1] =	stream.indirect_vreg.gather [hbm4b:s2+s10], $0x1, v0, vm0, $0x4038;
	[tilespmem:$0x5000] =	vst v63  }
0xf: {  	s14 =	sadd.s32 s17, s14  }
0x10: {  	v0 =	vld.msk [tilespmem:s14+$0x0 ss:$0x1], $0xffff;
	_ =	sdelay $0x4  }
0x11: {  	vm1 =	vgt.s32 v0, $0x0  }
0x12: {  	v0 =	vnsel vm1, $0x0, v0  }
0x13: {  	v0 =	vmin.u32 v0, $0xF423F  }
0x14: {  	v1 =	vshll.u32 v0, $0x2  }
0x15: {  	v0 =	vand.u32 $0x7F, v0;
	v1 =	vand.u32 $0x3FFE00, v1  }
0x16: {  	v0 =	vor.u32 v0, v1;
	_ =	sdelay $0x1  }
0x17: {  	s28 =	sand.u32 $0x1E00, s16  }
0x18: {  	s15 =	sand.u32 $0x70, s15;
	(ifvalue) =	ssetifvalue $0x7FFFFFFF;
	s14 =	sadd.s32 s28, s13;
	v1 =	vor.u32 $0x80, v0  }
0x19: {  	s14 =	sadd.s32 s15, s14;
	(ifvalue) =	ssetifvalue $0x7FFFFFFF  }
0x1a: {  	[tilespmem:s14], [sflag:$0x1] =	stream.indirect_vreg.gather [hbm4b:s2+s10], $0x1, v0, vm0, $0x4038;
	[tilespmem:$0x5000] =	vst v63  }
0x1b: {  	v2 =	vor.u32 $0x100, v0;
	(ifvalue) =	ssetifvalue $0x7FFFFFFF  }
0x1c: {  	s15 =	sadd.s32 $0x80, s14;
	(ifvalue) =	ssetifvalue $0x7FFFFFFF  }
0x1d: {  	[tilespmem:s15], [sflag:$0x1] =	stream.indirect_vreg.gather [hbm4b:s2+s10], $0x1, v1, vm0, $0x4038;
	[tilespmem:$0x5000] =	vst v63  }
0x1e: {  	v0 =	vor.u32 $0x180, v0;
	(ifvalue) =	ssetifvalue $0x7FFFFFFF  }
0x1f: {  	s29 =	sadd.s32 $0x100, s14;
	(ifvalue) =	ssetifvalue $0x7FFFFFFF  }
0x20: {  	[tilespmem:s29], [sflag:$0x1] =	stream.indirect_vreg.gather [hbm4b:s2+s10], $0x1, v2, vm0, $0x4038;
	[tilespmem:$0x5000] =	vst v63  }
0x21: {  	(ifvalue) =	ssetifvalue $0x7FFFFFFF  }
0x22: {  	s30 =	sshll.u32 s12, $0x2;
	s14 =	sadd.s32 $0x180, s14;
	(ifvalue) =	ssetifvalue $0x7FFFFFFF  }
0x23: {  	[tilespmem:s14], [sflag:$0x1] =	stream.indirect_vreg.gather [hbm4b:s2+s10], $0x1, v0, vm0, $0x4038;
	[tilespmem:$0x5000] =	vst v63  }
0x24: {  	s31 =	sand.u32 $0x78, s12;
	s14 =	sand.u32 $0x7FFFFE00, s30  }
0x25: {  	_ =	swait.ge [sflag:s4], $0x2000;
	s12 =	sor.u32 s31, s14  }
0x26: {  	[sflag:s4] =	ssyncset.done $0x0;
	s12 =	sshrl.u32 s12, $0x3  }
0x27: {  	[sflag:s4] =	ssyncadd.s32 $0xFFFFE000;
	s12 =	sadd.s32 s6, s12  }
0x28: {  	[hbm:s12] =	stream.linear.scatter [tilespmem:s13], [sflag:$0x3], $0x2000, $0x38;
	[tilespmem:$0x5000] =	vst v63  }
.LBB2_5:
0x29: {  	p2 =	sne.s32 s11, s9  }
.Ltmp1:
0x2a: {  	p1 =	slt.u32 s11, $0x2;
	(pc) =	sbr.rel @!p2 .LBB2_6-.Ltmp1, $4  }
0x2b: {  	s12 =	simm.s32 @!p1 $0x3  }
0x2c: {  	_ =	swait.ge @!p1 [sflag:s12], $0x2000  }
0x2d: {  	s13 =	sadd.s32 $0x1, s11;
	p0 =	por !p0, !p0;
	[sflag:s12] =	ssyncset.done @!p1 $0x0  }
0x2e: {  	s11 =	smov.u32 s13;
	[sflag:s12] =	ssyncadd.s32 @!p1 $0xFFFFE000;
	s12 =	smov.u32 s3  }
.LBB2_1:
0x2f: {  	p1 =	sge.u32 s11, s7  }
0x30: {  	s13 =	sxor.u32 @!p1 $0xFFFFFFFF, s11  }
0x31: {  	s13 =	sshll.u32 @!p1 s13, $0xB  }
0x32: {  	s31 =	sadd.s32 $0xFFFFFFFF, s11;
	s14 =	simm.s32 @!p1 $0x0;
	s13 =	sand.u32 @!p1 $0x800, s13  }
0x33: {  	[tilespmem:s13], [sflag:$0x2] =	stream.linear.gather @!p1 [hbm4b:s8+s14], $0x800, $0x38;
	[tilespmem:$0x5000] =	vst v63  }
0x34: {  	p1 =	sge.u32 s31, s7  }
.Ltmp2:
0x35: {  	_ = 	snop;
	(pc) =	sbr.rel @p1 .LBB2_5-.Ltmp2, $1  }
0x36: {  	_ =	sdelay $0x3  }
0x37: {  	s13 =	simm.s32 $0x1  }
0x38: {  	_ =	swait.ge [sflag:s5], $0x800;
	s13 =	simm.s32 @!p0 $0x0  }
0x39: {  	[sflag:s5] =	ssyncset.done $0x0;
	s14 =	sshll.u32 s13, $0xB  }
0x3a: {  	[sflag:s5] =	ssyncadd.s32 $0xFFFFF800;
	s13 =	sadd.s32 $0x0, s14  }
0x3b: {  	v0 =	vld.msk [tilespmem:s13+$0x0 ss:$0x1], $0xffff;
	_ =	sdelay $0x4  }
0x3c: {  	vm1 =	vgt.s32 v0, $0x0  }
0x3d: {  	v0 =	vnsel vm1, $0x0, v0  }
0x3e: {  	v0 =	vmin.u32 v0, $0xF423F  }
0x3f: {  	v1 =	vshll.u32 v0, $0x2  }
0x40: {  	v0 =	vand.u32 $0x7F, v0;
	v1 =	vand.u32 $0x3FFE00, v1  }
0x41: {  	s31 =	sshll.u32 s11, $0xD;
	v0 =	vor.u32 v0, v1  }
0x42: {  	s15 =	simm.s32 $0x0;
	s13 =	sand.u32 $0x2000, s31  }
0x43: {  	s16 =	sand.u32 $0x1E00, s15;
	s13 =	sor.u32 $0x1000, s13  }
0x44: {  	s15 =	sand.u32 $0x70, s15;
	(ifvalue) =	ssetifvalue $0x7FFFFFFF;
	s16 =	sadd.s32 s16, s13;
	v1 =	vor.u32 $0x80, v0  }
0x45: {  	(ifvalue) =	ssetifvalue $0x7FFFFFFF;
	s20 =	sadd.s32 s15, s16  }
0x46: {  	[tilespmem:s20], [sflag:$0x1] =	stream.indirect_vreg.gather [hbm4b:s2+s10], $0x1, v0, vm0, $0x4038;
	[tilespmem:$0x5000] =	vst v63  }
0x47: {  	v2 =	vor.u32 $0x100, v0;
	(ifvalue) =	ssetifvalue $0x7FFFFFFF  }
0x48: {  	s15 =	sadd.s32 $0x80, s20;
	(ifvalue) =	ssetifvalue $0x7FFFFFFF  }
0x49: {  	[tilespmem:s15], [sflag:$0x1] =	stream.indirect_vreg.gather [hbm4b:s2+s10], $0x1, v1, vm0, $0x4038;
	[tilespmem:$0x5000] =	vst v63  }
0x4a: {  	s18 =	simm.s32 $0x20;
	v0 =	vor.u32 $0x180, v0;
	(ifvalue) =	ssetifvalue $0x7FFFFFFF  }
0x4b: {  	s19 =	simm.s32 $0x80;
	s17 =	sadd.s32 $0x100, s20;
	(ifvalue) =	ssetifvalue $0x7FFFFFFF  }
0x4c: {  	[tilespmem:s17], [sflag:$0x1] =	stream.indirect_vreg.gather [hbm4b:s2+s10], $0x1, v2, vm0, $0x4038;
	[tilespmem:$0x5000] =	vst v63  }
0x4d: {  	s16 =	simm.s32 $0x40;
	s20 =	sadd.s32 $0x180, s20;
	(ifvalue) =	ssetifvalue $0x7FFFFFFF  }
0x4e: {  	s15 =	simm.s32 $0x10;
	s17 =	simm.s32 $0x10;
	(ifvalue) =	ssetifvalue $0x7FFFFFFF  }
.LBB2_3:
0x4f: {  	[tilespmem:s20], [sflag:$0x1] =	stream.indirect_vreg.gather [hbm4b:s2+s10], $0x1, v0, vm0, $0x4038;
	[tilespmem:$0x5000] =	vst v63  }
0x50: {  	p1 =	sne.s32 s18, $0x7F0;
	s20 =	sadd.s32 s17, s14;
	s17 =	sshra.s32 s19, $0x2  }
0x51: {  	v0 =	vld.msk [tilespmem:s20+$0x0 ss:$0x1], $0xffff;
	s20 =	smov.u32 s18;
	s18 =	sadd.s32 $0x10, s18  }
0x52: {  	(ifvalue) =	ssetifvalue $0x7FFFFFFF;
	_ =	sdelay $0x4  }
0x53: {  	vm1 =	vgt.s32 v0, $0x0  }
0x54: {  	v0 =	vnsel vm1, $0x0, v0  }
0x55: {  	v0 =	vmin.u32 v0, $0xF423F  }
0x56: {  	v1 =	vshll.u32 v0, $0x2  }
0x57: {  	v0 =	vand.u32 $0x7F, v0;
	v1 =	vand.u32 $0x3FFE00, v1  }
0x58: {  	v0 =	vor.u32 v0, v1;
	_ =	sdelay $0x1  }
0x59: {  	s21 =	sand.u32 $0x1E00, s16;
	s16 =	smov.u32 s19  }
0x5a: {  	s22 =	sand.u32 $0x70, s15;
	s21 =	sadd.s32 s21, s13;
	s15 =	smov.u32 s20;
	v1 =	vor.u32 $0x80, v0  }
0x5b: {  	s20 =	sadd.s32 s22, s21;
	(ifvalue) =	ssetifvalue $0x7FFFFFFF  }
0x5c: {  	[tilespmem:s20], [sflag:$0x1] =	stream.indirect_vreg.gather [hbm4b:s2+s10], $0x1, v0, vm0, $0x4038;
	[tilespmem:$0x5000] =	vst v63  }
0x5d: {  	v2 =	vor.u32 $0x100, v0;
	(ifvalue) =	ssetifvalue $0x7FFFFFFF  }
0x5e: {  	s21 =	sadd.s32 $0x80, s20;
	(ifvalue) =	ssetifvalue $0x7FFFFFFF  }
0x5f: {  	[tilespmem:s21], [sflag:$0x1] =	stream.indirect_vreg.gather [hbm4b:s2+s10], $0x1, v1, vm0, $0x4038;
	[tilespmem:$0x5000] =	vst v63  }
.Ltmp3:
0x60: {  	v0 =	vor.u32 $0x180, v0;
	(ifvalue) =	ssetifvalue $0x7FFFFFFF;
	(pc) =	sbr.rel @p1 .LBB2_3-.Ltmp3, $4  }
0x61: {  	s21 =	sadd.s32 $0x100, s20;
	(ifvalue) =	ssetifvalue $0x7FFFFFFF  }
0x62: {  	[tilespmem:s21], [sflag:$0x1] =	stream.indirect_vreg.gather [hbm4b:s2+s10], $0x1, v2, vm0, $0x4038;
	[tilespmem:$0x5000] =	vst v63  }
0x63: {  	(ifvalue) =	ssetifvalue $0x7FFFFFFF  }
0x64: {  	s19 =	sadd.s32 $0x40, s19;
	s20 =	sadd.s32 $0x180, s20;
	(ifvalue) =	ssetifvalue $0x7FFFFFFF  }
.Ltmp4:
0x65: {  	_ = 	snop;
	(pc) =	sbr.rel .LBB2_4-.Ltmp4, $1  }
0x66: {  	_ =	sdelay $0x3  }
.LBB2_6:
0x67: {  	_ =	sfence.sel $0x180000  }
0x68: {  	s2 =	simm.s32 $0x2;
	[bflag:$0x0] =	sbarrier.arrive $0xFFFF  }
0x69: {  	s30 =	simm.s32 $0x3;
	[sflag:s2] =	ssyncpa.u1 $0x1  }
0x6a: {  	s31 =	simm.s32 $0x1;
	[sflag:s30] =	ssyncpa.u1 $0x1  }
0x6b: {  	[sflag:s31] =	ssyncpa.u1 $0x1  }
0x6c: {  	p0 =	sne.s32 s0, $0x0;
	_ =	strace $0x9000004A  }
0x6d: {  	s0 =	sadd.s32 @!p0 $0x100000, s1;
	[bflag:$0x2] =	sbarrier.arrive $0xFFFF  }
0x6e: {  	[sflag:s0] =	ssyncadd.tile.s32 @!p0 $0x1;
	_ =	shalt  }
.Lfunc_end2:
_tile_overlayer_lowered:
.L_overlay_start_2:
0x6f: {  	(tag) =	ssettag $0x2  }
0x70: {  	s0 =	rddreg [dreg:$0x0];
	s2 =	stileid.u32  }
0x71: {  	s1 =	rddreg [dreg:$0x1];
	p0 =	sne.s32 s2, $0x0  }
0x72: {  	s3 =	rddreg [dreg:$0x2];
	[bflag:$0x3] =	sbarrier.arrive $0xFFFF;
	s2 =	simm.s32 @!p0 $0x1C01  }
0x73: {  	[timem:s3], [sflag:s2] =	dma.local @!p0 [hbm:s0], s1  }
0x74: {  	s0 =	simm.s32 @!p0 $0x1  }
0x75: {  	_ =	swait.ge @!p0 [sflag:s0], s1  }
0x76: {  	s1 =	ssub.s32 @!p0 $0x0, s1;
	[sflag:s0] =	ssyncset.done @!p0 $0x0  }
0x77: {  	[sflag:s0] =	ssyncadd.s32 @!p0 s1  }
0x78: {  	[bflag:$0x3] =	sbarrier.arrive $0xFFFF  }
0x79: {  	_ =	shalt  }

// kernel: gather_offload_async_start.5
scs
__scs_entry_jumppad:
0x0: {  	(pc) =	sbr.rel $0x88, $3  }
0x1: {  	(tag) =	ssettag $0x0;
	lr =	simm.s32 $0x1  }
0x2: {  	[smem:$0x3F96] =	sst lr;
	_ =	strace $0xD0000000  }
0x3: {  	_ = 	snop  }
0x4: {  	_ = 	snop  }
0x5: {  	_ = 	snop  }
0x6: {  	_ = 	snop  }
0x7: {  	_ = 	snop  }
__scs_overlays_trampoline_lowered:
0x8: {  	[smem:$0x3FA5] =	sst s0  }
0x9: {  	[smem:$0x3FA6] =	sst s1  }
0xa: {  	[smem:$0x3FA7] =	sst s2  }
0xb: {  	[smem:$0x3FA8] =	sst s3  }
0xc: {  	[smem:$0x3FA9] =	sst s4  }
0xd: {  	[smem:$0x3FAA] =	sst s5  }
0xe: {  	[smem:$0x3FAB] =	sst s6  }
0xf: {  	[smem:$0x3FAC] =	sst s7  }
0x10: {  	[smem:$0x3FAD] =	sst s8  }
0x11: {  	[smem:$0x3FAE] =	sst s9;
	s0 =	simm.s32 @!p0 $0x0  }
0x12: {  	s1 =	sld [smem:$0x3F94];
	s0 =	simm.s32 @p0 $0x1  }
0x13: {  	[smem:$0x3FAF] =	sst s0;
	s0 =	simm.s32 @!p1 $0x0  }
0x14: {  	s2 =	sld [smem:$0x3F93];
	s0 =	simm.s32 @p1 $0x1  }
0x15: {  	[smem:$0x3FB0] =	sst s0;
	s0 =	simm.s32 @!p2 $0x0  }
0x16: {  	s3 =	sld [smem:$0x3FDB];
	s0 =	simm.s32 @p2 $0x1  }
0x17: {  	s4 =	simm.s32 $0x1BF5;
	[smem:$0x3FB2] =	sst s0  }
0x18: {  	s0 =	sld [smem:$0x3F95];
	_ =	swait.ge [sflag:s4], $0x0  }
0x19: {  	s7 =	sld [smem:$0x3F96]  }
0x1a: {  	s8 =	sadd.s32 $0xFFFFE003, lr  }
0x1b: {  	s9 =	sadd.s32 $0xFFFFFEF7, lr;
	s5 =	simm.s32 $0xFFFFFFFF;
	p2 =	slt.u32 s8, $0xFFFFF086  }
0x1c: {  	p1 =	slt.u32 s9, $0xF7A;
	s5 =	simm.s32 @!p2 $0x0  }
0x1d: {  	s5 =	simm.s32 @p1 $0x1;
	p0 =	seq.s32 s7, s2  }
0x1e: {  	s7 =	smul.u32 @!p0 $0xF7A, s2;
	p2 =	seq.s32 @!p0 s5, $0x0  }
0x1f: {  	s9 =	smul.u32 $0xF7A, s1;
	s8 =	simm.s32 @!p0 $0x1BF5;
	p2 =	por !p2, p0  }
0x20: {  	[sflag:s8] =	ssyncset.s32 @!p0 $0xFFFFF086;
	s6 =	sadd.s32 @!p0 s3, s7;
	s7 =	simm.s32 @!p0 $0x108  }
0x21: {  	s3 =	sadd.s32 s3, s9;
	s6 =	sadd.s32 @!p0 $0x88, s6;
	s7 =	simm.s32 @p2 $0x1082  }
0x22: {  	[simem:s7], [sflag:s8] =	dma.local @!p0 [hbm:s6], $0xF7A  }
0x23: {  	s9 =	sor.u32 $0xD0000000, s2;
	s6 =	simm.s32 $0x108;
	_ =	swait.ge @!p0 [sflag:s8], $0x0  }
0x24: {  	s3 =	sadd.s32 $0x88, s3;
	s6 =	simm.s32 @!p1 $0x1082;
	[sflag:s4] =	ssyncset.s32 $0xFFFFF086  }
0x25: {  	[simem:s6], [sflag:s4] =	dma.local [hbm:s3], $0xF7A  }
0x26: {  	[smem:$0x3F96] =	sst s1;
	(tag) =	ssettag s2;
	_ =	strace s9  }
0x27: {  	s1 =	sld [smem:$0x3FA6]  }
0x28: {  	s2 =	sld [smem:$0x3FA7]  }
0x29: {  	s4 =	sld [smem:$0x3FA9]  }
0x2a: {  	p0 =	seq.s32 s5, $0x0;
	s5 =	sld [smem:$0x3FAA]  }
0x2b: {  	s6 =	sld [smem:$0x3FAB]  }
0x2c: {  	s7 =	sld [smem:$0x3FAC]  }
0x2d: {  	s3 =	simm.s32 $0x108;
	s8 =	sld [smem:$0x3FAD]  }
0x2e: {  	s3 =	simm.s32 @!p0 $0x1082;
	s9 =	sld [smem:$0x3FAE]  }
0x2f: {  	lr =	sadd.s32 s0, s3;
	s0 =	sld [smem:$0x3FA5]  }
0x30: {  	s3 =	sld [smem:$0x3FA8]  }
0x31: {  	[smem:$0x3FB1] =	sst s10  }
0x32: {  	s10 =	sld [smem:$0x3FAF];
	_ =	sdelay $0x3  }
0x33: {  	p0 =	seq.s32 s10, $0x1;
	s10 =	sld [smem:$0x3FB1];
	_ =	sdelay $0x3  }
0x34: {  	[smem:$0x3FB1] =	sst s10  }
0x35: {  	s10 =	sld [smem:$0x3FB0];
	_ =	sdelay $0x3  }
0x36: {  	p1 =	seq.s32 s10, $0x1;
	s10 =	sld [smem:$0x3FB1];
	_ =	sdelay $0x3  }
0x37: {  	[smem:$0x3FB1] =	sst s10  }
0x38: {  	s10 =	sld [smem:$0x3FB2]  }
0x39: {  	_ = 	snop;
	(pc) =	sbr.ind lr, $3  }
0x3a: {  	_ = 	snop  }
0x3b: {  	_ = 	snop  }
0x3c: {  	p2 =	seq.s32 s10, $0x1;
	s10 =	sld [smem:$0x3FB1]  }
0x3d: {  	_ =	shalt  }
0x3e: {  	_ =	shalt  }
0x3f: {  	_ =	shalt  }
0x40: {  	_ =	shalt  }
0x41: {  	_ =	shalt  }
0x42: {  	_ =	shalt  }
0x43: {  	_ =	shalt  }
0x44: {  	_ =	shalt  }
0x45: {  	_ =	shalt  }
0x46: {  	_ =	shalt  }
0x47: {  	_ =	shalt  }
0x48: {  	_ =	shalt  }
0x49: {  	_ =	shalt  }
0x4a: {  	_ =	shalt  }
0x4b: {  	_ =	shalt  }
0x4c: {  	_ =	shalt  }
0x4d: {  	_ =	shalt  }
0x4e: {  	_ =	shalt  }
0x4f: {  	_ =	shalt  }
0x50: {  	_ =	shalt  }
0x51: {  	_ =	shalt  }
0x52: {  	_ =	shalt  }
0x53: {  	_ =	shalt  }
0x54: {  	_ =	shalt  }
0x55: {  	_ =	shalt  }
0x56: {  	_ =	shalt  }
0x57: {  	_ =	shalt  }
0x58: {  	_ =	shalt  }
0x59: {  	_ =	shalt  }
0x5a: {  	_ =	shalt  }
0x5b: {  	_ =	shalt  }
0x5c: {  	_ =	shalt  }
0x5d: {  	_ =	shalt  }
0x5e: {  	_ =	shalt  }
0x5f: {  	_ =	shalt  }
0x60: {  	_ =	shalt  }
0x61: {  	_ =	shalt  }
0x62: {  	_ =	shalt  }
0x63: {  	_ =	shalt  }
0x64: {  	_ =	shalt  }
0x65: {  	_ =	shalt  }
0x66: {  	_ =	shalt  }
0x67: {  	_ =	shalt  }
0x68: {  	_ =	shalt  }
0x69: {  	_ =	shalt  }
0x6a: {  	_ =	shalt  }
0x6b: {  	_ =	shalt  }
0x6c: {  	_ =	shalt  }
0x6d: {  	_ =	shalt  }
0x6e: {  	_ =	shalt  }
0x6f: {  	_ =	shalt  }
0x70: {  	_ =	shalt  }
0x71: {  	_ =	shalt  }
0x72: {  	_ =	shalt  }
0x73: {  	_ =	shalt  }
0x74: {  	_ =	shalt  }
0x75: {  	_ =	shalt  }
0x76: {  	_ =	shalt  }
0x77: {  	_ =	shalt  }
0x78: {  	_ =	shalt  }
0x79: {  	_ =	shalt  }
0x7a: {  	_ =	shalt  }
0x7b: {  	_ =	shalt  }
0x7c: {  	_ =	shalt  }
0x7d: {  	_ =	shalt  }
0x7e: {  	_ =	shalt  }
0x7f: {  	_ =	shalt  }
0x80: {  	_ =	shalt  }
0x81: {  	_ =	shalt  }
0x82: {  	_ =	shalt  }
0x83: {  	_ =	shalt  }
0x84: {  	_ =	shalt  }
0x85: {  	_ =	shalt  }
0x86: {  	_ =	shalt  }
0x87: {  	_ =	shalt  }
.Lfunc_end0:
.L_simem_size_0:
called_computation.6_lowered:
.L_overlay_start_0:
0x88: {  	s2 =	sld [smem:$0x3FD9]  }
0x89: {  	s3 =	sld [smem:$0x3FFE];
	_ =	sdelay $0x1  }
0x8a: {  	s1 =	srdreg.scid  }
0x8b: {  	s0 =	sand.u32 $0x1, s1  }
0x8c: {  	s17 =	sshll.u32 s0, $0xA;
	s2 =	sadd.s32 s3, s2  }
0x8d: {  	s2 =	sadd.s32 s2, s17  }
0x8e: {  	[smem:$0x3FBD] =	sst s2  }
0x8f: {  	_ = 	snop  }
0x90: {  	s18 =	sld [smem:$0x3FC7];
	(tm) =	ssettm $0x1  }
0x91: {  	s19 =	sld [smem:$0x3FFB];
	_ =	sdelay $0x3  }
0x92: {  	_ =	strace s19  }
0x93: {  	s2 =	sld [smem:$0x3FFC];
	_ =	sdelay $0x3  }
0x94: {  	_ =	strace s2  }
0x95: {  	s2 =	sld [smem:$0x3FFD];
	_ =	sdelay $0x3  }
0x96: {  	_ =	strace s2  }
0x97: {  	_ =	strace $0x8FFFFFFF  }
0x98: {  	s20 =	sld [smem:$0x3FDB];
	_ =	sdelay $0x1  }
0x99: {  	s4 =	simm.s32 $_scs_section_size  }
0x9a: {  	s5 =	simm.s32 $_size__tile_overlayer_lowered;
	s6 =	simm.s32 $_tile_overlayer_lowered  }
0x9b: {  	s7 =	simm.s32 $0x1BFF;
	s21 =	sshll.u32 s6, $0x1;
	s4 =	sadd.s32 s4, s20  }
0x9c: {  	s22 =	simm.s32 $0x0;
	s5 =	sshll.u32 s5, $0x1;
	s6 =	sadd.s32 s21, s4  }
0x9d: {  	[timem:s22], [sflag:s7] =	dma.local [hbm:s6], s5  }
0x9e: {  	_ =	swait.ge [sflag:s7], s5  }
0x9f: {  	s5 =	ssub.s32 $0x0, s5;
	[sflag:s7] =	ssyncset.done $0x0  }
0xa0: {  	[sflag:s7] =	ssyncadd.s32 s5;
	_ =	sdelay $0x1  }
0xa1: {  	s23 =	simm.s32 $0x1B8B  }
0xa2: {  	_ =	swait.ge [sflag:s23], $0x1  }
0xa3: {  	[sflag:s23] =	ssyncset.done $0x0  }
0xa4: {  	[sflag:s23] =	ssyncadd.s32 $0xFFFFFFFF  }
0xa5: {  	s5 =	sld [smem:$0x0]  }
0xa6: {  	s6 =	sand.u32 $0xFFFFFFFE, s1  }
0xa7: {  	p0 =	sne.s32 s1, s6  }
0xa8: {  	s6 =	sshll.u32 @p0 s6, $0xE  }
0xa9: {  	s6 =	sadd.s32 @p0 $0x11B8D, s6;
	s7 =	sshll.u32 @p0 s5, $0x11  }
0xaa: {  	s6 =	sor.u32 @p0 s7, s6  }
0xab: {  	[sflag:s6] =	ssyncadd.remote.s32 @p0 $0x1;
	_ =	sdelay $0x1  }
0xac: {  	s6 =	simm.s32 @p0 $0x1B8D  }
0xad: {  	_ =	swait.eq @p0 [sflag:s6], $0x1  }
0xae: {  	[sflag:s6] =	ssyncadd.s32 @p0 $0xFFFFFFFF  }
0xaf: {  	s7 =	sshll.u32 @!p0 s1, $0xE  }
0xb0: {  	s7 =	sor.u32 @!p0 $0x4000, s7;
	s6 =	simm.s32 @!p0 $0x1B8D  }
0xb1: {  	s5 =	sshll.u32 @!p0 s5, $0x11;
	s7 =	sadd.s32 @!p0 $0x11B8D, s7;
	_ =	swait.eq @!p0 [sflag:s6], $0x1  }
0xb2: {  	s5 =	sor.u32 @!p0 s5, s7;
	[sflag:s6] =	ssyncadd.s32 @!p0 $0xFFFFFFFF  }
0xb3: {  	s25 =	simm.s32 $0x1B8E;
	s24 =	sld [smem:$0x3FFE];
	[sflag:s5] =	ssyncadd.remote.s32 @!p0 $0x1  }
0xb4: {  	s26 =	simm.s32 $execute0_lowered;
	[smem:$0x3FD2] =	sst s25  }
0xb5: {  	s6 =	sshll.u32 s26, $0x1;
	_ =	strace $0x8000004C;
	[dreg:$0x1] =	wrdreg $0xFFFFFFFF  }
0xb6: {  	s28 =	simm.s32 $_size_execute0_lowered;
	s4 =	sadd.s32 s4, s6;
	[dreg:$0x0] =	wrdreg $0x0  }
0xb7: {  	s6 =	sshll.u32 s28, $0x1;
	[dreg:$0x2] =	wrdreg s4  }
0xb8: {  	[dreg:$0x3] =	wrdreg s6  }
0xb9: {  	[dreg:$0x4] =	wrdreg $0xC0  }
0xba: {  	_ =	task [dreg:s22], $0x5FFFF  }
0xbb: {  	[dreg:$0x1] =	wrdreg $0xFFFFFFFF  }
0xbc: {  	[dreg:$0x0] =	wrdreg $0x60  }
0xbd: {  	[dreg:$0x2] =	wrdreg s18  }
0xbe: {  	[dreg:$0x3] =	wrdreg s24  }
0xbf: {  	[dreg:$0x4] =	wrdreg $0xA  }
0xc0: {  	_ =	task.clear_ibuf [dreg:s22], $0x5FFFF;
	_ =	strace $0x9000004C  }
0xc1: {  	s29 =	simm.s32 $0xA;
	_ =	strace $0x8000004E  }
0xc2: {  	_ =	swait.ge [sflag:s29], $0x1  }
0xc3: {  	[sflag:s29] =	ssyncadd.s32 $0xFFFFFFFF  }
0xc4: {  	_ =	strace $0x9000004E  }
0xc5: {  	_ =	sfence  }
0xc6: {  	s30 =	sld [smem:$0x0];
	_ =	sdelay $0x2  }
0xc7: {  	s31 =	sshll.u32 s1, $0xD;
	s1 =	sshrl.u32 s1, $0x2  }
0xc8: {  	s4 =	sand.u32 $0x4000, s31;
	s1 =	sadd.s32 s1, s30  }
0xc9: {  	s0 =	sor.u32 s4, s0;
	s1 =	sshll.u32 s1, $0x11  }
0xca: {  	s0 =	sor.u32 s1, s0  }
0xcb: {  	s0 =	sadd.s32 $0x8F2B, s0  }
0xcc: {  	[sflag:s0] =	ssyncadd.remote.s32 $0x1  }
0xcd: {  	_ =	sfence.sel $0xFFFF  }
0xce: {  	[dreg:$0x0] =	wrdreg $0xFFFFFFFF;
	(pc) =	sbr.abs _section_cstart, $3  }
0xcf: {  	[dreg:$0x1] =	wrdreg $0xFFFFFFFF  }
0xd0: {  	_ =	task.clear_ibuf [dreg:s22], $0x2FFFF;
	_ =	strace $0x9FFFFFFF  }
0xd1: {  	(tm) =	ssettm $0x7FFFFFFF  }
tec
execute0_lowered:
.L_overlay_start_1:
0x0: {  	(tag) =	ssettag $0x1  }
0x1: {  	s1 =	srdreg.scid  }
0x2: {  	s2 =	rddreg [dreg:$0x0];
	s0 =	stileid.u32  }
0x3: {  	s6 =	rddreg [dreg:$0x1];
	s5 =	simm.s32 $0x2;
	s1 =	sshll.u32 s1, $0xB  }
0x4: {  	s10 =	simm.s32 $0x3;
	s3 =	sshll.u32 s0, $0xC;
	s4 =	sand.u32 $0x800, s1  }
0x5: {  	s12 =	simm.s32 $0x0;
	s11 =	simm.s32 $0x0;
	s3 =	sor.u32 s3, s4  }
0x6: {  	s1 =	rddreg [dreg:$0x2];
	_ =	strace $0x8000004D;
	s4 =	sshrl.u32 s3, $0x3  }
0x7: {  	s7 =	ssub.s32 $0x10000, s3;
	s8 =	sadd.s32 s4, s6;
	s4 =	simm.s32 $0x1  }
.Ltmp0:
0x8: {  	s9 =	sand.u32 $0xF800, s7;
	s7 =	sshrl.u32 s7, $0x10;
	(pc) =	sbr.rel .LBB2_1-.Ltmp0, $4  }
0x9: {  	s6 =	sadd.s32 $0x10A00, s6;
	p0 =	sne.s32 s9, $0x0;
	s9 =	simm.s32 $0x1  }
0xa: {  	[sflag:s4] =	ssyncpa.u1 $0x0;
	s8 =	sadd.s32 $0x6A00, s8;
	s9 =	simm.s32 @!p0 $0x0  }
0xb: {  	[sflag:s5] =	ssyncpa.u1 $0x0;
	p0 =	por $0x0, $0x0;
	s7 =	sadd.s32 s9, s7  }
0xc: {  	vm0 =	vmmov $0xffff;
	[sflag:s10] =	ssyncpa.u1 $0x0;
	s10 =	simm.s32 $0x0;
	s9 =	sadd.s32 $0x1, s7  }
.LBB2_4:
0xd: {  	_ =	sdelay $0x3  }
0xe: {  	[tilespmem:s20], [sflag:$0x1] =	stream.indirect_vreg.gather [hbm4b:s2+s10], $0x1, v0, vm0, $0x4038;
	[tilespmem:$0x5000] =	vst v63  }
0xf: {  	s14 =	sadd.s32 s17, s14  }
0x10: {  	v0 =	vld.msk [tilespmem:s14+$0x0 ss:$0x1], $0xffff;
	_ =	sdelay $0x4  }
0x11: {  	vm1 =	vgt.s32 v0, $0x0  }
0x12: {  	v0 =	vnsel vm1, $0x0, v0  }
0x13: {  	v0 =	vmin.u32 v0, $0xF423F  }
0x14: {  	v1 =	vshll.u32 v0, $0x2  }
0x15: {  	v0 =	vand.u32 $0x7F, v0;
	v1 =	vand.u32 $0x3FFE00, v1  }
0x16: {  	v0 =	vor.u32 v0, v1;
	_ =	sdelay $0x1  }
0x17: {  	s28 =	sand.u32 $0x1E00, s16  }
0x18: {  	s15 =	sand.u32 $0x70, s15;
	(ifvalue) =	ssetifvalue $0x7FFFFFFF;
	s14 =	sadd.s32 s28, s13;
	v1 =	vor.u32 $0x80, v0  }
0x19: {  	s14 =	sadd.s32 s15, s14;
	(ifvalue) =	ssetifvalue $0x7FFFFFFF  }
0x1a: {  	[tilespmem:s14], [sflag:$0x1] =	stream.indirect_vreg.gather [hbm4b:s2+s10], $0x1, v0, vm0, $0x4038;
	[tilespmem:$0x5000] =	vst v63  }
0x1b: {  	v2 =	vor.u32 $0x100, v0;
	(ifvalue) =	ssetifvalue $0x7FFFFFFF  }
0x1c: {  	s15 =	sadd.s32 $0x80, s14;
	(ifvalue) =	ssetifvalue $0x7FFFFFFF  }
0x1d: {  	[tilespmem:s15], [sflag:$0x1] =	stream.indirect_vreg.gather [hbm4b:s2+s10], $0x1, v1, vm0, $0x4038;
	[tilespmem:$0x5000] =	vst v63  }
0x1e: {  	v0 =	vor.u32 $0x180, v0;
	(ifvalue) =	ssetifvalue $0x7FFFFFFF  }
0x1f: {  	s29 =	sadd.s32 $0x100, s14;
	(ifvalue) =	ssetifvalue $0x7FFFFFFF  }
0x20: {  	[tilespmem:s29], [sflag:$0x1] =	stream.indirect_vreg.gather [hbm4b:s2+s10], $0x1, v2, vm0, $0x4038;
	[tilespmem:$0x5000] =	vst v63  }
0x21: {  	(ifvalue) =	ssetifvalue $0x7FFFFFFF  }
0x22: {  	s30 =	sshll.u32 s12, $0x2;
	s14 =	sadd.s32 $0x180, s14;
	(ifvalue) =	ssetifvalue $0x7FFFFFFF  }
0x23: {  	[tilespmem:s14], [sflag:$0x1] =	stream.indirect_vreg.gather [hbm4b:s2+s10], $0x1, v0, vm0, $0x4038;
	[tilespmem:$0x5000] =	vst v63  }
0x24: {  	s31 =	sand.u32 $0x78, s12;
	s14 =	sand.u32 $0x7FFFFE00, s30  }
0x25: {  	_ =	swait.ge [sflag:s4], $0x2000;
	s12 =	sor.u32 s31, s14  }
0x26: {  	[sflag:s4] =	ssyncset.done $0x0;
	s12 =	sshrl.u32 s12, $0x3  }
0x27: {  	[sflag:s4] =	ssyncadd.s32 $0xFFFFE000;
	s12 =	sadd.s32 s6, s12  }
0x28: {  	[hbm:s12] =	stream.linear.scatter [tilespmem:s13], [sflag:$0x3], $0x2000, $0x38;
	[tilespmem:$0x5000] =	vst v63  }
.LBB2_5:
0x29: {  	p2 =	sne.s32 s11, s9  }
.Ltmp1:
0x2a: {  	p1 =	slt.u32 s11, $0x2;
	(pc) =	sbr.rel @!p2 .LBB2_6-.Ltmp1, $4  }
0x2b: {  	s12 =	simm.s32 @!p1 $0x3  }
0x2c: {  	_ =	swait.ge @!p1 [sflag:s12], $0x2000  }
0x2d: {  	s13 =	sadd.s32 $0x1, s11;
	p0 =	por !p0, !p0;
	[sflag:s12] =	ssyncset.done @!p1 $0x0  }
0x2e: {  	s11 =	smov.u32 s13;
	[sflag:s12] =	ssyncadd.s32 @!p1 $0xFFFFE000;
	s12 =	smov.u32 s3  }
.LBB2_1:
0x2f: {  	p1 =	sge.u32 s11, s7  }
0x30: {  	s13 =	sxor.u32 @!p1 $0xFFFFFFFF, s11  }
0x31: {  	s13 =	sshll.u32 @!p1 s13, $0xB  }
0x32: {  	s31 =	sadd.s32 $0xFFFFFFFF, s11;
	s14 =	simm.s32 @!p1 $0x0;
	s13 =	sand.u32 @!p1 $0x800, s13  }
0x33: {  	[tilespmem:s13], [sflag:$0x2] =	stream.linear.gather @!p1 [hbm4b:s8+s14], $0x800, $0x38;
	[tilespmem:$0x5000] =	vst v63  }
0x34: {  	p1 =	sge.u32 s31, s7  }
.Ltmp2:
0x35: {  	_ = 	snop;
	(pc) =	sbr.rel @p1 .LBB2_5-.Ltmp2, $1  }
0x36: {  	_ =	sdelay $0x3  }
0x37: {  	s13 =	simm.s32 $0x1  }
0x38: {  	_ =	swait.ge [sflag:s5], $0x800;
	s13 =	simm.s32 @!p0 $0x0  }
0x39: {  	[sflag:s5] =	ssyncset.done $0x0;
	s14 =	sshll.u32 s13, $0xB  }
0x3a: {  	[sflag:s5] =	ssyncadd.s32 $0xFFFFF800;
	s13 =	sadd.s32 $0x0, s14  }
0x3b: {  	v0 =	vld.msk [tilespmem:s13+$0x0 ss:$0x1], $0xffff;
	_ =	sdelay $0x4  }
0x3c: {  	vm1 =	vgt.s32 v0, $0x0  }
0x3d: {  	v0 =	vnsel vm1, $0x0, v0  }
0x3e: {  	v0 =	vmin.u32 v0, $0xF423F  }
0x3f: {  	v1 =	vshll.u32 v0, $0x2  }
0x40: {  	v0 =	vand.u32 $0x7F, v0;
	v1 =	vand.u32 $0x3FFE00, v1  }
0x41: {  	s31 =	sshll.u32 s11, $0xD;
	v0 =	vor.u32 v0, v1  }
0x42: {  	s15 =	simm.s32 $0x0;
	s13 =	sand.u32 $0x2000, s31  }
0x43: {  	s16 =	sand.u32 $0x1E00, s15;
	s13 =	sor.u32 $0x1000, s13  }
0x44: {  	s15 =	sand.u32 $0x70, s15;
	(ifvalue) =	ssetifvalue $0x7FFFFFFF;
	s16 =	sadd.s32 s16, s13;
	v1 =	vor.u32 $0x80, v0  }
0x45: {  	(ifvalue) =	ssetifvalue $0x7FFFFFFF;
	s20 =	sadd.s32 s15, s16  }
0x46: {  	[tilespmem:s20], [sflag:$0x1] =	stream.indirect_vreg.gather [hbm4b:s2+s10], $0x1, v0, vm0, $0x4038;
	[tilespmem:$0x5000] =	vst v63  }
0x47: {  	v2 =	vor.u32 $0x100, v0;
	(ifvalue) =	ssetifvalue $0x7FFFFFFF  }
0x48: {  	s15 =	sadd.s32 $0x80, s20;
	(ifvalue) =	ssetifvalue $0x7FFFFFFF  }
0x49: {  	[tilespmem:s15], [sflag:$0x1] =	stream.indirect_vreg.gather [hbm4b:s2+s10], $0x1, v1, vm0, $0x4038;
	[tilespmem:$0x5000] =	vst v63  }
0x4a: {  	s18 =	simm.s32 $0x20;
	v0 =	vor.u32 $0x180, v0;
	(ifvalue) =	ssetifvalue $0x7FFFFFFF  }
0x4b: {  	s19 =	simm.s32 $0x80;
	s17 =	sadd.s32 $0x100, s20;
	(ifvalue) =	ssetifvalue $0x7FFFFFFF  }
0x4c: {  	[tilespmem:s17], [sflag:$0x1] =	stream.indirect_vreg.gather [hbm4b:s2+s10], $0x1, v2, vm0, $0x4038;
	[tilespmem:$0x5000] =	vst v63  }
0x4d: {  	s16 =	simm.s32 $0x40;
	s20 =	sadd.s32 $0x180, s20;
	(ifvalue) =	ssetifvalue $0x7FFFFFFF  }
0x4e: {  	s15 =	simm.s32 $0x10;
	s17 =	simm.s32 $0x10;
	(ifvalue) =	ssetifvalue $0x7FFFFFFF  }
.LBB2_3:
0x4f: {  	[tilespmem:s20], [sflag:$0x1] =	stream.indirect_vreg.gather [hbm4b:s2+s10], $0x1, v0, vm0, $0x4038;
	[tilespmem:$0x5000] =	vst v63  }
0x50: {  	p1 =	sne.s32 s18, $0x7F0;
	s20 =	sadd.s32 s17, s14;
	s17 =	sshra.s32 s19, $0x2  }
0x51: {  	v0 =	vld.msk [tilespmem:s20+$0x0 ss:$0x1], $0xffff;
	s20 =	smov.u32 s18;
	s18 =	sadd.s32 $0x10, s18  }
0x52: {  	(ifvalue) =	ssetifvalue $0x7FFFFFFF;
	_ =	sdelay $0x4  }
0x53: {  	vm1 =	vgt.s32 v0, $0x0  }
0x54: {  	v0 =	vnsel vm1, $0x0, v0  }
0x55: {  	v0 =	vmin.u32 v0, $0xF423F  }
0x56: {  	v1 =	vshll.u32 v0, $0x2  }
0x57: {  	v0 =	vand.u32 $0x7F, v0;
	v1 =	vand.u32 $0x3FFE00, v1  }
0x58: {  	v0 =	vor.u32 v0, v1;
	_ =	sdelay $0x1  }
0x59: {  	s21 =	sand.u32 $0x1E00, s16;
	s16 =	smov.u32 s19  }
0x5a: {  	s22 =	sand.u32 $0x70, s15;
	s21 =	sadd.s32 s21, s13;
	s15 =	smov.u32 s20;
	v1 =	vor.u32 $0x80, v0  }
0x5b: {  	s20 =	sadd.s32 s22, s21;
	(ifvalue) =	ssetifvalue $0x7FFFFFFF  }
0x5c: {  	[tilespmem:s20], [sflag:$0x1] =	stream.indirect_vreg.gather [hbm4b:s2+s10], $0x1, v0, vm0, $0x4038;
	[tilespmem:$0x5000] =	vst v63  }
0x5d: {  	v2 =	vor.u32 $0x100, v0;
	(ifvalue) =	ssetifvalue $0x7FFFFFFF  }
0x5e: {  	s21 =	sadd.s32 $0x80, s20;
	(ifvalue) =	ssetifvalue $0x7FFFFFFF  }
0x5f: {  	[tilespmem:s21], [sflag:$0x1] =	stream.indirect_vreg.gather [hbm4b:s2+s10], $0x1, v1, vm0, $0x4038;
	[tilespmem:$0x5000] =	vst v63  }
.Ltmp3:
0x60: {  	v0 =	vor.u32 $0x180, v0;
	(ifvalue) =	ssetifvalue $0x7FFFFFFF;
	(pc) =	sbr.rel @p1 .LBB2_3-.Ltmp3, $4  }
0x61: {  	s21 =	sadd.s32 $0x100, s20;
	(ifvalue) =	ssetifvalue $0x7FFFFFFF  }
0x62: {  	[tilespmem:s21], [sflag:$0x1] =	stream.indirect_vreg.gather [hbm4b:s2+s10], $0x1, v2, vm0, $0x4038;
	[tilespmem:$0x5000] =	vst v63  }
0x63: {  	(ifvalue) =	ssetifvalue $0x7FFFFFFF  }
0x64: {  	s19 =	sadd.s32 $0x40, s19;
	s20 =	sadd.s32 $0x180, s20;
	(ifvalue) =	ssetifvalue $0x7FFFFFFF  }
.Ltmp4:
0x65: {  	_ = 	snop;
	(pc) =	sbr.rel .LBB2_4-.Ltmp4, $1  }
0x66: {  	_ =	sdelay $0x3  }
.LBB2_6:
0x67: {  	_ =	sfence.sel $0x180000  }
0x68: {  	s2 =	simm.s32 $0x2;
	[bflag:$0x0] =	sbarrier.arrive $0xFFFF  }
0x69: {  	s30 =	simm.s32 $0x3;
	[sflag:s2] =	ssyncpa.u1 $0x1  }
0x6a: {  	s31 =	simm.s32 $0x1;
	[sflag:s30] =	ssyncpa.u1 $0x1  }
0x6b: {  	[sflag:s31] =	ssyncpa.u1 $0x1  }
0x6c: {  	p0 =	sne.s32 s0, $0x0;
	_ =	strace $0x9000004D  }
0x6d: {  	s0 =	sadd.s32 @!p0 $0x100000, s1;
	[bflag:$0x2] =	sbarrier.arrive $0xFFFF  }
0x6e: {  	[sflag:s0] =	ssyncadd.tile.s32 @!p0 $0x1;
	_ =	shalt  }
.Lfunc_end2:
_tile_overlayer_lowered:
.L_overlay_start_2:
0x6f: {  	(tag) =	ssettag $0x2  }
0x70: {  	s0 =	rddreg [dreg:$0x0];
	s2 =	stileid.u32  }
0x71: {  	s1 =	rddreg [dreg:$0x1];
	p0 =	sne.s32 s2, $0x0  }
0x72: {  	s3 =	rddreg [dreg:$0x2];
	[bflag:$0x3] =	sbarrier.arrive $0xFFFF;
	s2 =	simm.s32 @!p0 $0x1C01  }
0x73: {  	[timem:s3], [sflag:s2] =	dma.local @!p0 [hbm:s0], s1  }
0x74: {  	s0 =	simm.s32 @!p0 $0x1  }
0x75: {  	_ =	swait.ge @!p0 [sflag:s0], s1  }
0x76: {  	s1 =	ssub.s32 @!p0 $0x0, s1;
	[sflag:s0] =	ssyncset.done @!p0 $0x0  }
0x77: {  	[sflag:s0] =	ssyncadd.s32 @!p0 s1  }
0x78: {  	[bflag:$0x3] =	sbarrier.arrive $0xFFFF  }
0x79: {  	_ =	shalt  }

// kernel: gather_offload_async_start
scs
__scs_entry_jumppad:
0x0: {  	(pc) =	sbr.rel $0x88, $3  }
0x1: {  	(tag) =	ssettag $0x0;
	lr =	simm.s32 $0x1  }
0x2: {  	[smem:$0x3F96] =	sst lr;
	_ =	strace $0xD0000000  }
0x3: {  	_ = 	snop  }
0x4: {  	_ = 	snop  }
0x5: {  	_ = 	snop  }
0x6: {  	_ = 	snop  }
0x7: {  	_ = 	snop  }
__scs_overlays_trampoline_lowered:
0x8: {  	[smem:$0x3FA5] =	sst s0  }
0x9: {  	[smem:$0x3FA6] =	sst s1  }
0xa: {  	[smem:$0x3FA7] =	sst s2  }
0xb: {  	[smem:$0x3FA8] =	sst s3  }
0xc: {  	[smem:$0x3FA9] =	sst s4  }
0xd: {  	[smem:$0x3FAA] =	sst s5  }
0xe: {  	[smem:$0x3FAB] =	sst s6  }
0xf: {  	[smem:$0x3FAC] =	sst s7  }
0x10: {  	[smem:$0x3FAD] =	sst s8  }
0x11: {  	[smem:$0x3FAE] =	sst s9;
	s0 =	simm.s32 @!p0 $0x0  }
0x12: {  	s1 =	sld [smem:$0x3F94];
	s0 =	simm.s32 @p0 $0x1  }
0x13: {  	[smem:$0x3FAF] =	sst s0;
	s0 =	simm.s32 @!p1 $0x0  }
0x14: {  	s2 =	sld [smem:$0x3F93];
	s0 =	simm.s32 @p1 $0x1  }
0x15: {  	[smem:$0x3FB0] =	sst s0;
	s0 =	simm.s32 @!p2 $0x0  }
0x16: {  	s3 =	sld [smem:$0x3FDB];
	s0 =	simm.s32 @p2 $0x1  }
0x17: {  	s4 =	simm.s32 $0x1BF5;
	[smem:$0x3FB2] =	sst s0  }
0x18: {  	s0 =	sld [smem:$0x3F95];
	_ =	swait.ge [sflag:s4], $0x0  }
0x19: {  	s7 =	sld [smem:$0x3F96]  }
0x1a: {  	s8 =	sadd.s32 $0xFFFFE003, lr  }
0x1b: {  	s9 =	sadd.s32 $0xFFFFFEF7, lr;
	s5 =	simm.s32 $0xFFFFFFFF;
	p2 =	slt.u32 s8, $0xFFFFF086  }
0x1c: {  	p1 =	slt.u32 s9, $0xF7A;
	s5 =	simm.s32 @!p2 $0x0  }
0x1d: {  	s5 =	simm.s32 @p1 $0x1;
	p0 =	seq.s32 s7, s2  }
0x1e: {  	s7 =	smul.u32 @!p0 $0xF7A, s2;
	p2 =	seq.s32 @!p0 s5, $0x0  }
0x1f: {  	s9 =	smul.u32 $0xF7A, s1;
	s8 =	simm.s32 @!p0 $0x1BF5;
	p2 =	por !p2, p0  }
0x20: {  	[sflag:s8] =	ssyncset.s32 @!p0 $0xFFFFF086;
	s6 =	sadd.s32 @!p0 s3, s7;
	s7 =	simm.s32 @!p0 $0x108  }
0x21: {  	s3 =	sadd.s32 s3, s9;
	s6 =	sadd.s32 @!p0 $0x88, s6;
	s7 =	simm.s32 @p2 $0x1082  }
0x22: {  	[simem:s7], [sflag:s8] =	dma.local @!p0 [hbm:s6], $0xF7A  }
0x23: {  	s9 =	sor.u32 $0xD0000000, s2;
	s6 =	simm.s32 $0x108;
	_ =	swait.ge @!p0 [sflag:s8], $0x0  }
0x24: {  	s3 =	sadd.s32 $0x88, s3;
	s6 =	simm.s32 @!p1 $0x1082;
	[sflag:s4] =	ssyncset.s32 $0xFFFFF086  }
0x25: {  	[simem:s6], [sflag:s4] =	dma.local [hbm:s3], $0xF7A  }
0x26: {  	[smem:$0x3F96] =	sst s1;
	(tag) =	ssettag s2;
	_ =	strace s9  }
0x27: {  	s1 =	sld [smem:$0x3FA6]  }
0x28: {  	s2 =	sld [smem:$0x3FA7]  }
0x29: {  	s4 =	sld [smem:$0x3FA9]  }
0x2a: {  	p0 =	seq.s32 s5, $0x0;
	s5 =	sld [smem:$0x3FAA]  }
0x2b: {  	s6 =	sld [smem:$0x3FAB]  }
0x2c: {  	s7 =	sld [smem:$0x3FAC]  }
0x2d: {  	s3 =	simm.s32 $0x108;
	s8 =	sld [smem:$0x3FAD]  }
0x2e: {  	s3 =	simm.s32 @!p0 $0x1082;
	s9 =	sld [smem:$0x3FAE]  }
0x2f: {  	lr =	sadd.s32 s0, s3;
	s0 =	sld [smem:$0x3FA5]  }
0x30: {  	s3 =	sld [smem:$0x3FA8]  }
0x31: {  	[smem:$0x3FB1] =	sst s10  }
0x32: {  	s10 =	sld [smem:$0x3FAF];
	_ =	sdelay $0x3  }
0x33: {  	p0 =	seq.s32 s10, $0x1;
	s10 =	sld [smem:$0x3FB1];
	_ =	sdelay $0x3  }
0x34: {  	[smem:$0x3FB1] =	sst s10  }
0x35: {  	s10 =	sld [smem:$0x3FB0];
	_ =	sdelay $0x3  }
0x36: {  	p1 =	seq.s32 s10, $0x1;
	s10 =	sld [smem:$0x3FB1];
	_ =	sdelay $0x3  }
0x37: {  	[smem:$0x3FB1] =	sst s10  }
0x38: {  	s10 =	sld [smem:$0x3FB2]  }
0x39: {  	_ = 	snop;
	(pc) =	sbr.ind lr, $3  }
0x3a: {  	_ = 	snop  }
0x3b: {  	_ = 	snop  }
0x3c: {  	p2 =	seq.s32 s10, $0x1;
	s10 =	sld [smem:$0x3FB1]  }
0x3d: {  	_ =	shalt  }
0x3e: {  	_ =	shalt  }
0x3f: {  	_ =	shalt  }
0x40: {  	_ =	shalt  }
0x41: {  	_ =	shalt  }
0x42: {  	_ =	shalt  }
0x43: {  	_ =	shalt  }
0x44: {  	_ =	shalt  }
0x45: {  	_ =	shalt  }
0x46: {  	_ =	shalt  }
0x47: {  	_ =	shalt  }
0x48: {  	_ =	shalt  }
0x49: {  	_ =	shalt  }
0x4a: {  	_ =	shalt  }
0x4b: {  	_ =	shalt  }
0x4c: {  	_ =	shalt  }
0x4d: {  	_ =	shalt  }
0x4e: {  	_ =	shalt  }
0x4f: {  	_ =	shalt  }
0x50: {  	_ =	shalt  }
0x51: {  	_ =	shalt  }
0x52: {  	_ =	shalt  }
0x53: {  	_ =	shalt  }
0x54: {  	_ =	shalt  }
0x55: {  	_ =	shalt  }
0x56: {  	_ =	shalt  }
0x57: {  	_ =	shalt  }
0x58: {  	_ =	shalt  }
0x59: {  	_ =	shalt  }
0x5a: {  	_ =	shalt  }
0x5b: {  	_ =	shalt  }
0x5c: {  	_ =	shalt  }
0x5d: {  	_ =	shalt  }
0x5e: {  	_ =	shalt  }
0x5f: {  	_ =	shalt  }
0x60: {  	_ =	shalt  }
0x61: {  	_ =	shalt  }
0x62: {  	_ =	shalt  }
0x63: {  	_ =	shalt  }
0x64: {  	_ =	shalt  }
0x65: {  	_ =	shalt  }
0x66: {  	_ =	shalt  }
0x67: {  	_ =	shalt  }
0x68: {  	_ =	shalt  }
0x69: {  	_ =	shalt  }
0x6a: {  	_ =	shalt  }
0x6b: {  	_ =	shalt  }
0x6c: {  	_ =	shalt  }
0x6d: {  	_ =	shalt  }
0x6e: {  	_ =	shalt  }
0x6f: {  	_ =	shalt  }
0x70: {  	_ =	shalt  }
0x71: {  	_ =	shalt  }
0x72: {  	_ =	shalt  }
0x73: {  	_ =	shalt  }
0x74: {  	_ =	shalt  }
0x75: {  	_ =	shalt  }
0x76: {  	_ =	shalt  }
0x77: {  	_ =	shalt  }
0x78: {  	_ =	shalt  }
0x79: {  	_ =	shalt  }
0x7a: {  	_ =	shalt  }
0x7b: {  	_ =	shalt  }
0x7c: {  	_ =	shalt  }
0x7d: {  	_ =	shalt  }
0x7e: {  	_ =	shalt  }
0x7f: {  	_ =	shalt  }
0x80: {  	_ =	shalt  }
0x81: {  	_ =	shalt  }
0x82: {  	_ =	shalt  }
0x83: {  	_ =	shalt  }
0x84: {  	_ =	shalt  }
0x85: {  	_ =	shalt  }
0x86: {  	_ =	shalt  }
0x87: {  	_ =	shalt  }
.Lfunc_end0:
.L_simem_size_0:
called_computation.1_lowered:
.L_overlay_start_0:
0x88: {  	s2 =	sld [smem:$0x3FD9]  }
0x89: {  	s3 =	sld [smem:$0x3FFE];
	_ =	sdelay $0x1  }
0x8a: {  	s1 =	srdreg.scid  }
0x8b: {  	s0 =	sand.u32 $0x1, s1  }
0x8c: {  	s17 =	sshll.u32 s0, $0xA;
	s2 =	sadd.s32 s3, s2  }
0x8d: {  	s2 =	sadd.s32 s2, s17  }
0x8e: {  	[smem:$0x3FBD] =	sst s2  }
0x8f: {  	_ = 	snop  }
0x90: {  	s18 =	sld [smem:$0x3FC3]  }
0x91: {  	s4 =	sld [smem:$0x3FD0];
	(tm) =	ssettm $0x1  }
0x92: {  	s19 =	sld [smem:$0x3FFB];
	_ =	sdelay $0x3  }
0x93: {  	_ =	strace s19  }
0x94: {  	s2 =	sld [smem:$0x3FFC];
	_ =	sdelay $0x3  }
0x95: {  	_ =	strace s2  }
0x96: {  	s2 =	sld [smem:$0x3FFD];
	_ =	sdelay $0x3  }
0x97: {  	_ =	strace s2  }
0x98: {  	_ =	strace $0x8FFFFFFF  }
0x99: {  	s20 =	sld [smem:$0x3FDB];
	_ =	sdelay $0x1  }
0x9a: {  	s5 =	simm.s32 $_scs_section_size  }
0x9b: {  	s6 =	simm.s32 $_size__tile_overlayer_lowered;
	s7 =	simm.s32 $_tile_overlayer_lowered  }
0x9c: {  	s8 =	simm.s32 $0x1BFF;
	s21 =	sshll.u32 s7, $0x1;
	s5 =	sadd.s32 s5, s20  }
0x9d: {  	s22 =	simm.s32 $0x0;
	s6 =	sshll.u32 s6, $0x1;
	s7 =	sadd.s32 s21, s5  }
0x9e: {  	[timem:s22], [sflag:s8] =	dma.local [hbm:s7], s6  }
0x9f: {  	_ =	swait.ge [sflag:s8], s6  }
0xa0: {  	s6 =	ssub.s32 $0x0, s6;
	[sflag:s8] =	ssyncset.done $0x0  }
0xa1: {  	[sflag:s8] =	ssyncadd.s32 s6;
	_ =	sdelay $0x1  }
0xa2: {  	s23 =	simm.s32 $0x1B8B  }
0xa3: {  	_ =	swait.ge [sflag:s23], $0x1  }
0xa4: {  	[sflag:s23] =	ssyncset.done $0x0  }
0xa5: {  	[sflag:s23] =	ssyncadd.s32 $0xFFFFFFFF  }
0xa6: {  	s6 =	sld [smem:$0x0]  }
0xa7: {  	s7 =	sand.u32 $0xFFFFFFFE, s1  }
0xa8: {  	p0 =	sne.s32 s1, s7  }
0xa9: {  	s7 =	sshll.u32 @p0 s7, $0xE  }
0xaa: {  	s7 =	sadd.s32 @p0 $0x11B8D, s7;
	s8 =	sshll.u32 @p0 s6, $0x11  }
0xab: {  	s7 =	sor.u32 @p0 s8, s7  }
0xac: {  	[sflag:s7] =	ssyncadd.remote.s32 @p0 $0x1;
	_ =	sdelay $0x1  }
0xad: {  	s7 =	simm.s32 @p0 $0x1B8D  }
0xae: {  	_ =	swait.eq @p0 [sflag:s7], $0x1  }
0xaf: {  	[sflag:s7] =	ssyncadd.s32 @p0 $0xFFFFFFFF  }
0xb0: {  	s8 =	sshll.u32 @!p0 s1, $0xE  }
0xb1: {  	s8 =	sor.u32 @!p0 $0x4000, s8;
	s7 =	simm.s32 @!p0 $0x1B8D  }
0xb2: {  	s6 =	sshll.u32 @!p0 s6, $0x11;
	s8 =	sadd.s32 @!p0 $0x11B8D, s8;
	_ =	swait.eq @!p0 [sflag:s7], $0x1  }
0xb3: {  	s6 =	sor.u32 @!p0 s6, s8;
	[sflag:s7] =	ssyncadd.s32 @!p0 $0xFFFFFFFF  }
0xb4: {  	s25 =	simm.s32 $0x1B8E;
	s24 =	sld [smem:$0x3FFE];
	[sflag:s6] =	ssyncadd.remote.s32 @!p0 $0x1  }
0xb5: {  	s26 =	simm.s32 $execute0_lowered;
	[smem:$0x3FD2] =	sst s25  }
0xb6: {  	s7 =	sshll.u32 s26, $0x1;
	_ =	strace $0x80000052;
	[dreg:$0x1] =	wrdreg $0xFFFFFFFF  }
0xb7: {  	s28 =	simm.s32 $_size_execute0_lowered;
	s5 =	sadd.s32 s5, s7;
	[dreg:$0x0] =	wrdreg $0x0  }
0xb8: {  	s7 =	sshll.u32 s28, $0x1;
	[dreg:$0x2] =	wrdreg s5  }
0xb9: {  	[dreg:$0x3] =	wrdreg s7  }
0xba: {  	[dreg:$0x4] =	wrdreg $0xC0  }
0xbb: {  	_ =	task [dreg:s22], $0x5FFFF  }
0xbc: {  	[dreg:$0x1] =	wrdreg $0xFFFFFFFF  }
0xbd: {  	[dreg:$0x0] =	wrdreg $0x60  }
0xbe: {  	[dreg:$0x2] =	wrdreg s18  }
0xbf: {  	[dreg:$0x3] =	wrdreg s4  }
0xc0: {  	[dreg:$0x4] =	wrdreg s24  }
0xc1: {  	[dreg:$0x5] =	wrdreg $0x9  }
0xc2: {  	_ =	task.clear_ibuf [dreg:s22], $0x6FFFF;
	_ =	strace $0x90000052  }
0xc3: {  	s29 =	simm.s32 $0x9;
	_ =	strace $0x80000054  }
0xc4: {  	_ =	swait.ge [sflag:s29], $0x1  }
0xc5: {  	[sflag:s29] =	ssyncadd.s32 $0xFFFFFFFF  }
0xc6: {  	_ =	strace $0x90000054  }
0xc7: {  	_ =	sfence  }
0xc8: {  	s30 =	sld [smem:$0x0];
	_ =	sdelay $0x2  }
0xc9: {  	s31 =	sshll.u32 s1, $0xD;
	s1 =	sshrl.u32 s1, $0x2  }
0xca: {  	s4 =	sand.u32 $0x4000, s31;
	s1 =	sadd.s32 s1, s30  }
0xcb: {  	s0 =	sor.u32 s4, s0;
	s1 =	sshll.u32 s1, $0x11  }
0xcc: {  	s0 =	sor.u32 s1, s0  }
0xcd: {  	s0 =	sadd.s32 $0x8F2B, s0  }
0xce: {  	[sflag:s0] =	ssyncadd.remote.s32 $0x1  }
0xcf: {  	_ =	sfence.sel $0xFFFF  }
0xd0: {  	[dreg:$0x0] =	wrdreg $0xFFFFFFFF;
	(pc) =	sbr.abs _section_cstart, $3  }
0xd1: {  	[dreg:$0x1] =	wrdreg $0xFFFFFFFF  }
0xd2: {  	_ =	task.clear_ibuf [dreg:s22], $0x2FFFF;
	_ =	strace $0x9FFFFFFF  }
0xd3: {  	(tm) =	ssettm $0x7FFFFFFF  }
tec
execute0_lowered:
.L_overlay_start_1:
0x0: {  	(tag) =	ssettag $0x1  }
0x1: {  	s2 =	rddreg [dreg:$0x0]  }
0x2: {  	s8 =	rddreg [dreg:$0x1];
	s0 =	srdreg.scid  }
0x3: {  	s11 =	rddreg [dreg:$0x2];
	s1 =	stileid.u32;
	s5 =	simm.s32 $0x1  }
0x4: {  	s6 =	simm.s32 $0x2;
	s10 =	simm.s32 $0x3;
	s13 =	simm.s32 $0x0  }
0x5: {  	s15 =	simm.s32 $0x0;
	s3 =	sshll.u32 s0, $0x9;
	s0 =	rddreg [dreg:$0x3]  }
0x6: {  	s4 =	sshll.u32 s1, $0xA;
	_ =	strace $0x80000053;
	s3 =	sand.u32 $0x200, s3  }
0x7: {  	s14 =	simm.s32 $0x0;
	[sflag:s5] =	ssyncpa.u1 $0x0;
	s3 =	sor.u32 s4, s3  }
0x8: {  	s4 =	sadd.s32 $0x120A00, s11;
	[sflag:s6] =	ssyncpa.u1 $0x0;
	s7 =	ssub.s32 $0x4000, s3  }
.Ltmp0:
0x9: {  	[sflag:s10] =	ssyncpa.u1 $0x0;
	s9 =	sand.u32 $0x3E00, s7;
	(pc) =	sbr.rel .LBB2_1-.Ltmp0, $4  }
0xa: {  	s31 =	sshrl.u32 s3, $0x3;
	p0 =	sne.s32 s9, $0x0;
	s9 =	simm.s32 $0x1  }
0xb: {  	s10 =	sadd.s32 $0x128A00, s11;
	s7 =	sshrl.u32 s7, $0xE;
	s9 =	simm.s32 @!p0 $0x0  }
0xc: {  	s8 =	sadd.s32 s8, s31;
	p0 =	por $0x0, $0x0;
	s7 =	sadd.s32 s9, s7  }
0xd: {  	vm0 =	vmmov $0xffff;
	s9 =	sadd.s32 $0x124A00, s11;
	s11 =	sadd.s32 $0x12CA00, s11;
	s12 =	sadd.s32 $0x1, s7  }
.LBB2_4:
0xe: {  	_ =	sdelay $0x3  }
0xf: {  	[tilespmem:s21], [sflag:$0x1] =	stream.indirect_vreg.gather [hbm4b:s2+s13], $0x1, v0, vm0, $0x4038;
	[tilespmem:$0x8400] =	vst v63  }
0x10: {  	s18 =	sshll.u32 s15, $0x3  }
0x11: {  	s24 =	sand.u32 $0x78, s15;
	s18 =	sand.u32 $0x7FFFFC00, s18  }
0x12: {  	_ =	swait.ge [sflag:s5], $0x4000;
	s15 =	sor.u32 s24, s18  }
0x13: {  	[sflag:s5] =	ssyncset.done $0x0;
	s15 =	sshrl.u32 s15, $0x3  }
0x14: {  	[sflag:s5] =	ssyncadd.s32 $0xFFFFC000;
	s25 =	sadd.s32 s4, s15  }
0x15: {  	[hbm:s25] =	stream.linear.scatter [tilespmem:s17], [sflag:$0x3], $0x1000, $0x38;
	[tilespmem:$0x8400] =	vst v63  }
0x16: {  	s26 =	sadd.s32 $0x1400, s16;
	s28 =	sadd.s32 s15, s9  }
0x17: {  	[hbm:s28] =	stream.linear.scatter [tilespmem:s26], [sflag:$0x3], $0x1000, $0x38;
	[tilespmem:$0x8400] =	vst v63  }
0x18: {  	s29 =	sadd.s32 $0x2400, s16;
	s30 =	sadd.s32 s15, s10  }
0x19: {  	[hbm:s30] =	stream.linear.scatter [tilespmem:s29], [sflag:$0x3], $0x1000, $0x38;
	[tilespmem:$0x8400] =	vst v63  }
0x1a: {  	s31 =	sadd.s32 $0x3400, s16;
	s15 =	sadd.s32 s15, s11  }
0x1b: {  	[hbm:s15] =	stream.linear.scatter [tilespmem:s31], [sflag:$0x3], $0x1000, $0x38;
	[tilespmem:$0x8400] =	vst v63  }
.LBB2_5:
0x1c: {  	p2 =	sne.s32 s14, s12  }
.Ltmp1:
0x1d: {  	p1 =	slt.u32 s14, $0x2;
	(pc) =	sbr.rel @!p2 .LBB2_6-.Ltmp1, $4  }
0x1e: {  	s15 =	simm.s32 @!p1 $0x3  }
0x1f: {  	_ =	swait.ge @!p1 [sflag:s15], $0x4000  }
0x20: {  	s16 =	sadd.s32 $0x1, s14;
	p0 =	por !p0, !p0;
	[sflag:s15] =	ssyncset.done @!p1 $0x0  }
0x21: {  	s14 =	smov.u32 s16;
	[sflag:s15] =	ssyncadd.s32 @!p1 $0xFFFFC000;
	s15 =	smov.u32 s3  }
.LBB2_1:
0x22: {  	p1 =	sge.u32 s14, s7  }
0x23: {  	s16 =	sxor.u32 @!p1 $0xFFFFFFFF, s14  }
0x24: {  	s16 =	sshll.u32 @!p1 s16, $0x9  }
0x25: {  	s31 =	sadd.s32 $0xFFFFFFFF, s14;
	s17 =	simm.s32 @!p1 $0x0;
	s16 =	sand.u32 @!p1 $0x200, s16  }
0x26: {  	[tilespmem:s16], [sflag:$0x2] =	stream.linear.gather @!p1 [hbm4b:s8+s17], $0x200, $0x38;
	[tilespmem:$0x8400] =	vst v63  }
0x27: {  	p1 =	sge.u32 s31, s7  }
.Ltmp2:
0x28: {  	_ = 	snop;
	(pc) =	sbr.rel @p1 .LBB2_5-.Ltmp2, $1  }
0x29: {  	_ =	sdelay $0x3  }
0x2a: {  	s16 =	simm.s32 $0x1;
	_ =	swait.ge [sflag:s6], $0x200  }
0x2b: {  	s16 =	simm.s32 @!p0 $0x0;
	[sflag:s6] =	ssyncset.done $0x0  }
0x2c: {  	s19 =	sshll.u32 s16, $0x9;
	[sflag:s6] =	ssyncadd.s32 $0xFFFFFE00  }
0x2d: {  	v0 =	vld.msk [tilespmem:s19+$0x0 ss:$0x1], $0xffff;
	_ =	sdelay $0x4  }
0x2e: {  	vm1 =	vgt.s32 v0, $0x0  }
0x2f: {  	v0 =	vnsel vm1, $0x0, v0  }
0x30: {  	v0 =	vmin.u32 v0, $0xF423F  }
0x31: {  	v1 =	vshll.u32 v0, $0x3  }
0x32: {  	v0 =	vand.u32 $0x7F, v0;
	v1 =	vand.u32 $0x7FFC00, v1  }
0x33: {  	s22 =	sshll.u32 s14, $0xE;
	v0 =	vor.u32 v0, v1  }
0x34: {  	s18 =	simm.s32 $0x0;
	s16 =	sand.u32 $0x4000, s22  }
0x35: {  	s20 =	sand.u32 $0xC00, s18;
	s17 =	sor.u32 $0x400, s16  }
0x36: {  	s21 =	sand.u32 $0x70, s18;
	(ifvalue) =	ssetifvalue $0x7FFFFFFF;
	s20 =	sadd.s32 s20, s17;
	v1 =	vor.u32 $0x80, v0  }
0x37: {  	(ifvalue) =	ssetifvalue $0x7FFFFFFF;
	s20 =	sadd.s32 s21, s20  }
0x38: {  	[tilespmem:s20], [sflag:$0x1] =	stream.indirect_vreg.gather [hbm4b:s2+s13], $0x1, v0, vm0, $0x4038;
	[tilespmem:$0x8400] =	vst v63  }
0x39: {  	v2 =	vor.u32 $0x100, v0;
	(ifvalue) =	ssetifvalue $0x7FFFFFFF  }
0x3a: {  	s21 =	sadd.s32 $0x80, s20;
	(ifvalue) =	ssetifvalue $0x7FFFFFFF  }
0x3b: {  	[tilespmem:s21], [sflag:$0x1] =	stream.indirect_vreg.gather [hbm4b:s2+s13], $0x1, v1, vm0, $0x4038;
	[tilespmem:$0x8400] =	vst v63  }
0x3c: {  	v1 =	vor.u32 $0x180, v0;
	(ifvalue) =	ssetifvalue $0x7FFFFFFF  }
0x3d: {  	s23 =	sadd.s32 $0x100, s20;
	(ifvalue) =	ssetifvalue $0x7FFFFFFF  }
0x3e: {  	[tilespmem:s23], [sflag:$0x1] =	stream.indirect_vreg.gather [hbm4b:s2+s13], $0x1, v2, vm0, $0x4038;
	[tilespmem:$0x8400] =	vst v63  }
0x3f: {  	v2 =	vor.u32 $0x200, v0;
	(ifvalue) =	ssetifvalue $0x7FFFFFFF  }
0x40: {  	s24 =	sadd.s32 $0x180, s20;
	(ifvalue) =	ssetifvalue $0x7FFFFFFF  }
0x41: {  	[tilespmem:s24], [sflag:$0x1] =	stream.indirect_vreg.gather [hbm4b:s2+s13], $0x1, v1, vm0, $0x4038;
	[tilespmem:$0x8400] =	vst v63  }
0x42: {  	(ifvalue) =	ssetifvalue $0x7FFFFFFF;
	v1 =	vor.u32 $0x280, v0  }
0x43: {  	s25 =	sadd.s32 $0x200, s20;
	(ifvalue) =	ssetifvalue $0x7FFFFFFF  }
0x44: {  	[tilespmem:s25], [sflag:$0x1] =	stream.indirect_vreg.gather [hbm4b:s2+s13], $0x1, v2, vm0, $0x4038;
	[tilespmem:$0x8400] =	vst v63  }
0x45: {  	(ifvalue) =	ssetifvalue $0x7FFFFFFF;
	v2 =	vor.u32 $0x300, v0  }
0x46: {  	s26 =	sadd.s32 $0x280, s20;
	(ifvalue) =	ssetifvalue $0x7FFFFFFF  }
0x47: {  	[tilespmem:s26], [sflag:$0x1] =	stream.indirect_vreg.gather [hbm4b:s2+s13], $0x1, v1, vm0, $0x4038;
	[tilespmem:$0x8400] =	vst v63  }
0x48: {  	(ifvalue) =	ssetifvalue $0x7FFFFFFF;
	v1 =	vor.u32 $0x380, v0  }
0x49: {  	s18 =	sor.u32 s18, s18;
	s28 =	sadd.s32 $0x300, s20;
	(ifvalue) =	ssetifvalue $0x7FFFFFFF  }
0x4a: {  	[tilespmem:s28], [sflag:$0x1] =	stream.indirect_vreg.gather [hbm4b:s2+s13], $0x1, v2, vm0, $0x4038;
	[tilespmem:$0x8400] =	vst v63  }
0x4b: {  	s18 =	sor.u32 $0x380, s18;
	(ifvalue) =	ssetifvalue $0x7FFFFFFF;
	v2 =	vadd.s32 $0x7A1400, v0  }
0x4c: {  	s18 =	sadd.s32 s18, s17;
	(ifvalue) =	ssetifvalue $0x7FFFFFFF  }
0x4d: {  	[tilespmem:s18], [sflag:$0x1] =	stream.indirect_vreg.gather [hbm4b:s2+s13], $0x1, v1, vm0, $0x4038;
	[tilespmem:$0x8400] =	vst v63  }
0x4e: {  	(ifvalue) =	ssetifvalue $0x7FFFFFFF;
	v1 =	vadd.s32 $0x7A1480, v0  }
0x4f: {  	s29 =	sadd.s32 $0x1000, s20;
	(ifvalue) =	ssetifvalue $0x7FFFFFFF  }
0x50: {  	[tilespmem:s29], [sflag:$0x1] =	stream.indirect_vreg.gather [hbm4b:s2+s13], $0x1, v2, vm0, $0x4038;
	[tilespmem:$0x8400] =	vst v63  }
0x51: {  	(ifvalue) =	ssetifvalue $0x7FFFFFFF;
	v2 =	vadd.s32 $0x7A1500, v0  }
0x52: {  	s30 =	sadd.s32 $0x1080, s20;
	(ifvalue) =	ssetifvalue $0x7FFFFFFF  }
0x53: {  	[tilespmem:s30], [sflag:$0x1] =	stream.indirect_vreg.gather [hbm4b:s2+s13], $0x1, v1, vm0, $0x4038;
	[tilespmem:$0x8400] =	vst v63  }
0x54: {  	(ifvalue) =	ssetifvalue $0x7FFFFFFF;
	v1 =	vadd.s32 $0x7A1580, v0  }
0x55: {  	s31 =	sadd.s32 $0x1100, s20;
	(ifvalue) =	ssetifvalue $0x7FFFFFFF  }
0x56: {  	[tilespmem:s31], [sflag:$0x1] =	stream.indirect_vreg.gather [hbm4b:s2+s13], $0x1, v2, vm0, $0x4038;
	[tilespmem:$0x8400] =	vst v63  }
0x57: {  	(ifvalue) =	ssetifvalue $0x7FFFFFFF;
	v2 =	vadd.s32 $0x7A1600, v0  }
0x58: {  	s21 =	sadd.s32 $0x1180, s20;
	(ifvalue) =	ssetifvalue $0x7FFFFFFF  }
0x59: {  	[tilespmem:s21], [sflag:$0x1] =	stream.indirect_vreg.gather [hbm4b:s2+s13], $0x1, v1, vm0, $0x4038;
	[tilespmem:$0x8400] =	vst v63  }
0x5a: {  	(ifvalue) =	ssetifvalue $0x7FFFFFFF;
	v1 =	vadd.s32 $0x7A1680, v0  }
0x5b: {  	s22 =	sadd.s32 $0x1200, s20;
	(ifvalue) =	ssetifvalue $0x7FFFFFFF  }
0x5c: {  	[tilespmem:s22], [sflag:$0x1] =	stream.indirect_vreg.gather [hbm4b:s2+s13], $0x1, v2, vm0, $0x4038;
	[tilespmem:$0x8400] =	vst v63  }
0x5d: {  	(ifvalue) =	ssetifvalue $0x7FFFFFFF;
	v2 =	vadd.s32 $0x7A1700, v0  }
0x5e: {  	s23 =	sadd.s32 $0x1280, s20;
	(ifvalue) =	ssetifvalue $0x7FFFFFFF  }
0x5f: {  	[tilespmem:s23], [sflag:$0x1] =	stream.indirect_vreg.gather [hbm4b:s2+s13], $0x1, v1, vm0, $0x4038;
	[tilespmem:$0x8400] =	vst v63  }
0x60: {  	(ifvalue) =	ssetifvalue $0x7FFFFFFF;
	v1 =	vadd.s32 $0x7A1780, v0  }
0x61: {  	s24 =	sadd.s32 $0x1300, s20;
	(ifvalue) =	ssetifvalue $0x7FFFFFFF  }
0x62: {  	[tilespmem:s24], [sflag:$0x1] =	stream.indirect_vreg.gather [hbm4b:s2+s13], $0x1, v2, vm0, $0x4038;
	[tilespmem:$0x8400] =	vst v63  }
0x63: {  	(ifvalue) =	ssetifvalue $0x7FFFFFFF;
	v2 =	vadd.s32 $0xF42800, v0  }
0x64: {  	s25 =	sadd.s32 $0x1380, s20;
	(ifvalue) =	ssetifvalue $0x7FFFFFFF  }
0x65: {  	[tilespmem:s25], [sflag:$0x1] =	stream.indirect_vreg.gather [hbm4b:s2+s13], $0x1, v1, vm0, $0x4038;
	[tilespmem:$0x8400] =	vst v63  }
0x66: {  	(ifvalue) =	ssetifvalue $0x7FFFFFFF;
	v1 =	vadd.s32 $0xF42880, v0  }
0x67: {  	s26 =	sadd.s32 $0x2000, s20;
	(ifvalue) =	ssetifvalue $0x7FFFFFFF  }
0x68: {  	[tilespmem:s26], [sflag:$0x1] =	stream.indirect_vreg.gather [hbm4b:s2+s13], $0x1, v2, vm0, $0x4038;
	[tilespmem:$0x8400] =	vst v63  }
0x69: {  	(ifvalue) =	ssetifvalue $0x7FFFFFFF;
	v2 =	vadd.s32 $0xF42900, v0  }
0x6a: {  	s28 =	sadd.s32 $0x2080, s20;
	(ifvalue) =	ssetifvalue $0x7FFFFFFF  }
0x6b: {  	[tilespmem:s28], [sflag:$0x1] =	stream.indirect_vreg.gather [hbm4b:s2+s13], $0x1, v1, vm0, $0x4038;
	[tilespmem:$0x8400] =	vst v63  }
0x6c: {  	(ifvalue) =	ssetifvalue $0x7FFFFFFF;
	v1 =	vadd.s32 $0xF42980, v0  }
0x6d: {  	s29 =	sadd.s32 $0x2100, s20;
	(ifvalue) =	ssetifvalue $0x7FFFFFFF  }
0x6e: {  	[tilespmem:s29], [sflag:$0x1] =	stream.indirect_vreg.gather [hbm4b:s2+s13], $0x1, v2, vm0, $0x4038;
	[tilespmem:$0x8400] =	vst v63  }
0x6f: {  	(ifvalue) =	ssetifvalue $0x7FFFFFFF;
	v2 =	vadd.s32 $0xF42A00, v0  }
0x70: {  	s30 =	sadd.s32 $0x2180, s20;
	(ifvalue) =	ssetifvalue $0x7FFFFFFF  }
0x71: {  	[tilespmem:s30], [sflag:$0x1] =	stream.indirect_vreg.gather [hbm4b:s2+s13], $0x1, v1, vm0, $0x4038;
	[tilespmem:$0x8400] =	vst v63  }
0x72: {  	(ifvalue) =	ssetifvalue $0x7FFFFFFF;
	v1 =	vadd.s32 $0xF42A80, v0  }
0x73: {  	s31 =	sadd.s32 $0x2200, s20;
	(ifvalue) =	ssetifvalue $0x7FFFFFFF  }
0x74: {  	[tilespmem:s31], [sflag:$0x1] =	stream.indirect_vreg.gather [hbm4b:s2+s13], $0x1, v2, vm0, $0x4038;
	[tilespmem:$0x8400] =	vst v63  }
0x75: {  	(ifvalue) =	ssetifvalue $0x7FFFFFFF;
	v2 =	vadd.s32 $0xF42B00, v0  }
0x76: {  	s21 =	sadd.s32 $0x2280, s20;
	(ifvalue) =	ssetifvalue $0x7FFFFFFF  }
0x77: {  	[tilespmem:s21], [sflag:$0x1] =	stream.indirect_vreg.gather [hbm4b:s2+s13], $0x1, v1, vm0, $0x4038;
	[tilespmem:$0x8400] =	vst v63  }
0x78: {  	(ifvalue) =	ssetifvalue $0x7FFFFFFF;
	v1 =	vadd.s32 $0xF42B80, v0  }
0x79: {  	s22 =	sadd.s32 $0x2300, s20;
	(ifvalue) =	ssetifvalue $0x7FFFFFFF  }
0x7a: {  	[tilespmem:s22], [sflag:$0x1] =	stream.indirect_vreg.gather [hbm4b:s2+s13], $0x1, v2, vm0, $0x4038;
	[tilespmem:$0x8400] =	vst v63  }
0x7b: {  	(ifvalue) =	ssetifvalue $0x7FFFFFFF;
	v2 =	vadd.s32 $0x16E3C00, v0  }
0x7c: {  	s23 =	sadd.s32 $0x2380, s20;
	(ifvalue) =	ssetifvalue $0x7FFFFFFF  }
0x7d: {  	[tilespmem:s23], [sflag:$0x1] =	stream.indirect_vreg.gather [hbm4b:s2+s13], $0x1, v1, vm0, $0x4038;
	[tilespmem:$0x8400] =	vst v63  }
0x7e: {  	(ifvalue) =	ssetifvalue $0x7FFFFFFF;
	v1 =	vadd.s32 $0x16E3C80, v0  }
0x7f: {  	s24 =	sadd.s32 $0x3000, s20;
	(ifvalue) =	ssetifvalue $0x7FFFFFFF  }
0x80: {  	[tilespmem:s24], [sflag:$0x1] =	stream.indirect_vreg.gather [hbm4b:s2+s13], $0x1, v2, vm0, $0x4038;
	[tilespmem:$0x8400] =	vst v63  }
0x81: {  	(ifvalue) =	ssetifvalue $0x7FFFFFFF;
	v2 =	vadd.s32 $0x16E3D00, v0  }
0x82: {  	s25 =	sadd.s32 $0x3080, s20;
	(ifvalue) =	ssetifvalue $0x7FFFFFFF  }
0x83: {  	[tilespmem:s25], [sflag:$0x1] =	stream.indirect_vreg.gather [hbm4b:s2+s13], $0x1, v1, vm0, $0x4038;
	[tilespmem:$0x8400] =	vst v63  }
0x84: {  	(ifvalue) =	ssetifvalue $0x7FFFFFFF;
	v1 =	vadd.s32 $0x16E3D80, v0  }
0x85: {  	s26 =	sadd.s32 $0x3100, s20;
	(ifvalue) =	ssetifvalue $0x7FFFFFFF  }
0x86: {  	[tilespmem:s26], [sflag:$0x1] =	stream.indirect_vreg.gather [hbm4b:s2+s13], $0x1, v2, vm0, $0x4038;
	[tilespmem:$0x8400] =	vst v63  }
0x87: {  	(ifvalue) =	ssetifvalue $0x7FFFFFFF;
	v2 =	vadd.s32 $0x16E3E00, v0  }
0x88: {  	s28 =	sadd.s32 $0x3180, s20;
	(ifvalue) =	ssetifvalue $0x7FFFFFFF  }
0x89: {  	[tilespmem:s28], [sflag:$0x1] =	stream.indirect_vreg.gather [hbm4b:s2+s13], $0x1, v1, vm0, $0x4038;
	[tilespmem:$0x8400] =	vst v63  }
0x8a: {  	(ifvalue) =	ssetifvalue $0x7FFFFFFF;
	v1 =	vadd.s32 $0x16E3E80, v0  }
0x8b: {  	s29 =	sadd.s32 $0x3200, s20;
	(ifvalue) =	ssetifvalue $0x7FFFFFFF  }
0x8c: {  	[tilespmem:s29], [sflag:$0x1] =	stream.indirect_vreg.gather [hbm4b:s2+s13], $0x1, v2, vm0, $0x4038;
	[tilespmem:$0x8400] =	vst v63  }
0x8d: {  	(ifvalue) =	ssetifvalue $0x7FFFFFFF;
	v2 =	vadd.s32 $0x16E3F00, v0  }
0x8e: {  	s30 =	sadd.s32 $0x3280, s20;
	(ifvalue) =	ssetifvalue $0x7FFFFFFF  }
0x8f: {  	[tilespmem:s30], [sflag:$0x1] =	stream.indirect_vreg.gather [hbm4b:s2+s13], $0x1, v1, vm0, $0x4038;
	[tilespmem:$0x8400] =	vst v63  }
0x90: {  	v0 =	vadd.s32 $0x16E3F80, v0;
	(ifvalue) =	ssetifvalue $0x7FFFFFFF  }
0x91: {  	s31 =	sadd.s32 $0x3300, s20;
	(ifvalue) =	ssetifvalue $0x7FFFFFFF  }
0x92: {  	[tilespmem:s31], [sflag:$0x1] =	stream.indirect_vreg.gather [hbm4b:s2+s13], $0x1, v2, vm0, $0x4038;
	[tilespmem:$0x8400] =	vst v63  }
0x93: {  	s19 =	sadd.s32 $0x10, s19;
	s18 =	simm.s32 $0x10;
	(ifvalue) =	ssetifvalue $0x7FFFFFFF  }
0x94: {  	s21 =	sadd.s32 $0x3380, s20;
	s20 =	simm.s32 $0x80;
	(ifvalue) =	ssetifvalue $0x7FFFFFFF  }
.LBB2_3:
0x95: {  	[tilespmem:s21], [sflag:$0x1] =	stream.indirect_vreg.gather [hbm4b:s2+s13], $0x1, v0, vm0, $0x4038;
	[tilespmem:$0x8400] =	vst v63  }
0x96: {  	p1 =	sne.s32 s18, $0x1F0;
	s22 =	smov.u32 s18;
	s18 =	sadd.s32 $0x10, s18;
	v0 =	vld.msk [tilespmem:s19+$0x0 ss:$0x1], $0xffff  }
0x97: {  	(ifvalue) =	ssetifvalue $0x7FFFFFFF;
	_ =	sdelay $0x4  }
0x98: {  	vm1 =	vgt.s32 v0, $0x0  }
0x99: {  	v0 =	vnsel vm1, $0x0, v0  }
0x9a: {  	v0 =	vmin.u32 v0, $0xF423F  }
0x9b: {  	v1 =	vshll.u32 v0, $0x3  }
0x9c: {  	v0 =	vand.u32 $0x7F, v0;
	v1 =	vand.u32 $0x7FFC00, v1  }
0x9d: {  	v0 =	vor.u32 v0, v1;
	_ =	sdelay $0x1  }
0x9e: {  	s21 =	sand.u32 $0xC00, s20  }
0x9f: {  	s23 =	sand.u32 $0x70, s22;
	s21 =	sadd.s32 s21, s17;
	v1 =	vor.u32 $0x80, v0  }
0xa0: {  	s21 =	sadd.s32 s23, s21;
	(ifvalue) =	ssetifvalue $0x7FFFFFFF  }
0xa1: {  	[tilespmem:s21], [sflag:$0x1] =	stream.indirect_vreg.gather [hbm4b:s2+s13], $0x1, v0, vm0, $0x4038;
	[tilespmem:$0x8400] =	vst v63  }
0xa2: {  	v2 =	vor.u32 $0x100, v0;
	(ifvalue) =	ssetifvalue $0x7FFFFFFF  }
0xa3: {  	s23 =	sadd.s32 $0x80, s21;
	(ifvalue) =	ssetifvalue $0x7FFFFFFF  }
0xa4: {  	[tilespmem:s23], [sflag:$0x1] =	stream.indirect_vreg.gather [hbm4b:s2+s13], $0x1, v1, vm0, $0x4038;
	[tilespmem:$0x8400] =	vst v63  }
0xa5: {  	v1 =	vor.u32 $0x180, v0;
	(ifvalue) =	ssetifvalue $0x7FFFFFFF  }
0xa6: {  	s23 =	sadd.s32 $0x100, s21;
	(ifvalue) =	ssetifvalue $0x7FFFFFFF  }
0xa7: {  	[tilespmem:s23], [sflag:$0x1] =	stream.indirect_vreg.gather [hbm4b:s2+s13], $0x1, v2, vm0, $0x4038;
	[tilespmem:$0x8400] =	vst v63  }
0xa8: {  	v2 =	vor.u32 $0x200, v0;
	(ifvalue) =	ssetifvalue $0x7FFFFFFF  }
0xa9: {  	s23 =	sadd.s32 $0x180, s21;
	(ifvalue) =	ssetifvalue $0x7FFFFFFF  }
0xaa: {  	[tilespmem:s23], [sflag:$0x1] =	stream.indirect_vreg.gather [hbm4b:s2+s13], $0x1, v1, vm0, $0x4038;
	[tilespmem:$0x8400] =	vst v63  }
0xab: {  	v1 =	vor.u32 $0x280, v0;
	(ifvalue) =	ssetifvalue $0x7FFFFFFF  }
0xac: {  	s23 =	sadd.s32 $0x200, s21;
	(ifvalue) =	ssetifvalue $0x7FFFFFFF  }
0xad: {  	[tilespmem:s23], [sflag:$0x1] =	stream.indirect_vreg.gather [hbm4b:s2+s13], $0x1, v2, vm0, $0x4038;
	[tilespmem:$0x8400] =	vst v63  }
0xae: {  	v2 =	vor.u32 $0x300, v0;
	(ifvalue) =	ssetifvalue $0x7FFFFFFF  }
0xaf: {  	s23 =	sadd.s32 $0x280, s21;
	(ifvalue) =	ssetifvalue $0x7FFFFFFF  }
0xb0: {  	[tilespmem:s23], [sflag:$0x1] =	stream.indirect_vreg.gather [hbm4b:s2+s13], $0x1, v1, vm0, $0x4038;
	[tilespmem:$0x8400] =	vst v63  }
0xb1: {  	v1 =	vor.u32 $0x380, v0;
	(ifvalue) =	ssetifvalue $0x7FFFFFFF  }
0xb2: {  	s22 =	sor.u32 s20, s22;
	s23 =	sadd.s32 $0x300, s21;
	(ifvalue) =	ssetifvalue $0x7FFFFFFF  }
0xb3: {  	[tilespmem:s23], [sflag:$0x1] =	stream.indirect_vreg.gather [hbm4b:s2+s13], $0x1, v2, vm0, $0x4038;
	[tilespmem:$0x8400] =	vst v63  }
0xb4: {  	s22 =	sor.u32 $0x380, s22;
	v2 =	vadd.s32 $0x7A1400, v0;
	(ifvalue) =	ssetifvalue $0x7FFFFFFF  }
0xb5: {  	s22 =	sadd.s32 s22, s17;
	(ifvalue) =	ssetifvalue $0x7FFFFFFF  }
0xb6: {  	[tilespmem:s22], [sflag:$0x1] =	stream.indirect_vreg.gather [hbm4b:s2+s13], $0x1, v1, vm0, $0x4038;
	[tilespmem:$0x8400] =	vst v63  }
0xb7: {  	v1 =	vadd.s32 $0x7A1480, v0;
	(ifvalue) =	ssetifvalue $0x7FFFFFFF  }
0xb8: {  	s22 =	sadd.s32 $0x1000, s21;
	(ifvalue) =	ssetifvalue $0x7FFFFFFF  }
0xb9: {  	[tilespmem:s22], [sflag:$0x1] =	stream.indirect_vreg.gather [hbm4b:s2+s13], $0x1, v2, vm0, $0x4038;
	[tilespmem:$0x8400] =	vst v63  }
0xba: {  	v2 =	vadd.s32 $0x7A1500, v0;
	(ifvalue) =	ssetifvalue $0x7FFFFFFF  }
0xbb: {  	s22 =	sadd.s32 $0x1080, s21;
	(ifvalue) =	ssetifvalue $0x7FFFFFFF  }
0xbc: {  	[tilespmem:s22], [sflag:$0x1] =	stream.indirect_vreg.gather [hbm4b:s2+s13], $0x1, v1, vm0, $0x4038;
	[tilespmem:$0x8400] =	vst v63  }
0xbd: {  	v1 =	vadd.s32 $0x7A1580, v0;
	(ifvalue) =	ssetifvalue $0x7FFFFFFF  }
0xbe: {  	s22 =	sadd.s32 $0x1100, s21;
	(ifvalue) =	ssetifvalue $0x7FFFFFFF  }
0xbf: {  	[tilespmem:s22], [sflag:$0x1] =	stream.indirect_vreg.gather [hbm4b:s2+s13], $0x1, v2, vm0, $0x4038;
	[tilespmem:$0x8400] =	vst v63  }
0xc0: {  	v2 =	vadd.s32 $0x7A1600, v0;
	(ifvalue) =	ssetifvalue $0x7FFFFFFF  }
0xc1: {  	s22 =	sadd.s32 $0x1180, s21;
	(ifvalue) =	ssetifvalue $0x7FFFFFFF  }
0xc2: {  	[tilespmem:s22], [sflag:$0x1] =	stream.indirect_vreg.gather [hbm4b:s2+s13], $0x1, v1, vm0, $0x4038;
	[tilespmem:$0x8400] =	vst v63  }
0xc3: {  	v1 =	vadd.s32 $0x7A1680, v0;
	(ifvalue) =	ssetifvalue $0x7FFFFFFF  }
0xc4: {  	s22 =	sadd.s32 $0x1200, s21;
	(ifvalue) =	ssetifvalue $0x7FFFFFFF  }
0xc5: {  	[tilespmem:s22], [sflag:$0x1] =	stream.indirect_vreg.gather [hbm4b:s2+s13], $0x1, v2, vm0, $0x4038;
	[tilespmem:$0x8400] =	vst v63  }
0xc6: {  	v2 =	vadd.s32 $0x7A1700, v0;
	(ifvalue) =	ssetifvalue $0x7FFFFFFF  }
0xc7: {  	s22 =	sadd.s32 $0x1280, s21;
	(ifvalue) =	ssetifvalue $0x7FFFFFFF  }
0xc8: {  	[tilespmem:s22], [sflag:$0x1] =	stream.indirect_vreg.gather [hbm4b:s2+s13], $0x1, v1, vm0, $0x4038;
	[tilespmem:$0x8400] =	vst v63  }
0xc9: {  	v1 =	vadd.s32 $0x7A1780, v0;
	(ifvalue) =	ssetifvalue $0x7FFFFFFF  }
0xca: {  	s22 =	sadd.s32 $0x1300, s21;
	(ifvalue) =	ssetifvalue $0x7FFFFFFF  }
0xcb: {  	[tilespmem:s22], [sflag:$0x1] =	stream.indirect_vreg.gather [hbm4b:s2+s13], $0x1, v2, vm0, $0x4038;
	[tilespmem:$0x8400] =	vst v63  }
0xcc: {  	v2 =	vadd.s32 $0xF42800, v0;
	(ifvalue) =	ssetifvalue $0x7FFFFFFF  }
0xcd: {  	s22 =	sadd.s32 $0x1380, s21;
	(ifvalue) =	ssetifvalue $0x7FFFFFFF  }
0xce: {  	[tilespmem:s22], [sflag:$0x1] =	stream.indirect_vreg.gather [hbm4b:s2+s13], $0x1, v1, vm0, $0x4038;
	[tilespmem:$0x8400] =	vst v63  }
0xcf: {  	v1 =	vadd.s32 $0xF42880, v0;
	(ifvalue) =	ssetifvalue $0x7FFFFFFF  }
0xd0: {  	s22 =	sadd.s32 $0x2000, s21;
	(ifvalue) =	ssetifvalue $0x7FFFFFFF  }
0xd1: {  	[tilespmem:s22], [sflag:$0x1] =	stream.indirect_vreg.gather [hbm4b:s2+s13], $0x1, v2, vm0, $0x4038;
	[tilespmem:$0x8400] =	vst v63  }
0xd2: {  	v2 =	vadd.s32 $0xF42900, v0;
	(ifvalue) =	ssetifvalue $0x7FFFFFFF  }
0xd3: {  	s22 =	sadd.s32 $0x2080, s21;
	(ifvalue) =	ssetifvalue $0x7FFFFFFF  }
0xd4: {  	[tilespmem:s22], [sflag:$0x1] =	stream.indirect_vreg.gather [hbm4b:s2+s13], $0x1, v1, vm0, $0x4038;
	[tilespmem:$0x8400] =	vst v63  }
0xd5: {  	v1 =	vadd.s32 $0xF42980, v0;
	(ifvalue) =	ssetifvalue $0x7FFFFFFF  }
0xd6: {  	s22 =	sadd.s32 $0x2100, s21;
	(ifvalue) =	ssetifvalue $0x7FFFFFFF  }
0xd7: {  	[tilespmem:s22], [sflag:$0x1] =	stream.indirect_vreg.gather [hbm4b:s2+s13], $0x1, v2, vm0, $0x4038;
	[tilespmem:$0x8400] =	vst v63  }
0xd8: {  	v2 =	vadd.s32 $0xF42A00, v0;
	(ifvalue) =	ssetifvalue $0x7FFFFFFF  }
0xd9: {  	s22 =	sadd.s32 $0x2180, s21;
	(ifvalue) =	ssetifvalue $0x7FFFFFFF  }
0xda: {  	[tilespmem:s22], [sflag:$0x1] =	stream.indirect_vreg.gather [hbm4b:s2+s13], $0x1, v1, vm0, $0x4038;
	[tilespmem:$0x8400] =	vst v63  }
0xdb: {  	v1 =	vadd.s32 $0xF42A80, v0;
	(ifvalue) =	ssetifvalue $0x7FFFFFFF  }
0xdc: {  	s22 =	sadd.s32 $0x2200, s21;
	(ifvalue) =	ssetifvalue $0x7FFFFFFF  }
0xdd: {  	[tilespmem:s22], [sflag:$0x1] =	stream.indirect_vreg.gather [hbm4b:s2+s13], $0x1, v2, vm0, $0x4038;
	[tilespmem:$0x8400] =	vst v63  }
0xde: {  	v2 =	vadd.s32 $0xF42B00, v0;
	(ifvalue) =	ssetifvalue $0x7FFFFFFF  }
0xdf: {  	s22 =	sadd.s32 $0x2280, s21;
	(ifvalue) =	ssetifvalue $0x7FFFFFFF  }
0xe0: {  	[tilespmem:s22], [sflag:$0x1] =	stream.indirect_vreg.gather [hbm4b:s2+s13], $0x1, v1, vm0, $0x4038;
	[tilespmem:$0x8400] =	vst v63  }
0xe1: {  	v1 =	vadd.s32 $0xF42B80, v0;
	(ifvalue) =	ssetifvalue $0x7FFFFFFF  }
0xe2: {  	s22 =	sadd.s32 $0x2300, s21;
	(ifvalue) =	ssetifvalue $0x7FFFFFFF  }
0xe3: {  	[tilespmem:s22], [sflag:$0x1] =	stream.indirect_vreg.gather [hbm4b:s2+s13], $0x1, v2, vm0, $0x4038;
	[tilespmem:$0x8400] =	vst v63  }
0xe4: {  	v2 =	vadd.s32 $0x16E3C00, v0;
	(ifvalue) =	ssetifvalue $0x7FFFFFFF  }
0xe5: {  	s22 =	sadd.s32 $0x2380, s21;
	(ifvalue) =	ssetifvalue $0x7FFFFFFF  }
0xe6: {  	[tilespmem:s22], [sflag:$0x1] =	stream.indirect_vreg.gather [hbm4b:s2+s13], $0x1, v1, vm0, $0x4038;
	[tilespmem:$0x8400] =	vst v63  }
0xe7: {  	v1 =	vadd.s32 $0x16E3C80, v0;
	(ifvalue) =	ssetifvalue $0x7FFFFFFF  }
0xe8: {  	s22 =	sadd.s32 $0x3000, s21;
	(ifvalue) =	ssetifvalue $0x7FFFFFFF  }
0xe9: {  	[tilespmem:s22], [sflag:$0x1] =	stream.indirect_vreg.gather [hbm4b:s2+s13], $0x1, v2, vm0, $0x4038;
	[tilespmem:$0x8400] =	vst v63  }
0xea: {  	v2 =	vadd.s32 $0x16E3D00, v0;
	(ifvalue) =	ssetifvalue $0x7FFFFFFF  }
0xeb: {  	s22 =	sadd.s32 $0x3080, s21;
	(ifvalue) =	ssetifvalue $0x7FFFFFFF  }
0xec: {  	[tilespmem:s22], [sflag:$0x1] =	stream.indirect_vreg.gather [hbm4b:s2+s13], $0x1, v1, vm0, $0x4038;
	[tilespmem:$0x8400] =	vst v63  }
0xed: {  	v1 =	vadd.s32 $0x16E3D80, v0;
	(ifvalue) =	ssetifvalue $0x7FFFFFFF  }
0xee: {  	s22 =	sadd.s32 $0x3100, s21;
	(ifvalue) =	ssetifvalue $0x7FFFFFFF  }
0xef: {  	[tilespmem:s22], [sflag:$0x1] =	stream.indirect_vreg.gather [hbm4b:s2+s13], $0x1, v2, vm0, $0x4038;
	[tilespmem:$0x8400] =	vst v63  }
0xf0: {  	v2 =	vadd.s32 $0x16E3E00, v0;
	(ifvalue) =	ssetifvalue $0x7FFFFFFF  }
0xf1: {  	s22 =	sadd.s32 $0x3180, s21;
	(ifvalue) =	ssetifvalue $0x7FFFFFFF  }
0xf2: {  	[tilespmem:s22], [sflag:$0x1] =	stream.indirect_vreg.gather [hbm4b:s2+s13], $0x1, v1, vm0, $0x4038;
	[tilespmem:$0x8400] =	vst v63  }
0xf3: {  	v1 =	vadd.s32 $0x16E3E80, v0;
	(ifvalue) =	ssetifvalue $0x7FFFFFFF  }
0xf4: {  	s22 =	sadd.s32 $0x3200, s21;
	(ifvalue) =	ssetifvalue $0x7FFFFFFF  }
0xf5: {  	[tilespmem:s22], [sflag:$0x1] =	stream.indirect_vreg.gather [hbm4b:s2+s13], $0x1, v2, vm0, $0x4038;
	[tilespmem:$0x8400] =	vst v63  }
0xf6: {  	v2 =	vadd.s32 $0x16E3F00, v0;
	(ifvalue) =	ssetifvalue $0x7FFFFFFF  }
0xf7: {  	s22 =	sadd.s32 $0x3280, s21;
	(ifvalue) =	ssetifvalue $0x7FFFFFFF  }
0xf8: {  	[tilespmem:s22], [sflag:$0x1] =	stream.indirect_vreg.gather [hbm4b:s2+s13], $0x1, v1, vm0, $0x4038;
	[tilespmem:$0x8400] =	vst v63  }
.Ltmp3:
0xf9: {  	v0 =	vadd.s32 $0x16E3F80, v0;
	(ifvalue) =	ssetifvalue $0x7FFFFFFF;
	(pc) =	sbr.rel @p1 .LBB2_3-.Ltmp3, $4  }
0xfa: {  	s22 =	sadd.s32 $0x3300, s21;
	(ifvalue) =	ssetifvalue $0x7FFFFFFF  }
0xfb: {  	[tilespmem:s22], [sflag:$0x1] =	stream.indirect_vreg.gather [hbm4b:s2+s13], $0x1, v2, vm0, $0x4038;
	[tilespmem:$0x8400] =	vst v63  }
0xfc: {  	s19 =	sadd.s32 $0x10, s19;
	(ifvalue) =	ssetifvalue $0x7FFFFFFF  }
0xfd: {  	s20 =	sadd.s32 $0x80, s20;
	s21 =	sadd.s32 $0x3380, s21;
	(ifvalue) =	ssetifvalue $0x7FFFFFFF  }
.Ltmp4:
0xfe: {  	_ = 	snop;
	(pc) =	sbr.rel .LBB2_4-.Ltmp4, $1  }
0xff: {  	_ =	sdelay $0x3  }
.LBB2_6:
0x100: {  	_ =	sfence.sel $0x180000  }
0x101: {  	s2 =	simm.s32 $0x2;
	[bflag:$0x0] =	sbarrier.arrive $0xFFFF  }
0x102: {  	s30 =	simm.s32 $0x3;
	[sflag:s2] =	ssyncpa.u1 $0x1  }
0x103: {  	s31 =	simm.s32 $0x1;
	[sflag:s30] =	ssyncpa.u1 $0x1  }
0x104: {  	[sflag:s31] =	ssyncpa.u1 $0x1  }
0x105: {  	p0 =	sne.s32 s1, $0x0;
	_ =	strace $0x90000053  }
0x106: {  	s0 =	sadd.s32 @!p0 $0x100000, s0;
	[bflag:$0x2] =	sbarrier.arrive $0xFFFF  }
0x107: {  	[sflag:s0] =	ssyncadd.tile.s32 @!p0 $0x1;
	_ =	shalt  }
.Lfunc_end2:
_tile_overlayer_lowered:
.L_overlay_start_2:
0x108: {  	(tag) =	ssettag $0x2  }
0x109: {  	s0 =	rddreg [dreg:$0x0];
	s2 =	stileid.u32  }
0x10a: {  	s1 =	rddreg [dreg:$0x1];
	p0 =	sne.s32 s2, $0x0  }
0x10b: {  	s3 =	rddreg [dreg:$0x2];
	[bflag:$0x3] =	sbarrier.arrive $0xFFFF;
	s2 =	simm.s32 @!p0 $0x1C01  }
0x10c: {  	[timem:s3], [sflag:s2] =	dma.local @!p0 [hbm:s0], s1  }
0x10d: {  	s0 =	simm.s32 @!p0 $0x1  }
0x10e: {  	_ =	swait.ge @!p0 [sflag:s0], s1  }
0x10f: {  	s1 =	ssub.s32 @!p0 $0x0, s1;
	[sflag:s0] =	ssyncset.done @!p0 $0x0  }
0x110: {  	[sflag:s0] =	ssyncadd.s32 @!p0 s1  }
0x111: {  	[bflag:$0x3] =	sbarrier.arrive $0xFFFF  }
0x112: {  	_ =	shalt  }

// kernel: sparse-core-data-format-call.cloned.1.call-start
scs
called_computation_lowered:
.L_overlay_start_0:
0x0: {  	s1 =	sld [smem:$0x3FD9]  }
0x1: {  	s2 =	sld [smem:$0x3FFE];
	_ =	sdelay $0x1  }
0x2: {  	s3 =	srdreg.scid  }
0x3: {  	s0 =	sand.u32 $0x1, s3  }
0x4: {  	s17 =	sshll.u32 s0, $0xA;
	s1 =	sadd.s32 s2, s1  }
0x5: {  	s1 =	sadd.s32 s1, s17  }
0x6: {  	[smem:$0x3FBD] =	sst s1  }
0x7: {  	_ = 	snop  }
0x8: {  	(tm) =	ssettm $0x1  }
0x9: {  	s18 =	sld [smem:$0x3FFB];
	_ =	sdelay $0x3  }
0xa: {  	_ =	strace s18  }
0xb: {  	s1 =	sld [smem:$0x3FFC];
	_ =	sdelay $0x3  }
0xc: {  	_ =	strace s1  }
0xd: {  	s1 =	sld [smem:$0x3FFD];
	_ =	sdelay $0x3  }
0xe: {  	_ =	strace s1  }
0xf: {  	_ =	strace $0x8FFFFFFF  }
0x10: {  	s19 =	sld [smem:$0x3FDB];
	_ =	sdelay $0x1  }
0x11: {  	s20 =	simm.s32 $_scs_section_size  }
0x12: {  	s4 =	simm.s32 $_size__tile_overlayer_lowered;
	s5 =	simm.s32 $_tile_overlayer_lowered  }
0x13: {  	s23 =	simm.s32 $0x1BFF;
	s22 =	sshll.u32 s5, $0x1;
	s1 =	sadd.s32 s20, s19  }
0x14: {  	s6 =	simm.s32 $0x0;
	s21 =	sshll.u32 s4, $0x1;
	s4 =	sadd.s32 s22, s1  }
0x15: {  	[timem:s6], [sflag:s23] =	dma.local [hbm:s4], s21  }
0x16: {  	_ =	swait.ge [sflag:s23], s21  }
0x17: {  	s2 =	ssub.s32 $0x0, s21;
	[sflag:s23] =	ssyncset.done $0x0  }
0x18: {  	[sflag:s23] =	ssyncadd.s32 s2;
	_ =	sdelay $0x1  }
0x19: {  	s24 =	simm.s32 $0x1B8B  }
0x1a: {  	_ =	swait.ge [sflag:s24], $0x1  }
0x1b: {  	[sflag:s24] =	ssyncset.done $0x0  }
0x1c: {  	s26 =	simm.s32 $0x1B8E;
	s25 =	sld [smem:$0x3FFE];
	[sflag:s24] =	ssyncadd.s32 $0xFFFFFFFF  }
0x1d: {  	s27 =	simm.s32 $execute0_lowered;
	[smem:$0x3FD2] =	sst s26  }
0x1e: {  	s4 =	sshll.u32 s27, $0x1;
	_ =	strace $0x80000058;
	[dreg:$0x1] =	wrdreg $0xFFFFFFFF  }
0x1f: {  	s28 =	simm.s32 $_size_execute0_lowered;
	s1 =	sadd.s32 s1, s4;
	[dreg:$0x0] =	wrdreg $0x0  }
0x20: {  	s4 =	sshll.u32 s28, $0x1;
	[dreg:$0x2] =	wrdreg s1  }
0x21: {  	[dreg:$0x3] =	wrdreg s4  }
0x22: {  	[dreg:$0x4] =	wrdreg $0xC0  }
0x23: {  	_ =	task [dreg:s6], $0x5FFFF  }
0x24: {  	[dreg:$0x1] =	wrdreg $0xFFFFFFFF  }
0x25: {  	[dreg:$0x0] =	wrdreg $0x60  }
0x26: {  	[dreg:$0x2] =	wrdreg s25  }
0x27: {  	[dreg:$0x3] =	wrdreg $0x9  }
0x28: {  	_ =	task.clear_ibuf [dreg:s6], $0x4FFFF;
	_ =	strace $0x90000058  }
0x29: {  	s29 =	simm.s32 $0x9;
	_ =	strace $0x8000005A  }
0x2a: {  	_ =	swait.ge [sflag:s29], $0x1  }
0x2b: {  	[sflag:s29] =	ssyncadd.s32 $0xFFFFFFFF  }
0x2c: {  	_ =	strace $0x9000005A  }
0x2d: {  	_ =	sfence  }
0x2e: {  	s30 =	sld [smem:$0x0];
	_ =	sdelay $0x2  }
0x2f: {  	s31 =	sshll.u32 s3, $0xD;
	s3 =	sshrl.u32 s3, $0x2  }
0x30: {  	s2 =	sand.u32 $0x4000, s31;
	s1 =	sadd.s32 s3, s30  }
0x31: {  	s0 =	sor.u32 s2, s0;
	s1 =	sshll.u32 s1, $0x11  }
0x32: {  	s0 =	sor.u32 s1, s0  }
0x33: {  	s0 =	sadd.s32 $0x8F2B, s0  }
0x34: {  	[sflag:s0] =	ssyncadd.remote.s32 $0x1  }
0x35: {  	_ =	sfence.sel $0xFFFF  }
0x36: {  	[dreg:$0x0] =	wrdreg $0xFFFFFFFF;
	(pc) =	sbr.abs _section_cstart, $3  }
0x37: {  	[dreg:$0x1] =	wrdreg $0xFFFFFFFF  }
0x38: {  	_ =	task.clear_ibuf [dreg:s6], $0x2FFFF;
	_ =	strace $0x9FFFFFFF  }
0x39: {  	(tm) =	ssettm $0x7FFFFFFF  }
tec
execute0_lowered:
.L_overlay_start_1:
0x0: {  	(tag) =	ssettag $0x1  }
0x1: {  	s0 =	srdreg.scid  }
0x2: {  	s6 =	rddreg [dreg:$0x0];
	s7 =	simm.s32 $0x1;
	s1 =	sshll.u32 s0, $0x4  }
0x3: {  	s8 =	simm.s32 $0x2;
	s0 =	stileid.u32;
	s1 =	sand.u32 $0x10, s1  }
0x4: {  	s13 =	simm.s32 $0x0;
	s12 =	simm.s32 $0x0;
	s1 =	sor.u32 s0, s1  }
0x5: {  	s10 =	simm.s32 $0x0;
	s3 =	sadd.s32 $0x130A00, s6;
	s2 =	sshll.u32 s1, $0x9  }
0x6: {  	s11 =	simm.s32 $0x0;
	s6 =	sadd.s32 $0x2B0A00, s6;
	s5 =	ssub.s32 $0x40000, s2  }
.Ltmp0:
0x7: {  	s1 =	rddreg [dreg:$0x1];
	s4 =	sand.u32 $0x3E00, s5;
	(pc) =	sbr.rel .LBB1_1-.Ltmp0, $4  }
0x8: {  	_ =	strace $0x80000059;
	s9 =	smov.u32 s2;
	p0 =	sne.s32 s4, $0x0  }
0x9: {  	s5 =	sshrl.u32 s5, $0xE;
	s4 =	simm.s32 $0x1;
	s7 =	simm.s32 @!p0 $0x0  }
0xa: {  	[sflag:s4] =	ssyncpa.u1 $0x0;
	p0 =	por $0x0, $0x0;
	s5 =	sadd.s32 s7, s5  }
0xb: {  	[sflag:s8] =	ssyncpa.u1 $0x0;
	s8 =	simm.s32 $0x80;
	s7 =	sadd.s32 $0x1, s5  }
.LBB1_4:
0xc: {  	_ = 	snop  }
0xd: {  	[tilespmem:s18+$0x2D60 ss:$0x21] =	vst.msk $0xffff, v7  }
0xe: {  	[tilespmem:s18+$0x2F70 ss:$0x21] =	vst.msk $0xffff, v6  }
0xf: {  	[tilespmem:s18+$0x3390 ss:$0x21] =	vst.msk $0xffff, v3  }
0x10: {  	s21 =	sor.u32 s24, s23;
	v31 =	vld.idx.msk [tilespmem:v0+s16+$0xC70 ss:$0x1], $0xffff;
	[tilespmem:s18+$0x35A0 ss:$0x21] =	vst.msk $0xffff, v1  }
0x11: {  	[tilespmem:s18+$0x37B0 ss:$0x21] =	vst.msk $0xffff, v2;
	v43 =	vld.idx.msk [tilespmem:v0+s21+$0x410 ss:$0x1], $0xffff  }
0x12: {  	[tilespmem:s18+$0x39C0 ss:$0x21] =	vst.msk $0xffff, v4;
	v44 =	vld.idx.msk [tilespmem:v0+s21+$0x420 ss:$0x1], $0xffff  }
0x13: {  	[tilespmem:s18+$0x3BD0 ss:$0x21] =	vst.msk $0xffff, v5;
	s22 =	sand.u32 $0x3200, s21;
	v45 =	vld.idx.msk [tilespmem:v0+s21+$0x430 ss:$0x1], $0xffff  }
0x14: {  	s20 =	sand.u32 $0x180, s20;
	s27 =	sshra.s32 s19, $0x2;
	[tilespmem:s18+$0x3DE0 ss:$0x21] =	vst.msk $0xffff, v8;
	v46 =	vld.idx.msk [tilespmem:v0+s21+$0x440 ss:$0x1], $0xffff;
	s15 =	sadd.s32 s22, s15  }
0x15: {  	v47 =	vld.idx.msk [tilespmem:v0+s21+$0x450 ss:$0x1], $0xffff;
	s26 =	sadd.s32 s20, s15;
	s15 =	sadd.s32 s27, s17;
	[tilespmem:s18+$0x3FF0 ss:$0x21] =	vst.msk $0xffff, v31  }
0x16: {  	v48 =	vld.idx.msk [tilespmem:v0+s21+$0x460 ss:$0x1], $0xffff;
	[tilespmem:s15+$0x1290 ss:$0x21] =	vst.msk $0xffff, v43  }
0x17: {  	v49 =	vld.idx.msk [tilespmem:v0+s21+$0x470 ss:$0x1], $0xffff;
	[tilespmem:s15+$0x14A0 ss:$0x21] =	vst.msk $0xffff, v44  }
0x18: {  	v50 =	vld.idx.msk [tilespmem:v0+s21+$0x810 ss:$0x1], $0xffff;
	[tilespmem:s15+$0x16B0 ss:$0x21] =	vst.msk $0xffff, v45  }
0x19: {  	v51 =	vld.idx.msk [tilespmem:v0+s21+$0x820 ss:$0x1], $0xffff;
	[tilespmem:s15+$0x18C0 ss:$0x21] =	vst.msk $0xffff, v46  }
0x1a: {  	v52 =	vld.idx.msk [tilespmem:v0+s21+$0x830 ss:$0x1], $0xffff;
	[tilespmem:s15+$0x1AD0 ss:$0x21] =	vst.msk $0xffff, v47  }
0x1b: {  	v53 =	vld.idx.msk [tilespmem:v0+s21+$0x840 ss:$0x1], $0xffff;
	[tilespmem:s15+$0x1CE0 ss:$0x21] =	vst.msk $0xffff, v48  }
0x1c: {  	v54 =	vld.idx.msk [tilespmem:v0+s21+$0x850 ss:$0x1], $0xffff;
	[tilespmem:s15+$0x1EF0 ss:$0x21] =	vst.msk $0xffff, v49  }
0x1d: {  	v55 =	vld.idx.msk [tilespmem:v0+s21+$0x860 ss:$0x1], $0xffff;
	[tilespmem:s15+$0x2310 ss:$0x21] =	vst.msk $0xffff, v50  }
0x1e: {  	v56 =	vld.idx.msk [tilespmem:v0+s21+$0x870 ss:$0x1], $0xffff;
	[tilespmem:s15+$0x2520 ss:$0x21] =	vst.msk $0xffff, v51  }
0x1f: {  	v57 =	vld.idx.msk [tilespmem:v0+s21+$0xC10 ss:$0x1], $0xffff;
	[tilespmem:s15+$0x2730 ss:$0x21] =	vst.msk $0xffff, v52  }
0x20: {  	v58 =	vld.idx.msk [tilespmem:v0+s21+$0xC20 ss:$0x1], $0xffff;
	[tilespmem:s15+$0x2940 ss:$0x21] =	vst.msk $0xffff, v53  }
0x21: {  	v59 =	vld.idx.msk [tilespmem:v0+s21+$0xC30 ss:$0x1], $0xffff;
	[tilespmem:s15+$0x2B50 ss:$0x21] =	vst.msk $0xffff, v54  }
0x22: {  	v60 =	vld.idx.msk [tilespmem:v0+s21+$0xC40 ss:$0x1], $0xffff;
	[tilespmem:s15+$0x2D60 ss:$0x21] =	vst.msk $0xffff, v55  }
0x23: {  	v61 =	vld.idx.msk [tilespmem:v0+s21+$0xC50 ss:$0x1], $0xffff;
	[tilespmem:s15+$0x2F70 ss:$0x21] =	vst.msk $0xffff, v56  }
0x24: {  	v62 =	vld.idx.msk [tilespmem:v0+s21+$0xC60 ss:$0x1], $0xffff;
	[tilespmem:s15+$0x3390 ss:$0x21] =	vst.msk $0xffff, v57  }
0x25: {  	v63 =	vld.idx.msk [tilespmem:v0+s21+$0xC70 ss:$0x1], $0xffff;
	[tilespmem:s15+$0x35A0 ss:$0x21] =	vst.msk $0xffff, v58  }
0x26: {  	v32 =	vld [tilespmem:s26+$0xC00];
	[tilespmem:s15+$0x37B0 ss:$0x21] =	vst.msk $0xffff, v59  }
0x27: {  	v33 =	vld [tilespmem:s26+$0x0];
	[tilespmem:s15+$0x39C0 ss:$0x21] =	vst.msk $0xffff, v60  }
0x28: {  	v34 =	vld [tilespmem:s26+$0x10];
	[tilespmem:s15+$0x3BD0 ss:$0x21] =	vst.msk $0xffff, v61  }
0x29: {  	v35 =	vld [tilespmem:s26+$0x20];
	[tilespmem:s15+$0x3DE0 ss:$0x21] =	vst.msk $0xffff, v62  }
0x2a: {  	v36 =	vld [tilespmem:s26+$0x30];
	[tilespmem:s15+$0x3FF0 ss:$0x21] =	vst.msk $0xffff, v63  }
0x2b: {  	v37 =	vld [tilespmem:s26+$0x40];
	[tilespmem:s15+$0x3180 ss:$0x21] =	vst.msk $0xffff, v32  }
0x2c: {  	v38 =	vld [tilespmem:s26+$0x50];
	[tilespmem:s15+$0x0 ss:$0x21] =	vst.msk $0xffff, v33  }
0x2d: {  	v39 =	vld [tilespmem:s26+$0x60];
	[tilespmem:s15+$0x210 ss:$0x21] =	vst.msk $0xffff, v34  }
0x2e: {  	v40 =	vld [tilespmem:s26+$0x70];
	[tilespmem:s15+$0x420 ss:$0x21] =	vst.msk $0xffff, v35  }
0x2f: {  	s13 =	sshll.u32 s13, $0x7;
	s28 =	sshll.u32 s12, $0x3;
	v41 =	vld [tilespmem:s26+$0x400];
	[tilespmem:s15+$0x630 ss:$0x21] =	vst.msk $0xffff, v36  }
0x30: {  	s29 =	sand.u32 $0x1FFFC00, s13;
	s16 =	sand.u32 $0x1FFFC00, s28;
	v42 =	vld [tilespmem:s26+$0x800];
	[tilespmem:s15+$0x840 ss:$0x21] =	vst.msk $0xffff, v37  }
0x31: {  	s13 =	sand.u32 $0x380, s13;
	s16 =	sadd.s32 s16, s29;
	[tilespmem:s15+$0xA50 ss:$0x21] =	vst.msk $0xffff, v38  }
0x32: {  	s30 =	sshrl.u32 s12, $0x3;
	s13 =	sor.u32 s13, s16;
	[tilespmem:s15+$0xC60 ss:$0x21] =	vst.msk $0xffff, v39  }
0x33: {  	s31 =	sand.u32 $0x7, s12;
	s16 =	sand.u32 $0xF, s30;
	s13 =	sshrl.u32 s13, $0x3;
	[tilespmem:s15+$0xE70 ss:$0x21] =	vst.msk $0xffff, v40  }
0x34: {  	s12 =	sshll.u32 s31, $0x12;
	s16 =	sadd.s32 s6, s16;
	s13 =	sand.u32 $0x3FFFF0, s13;
	[tilespmem:s15+$0x1080 ss:$0x21] =	vst.msk $0xffff, v41  }
0x35: {  	s12 =	sor.u32 $0x20, s12;
	s13 =	sadd.s32 s13, s16;
	[tilespmem:s15+$0x2100 ss:$0x21] =	vst.msk $0xffff, v42  }
0x36: {  	[hbm4b:s13+s12] =	stream.strided.scatter [tilespmem:s14], [sflag:$0x2], $0x4000, s8, s12, $0x10;
	[tilespmem:$0x10400] =	vst v63  }
.LBB1_5:
0x37: {  	s14 =	sadd.s32 $0x4000, s9  }
0x38: {  	s12 =	sadd.s32 $0x20, s10;
	s16 =	smov.u32 s10;
	p2 =	sgt.s32 s14, $0x3FFFF  }
0x39: {  	s16 =	smov.u32 @p2 s12  }
0x3a: {  	s14 =	smov.u32 @p2 s2;
	p2 =	sgt.s32 s16, $0x1F  }
0x3b: {  	s16 =	simm.s32 @p2 $0x0;
	p2 =	sne.s32 s11, s7  }
.Ltmp1:
0x3c: {  	p1 =	slt.u32 s11, $0x2;
	(pc) =	sbr.rel @!p2 .LBB1_6-.Ltmp1, $4  }
0x3d: {  	s15 =	simm.s32 @!p1 $0x2  }
0x3e: {  	s13 =	smov.u32 s9;
	p0 =	por !p0, !p0;
	_ =	swait.ge @!p1 [sflag:s15], $0x4000  }
0x3f: {  	s12 =	smov.u32 s10;
	[sflag:s15] =	ssyncset.done @!p1 $0x0;
	s9 =	smov.u32 s14  }
0x40: {  	s11 =	sadd.s32 $0x1, s11;
	[sflag:s15] =	ssyncadd.s32 @!p1 $0xFFFFC000;
	s10 =	smov.u32 s16  }
.LBB1_1:
0x41: {  	p1 =	sge.u32 s11, s5;
	s31 =	sadd.s32 $0xFFFFFFFF, s11  }
0x42: {  	s14 =	sand.u32 @!p1 $0x78, s9;
	s15 =	sshll.u32 @!p1 s10, $0x12;
	s16 =	sshll.u32 @!p1 s10, $0x7  }
0x43: {  	s17 =	sshll.u32 @!p1 s9, $0x3;
	s15 =	sand.u32 @!p1 $0x600000, s15;
	s16 =	sand.u32 @!p1 $0x380, s16  }
0x44: {  	s15 =	sadd.s32 @!p1 s15, s17;
	s17 =	sand.u32 @!p1 $0x3FC00, s17;
	s14 =	sor.u32 @!p1 s16, s14  }
0x45: {  	s16 =	sxor.u32 @!p1 $0xFFFFFFFF, s11;
	s15 =	sand.u32 @!p1 $0x7C0000, s15;
	s14 =	sor.u32 @!p1 s17, s14  }
0x46: {  	s16 =	sshll.u32 @!p1 s16, $0xE;
	s14 =	sor.u32 @!p1 s15, s14;
	s15 =	sand.u32 @!p1 $0x7, s9  }
0x47: {  	s17 =	simm.s32 @!p1 $0x200000;
	s14 =	sshrl.u32 @!p1 s14, $0x3;
	s15 =	sshll.u32 @!p1 s15, $0x12  }
0x48: {  	s16 =	sand.u32 @!p1 $0x4000, s16;
	s14 =	sadd.s32 @!p1 s3, s14;
	s15 =	sor.u32 @!p1 $0x1000, s15  }
0x49: {  	[tilespmem:s16], [sflag:$0x1] =	stream.strided.gather @!p1 [hbm4b:s14+s15], $0x4000, s17, s15, $0x38;
	[tilespmem:$0x10400] =	vst v63  }
0x4a: {  	p1 =	sge.u32 s31, s5  }
.Ltmp2:
0x4b: {  	_ = 	snop;
	(pc) =	sbr.rel @p1 .LBB1_5-.Ltmp2, $1  }
0x4c: {  	_ =	sdelay $0x3  }
0x4d: {  	s17 =	simm.s32 $0x0  }
0x4e: {  	s16 =	sand.u32 $0x3000, s17;
	s18 =	sand.u32 $0x380, s17  }
0x4f: {  	s14 =	sand.u32 $0x1, s11;
	s16 =	sor.u32 s18, s16  }
0x50: {  	_ =	swait.ge [sflag:s4], $0x4000;
	s15 =	sshll.u32 s14, $0xE;
	s18 =	sand.u32 $0x3200, s16  }
0x51: {  	[sflag:s4] =	ssyncset.done $0x0;
	s17 =	sand.u32 $0x180, s17;
	s18 =	sadd.s32 s18, s15  }
0x52: {  	[sflag:s4] =	ssyncadd.s32 $0xFFFFC000;
	s20 =	sadd.s32 s17, s18  }
0x53: {  	v4 =	vld [tilespmem:s20+$0xC00]  }
0x54: {  	s19 =	simm.s32 $0x1;
	v0 =	vmov s15;
	v5 =	vld [tilespmem:s20+$0x0]  }
0x55: {  	s19 =	simm.s32 @!p0 $0x0;
	v6 =	vld [tilespmem:s20+$0x10]  }
0x56: {  	s31 =	smul.u32 $0x10800, s19;
	v7 =	vld [tilespmem:s20+$0x20]  }
0x57: {  	v8 =	vld [tilespmem:s20+$0x30]  }
0x58: {  	s17 =	sshrl.u32 s31, $0x2;
	v9 =	vld [tilespmem:s20+$0x40]  }
0x59: {  	s17 =	sor.u32 $0x8000, s17;
	v1 =	vld.idx.msk [tilespmem:v0+s16+$0x410 ss:$0x1], $0xffff  }
0x5a: {  	v2 =	vld.idx.msk [tilespmem:v0+s16+$0x420 ss:$0x1], $0xffff;
	s18 =	sadd.s32 $0x0, s17  }
0x5b: {  	v3 =	vld.idx.msk [tilespmem:v0+s16+$0x430 ss:$0x1], $0xffff;
	[tilespmem:s18+$0x3180 ss:$0x21] =	vst.msk $0xffff, v4  }
0x5c: {  	v10 =	vld.idx.msk [tilespmem:v0+s16+$0x820 ss:$0x1], $0xffff;
	[tilespmem:s18+$0x0 ss:$0x21] =	vst.msk $0xffff, v5  }
0x5d: {  	v11 =	vld.idx.msk [tilespmem:v0+s16+$0x830 ss:$0x1], $0xffff;
	[tilespmem:s18+$0x210 ss:$0x21] =	vst.msk $0xffff, v6  }
0x5e: {  	v12 =	vld.idx.msk [tilespmem:v0+s16+$0x840 ss:$0x1], $0xffff;
	[tilespmem:s18+$0x420 ss:$0x21] =	vst.msk $0xffff, v7  }
0x5f: {  	v13 =	vld.idx.msk [tilespmem:v0+s16+$0x850 ss:$0x1], $0xffff;
	[tilespmem:s18+$0x630 ss:$0x21] =	vst.msk $0xffff, v8  }
0x60: {  	v4 =	vld [tilespmem:s20+$0x50];
	[tilespmem:s18+$0x840 ss:$0x21] =	vst.msk $0xffff, v9  }
0x61: {  	v5 =	vld [tilespmem:s20+$0x60];
	[tilespmem:s18+$0x1290 ss:$0x21] =	vst.msk $0xffff, v1  }
0x62: {  	v6 =	vld [tilespmem:s20+$0x70];
	[tilespmem:s18+$0x14A0 ss:$0x21] =	vst.msk $0xffff, v2  }
0x63: {  	v7 =	vld [tilespmem:s20+$0x400];
	[tilespmem:s18+$0x16B0 ss:$0x21] =	vst.msk $0xffff, v3  }
0x64: {  	v8 =	vld [tilespmem:s20+$0x800];
	[tilespmem:s18+$0x2520 ss:$0x21] =	vst.msk $0xffff, v10  }
0x65: {  	v9 =	vld.idx.msk [tilespmem:v0+s16+$0x470 ss:$0x1], $0xffff;
	[tilespmem:s18+$0x2730 ss:$0x21] =	vst.msk $0xffff, v11  }
0x66: {  	v3 =	vld.idx.msk [tilespmem:v0+s16+$0xC10 ss:$0x1], $0xffff;
	[tilespmem:s18+$0x2940 ss:$0x21] =	vst.msk $0xffff, v12  }
0x67: {  	v1 =	vld.idx.msk [tilespmem:v0+s16+$0xC20 ss:$0x1], $0xffff;
	[tilespmem:s18+$0x2B50 ss:$0x21] =	vst.msk $0xffff, v13  }
0x68: {  	v2 =	vld.idx.msk [tilespmem:v0+s16+$0xC30 ss:$0x1], $0xffff;
	[tilespmem:s18+$0xA50 ss:$0x21] =	vst.msk $0xffff, v4  }
0x69: {  	[tilespmem:s18+$0xE70 ss:$0x21] =	vst.msk $0xffff, v6;
	v6 =	vld.idx.msk [tilespmem:v0+s16+$0x460 ss:$0x1], $0xffff  }
0x6a: {  	v4 =	vld.idx.msk [tilespmem:v0+s16+$0x440 ss:$0x1], $0xffff;
	[tilespmem:s18+$0xC60 ss:$0x21] =	vst.msk $0xffff, v5  }
0x6b: {  	v5 =	vld.idx.msk [tilespmem:v0+s16+$0x450 ss:$0x1], $0xffff;
	[tilespmem:s18+$0x1080 ss:$0x21] =	vst.msk $0xffff, v7  }
0x6c: {  	[tilespmem:s18+$0x2100 ss:$0x21] =	vst.msk $0xffff, v8;
	v8 =	vld.idx.msk [tilespmem:v0+s16+$0x810 ss:$0x1], $0xffff  }
0x6d: {  	v7 =	vld.idx.msk [tilespmem:v0+s16+$0x860 ss:$0x1], $0xffff;
	[tilespmem:s18+$0x1EF0 ss:$0x21] =	vst.msk $0xffff, v9  }
0x6e: {  	s14 =	smul.u32 $0x10800, s14;
	[tilespmem:s18+$0x1CE0 ss:$0x21] =	vst.msk $0xffff, v6;
	v6 =	vld.idx.msk [tilespmem:v0+s16+$0x870 ss:$0x1], $0xffff  }
0x6f: {  	s21 =	simm.s32 $0x200;
	s22 =	simm.s32 $0x8;
	[tilespmem:s18+$0x18C0 ss:$0x21] =	vst.msk $0xffff, v4;
	v4 =	vld.idx.msk [tilespmem:v0+s16+$0xC40 ss:$0x1], $0xffff  }
0x70: {  	s23 =	sand.u32 $0x3000, s21;
	s14 =	sshrl.u32 s14, $0x2;
	s20 =	simm.s32 $0x80;
	[tilespmem:s18+$0x1AD0 ss:$0x21] =	vst.msk $0xffff, v5;
	v5 =	vld.idx.msk [tilespmem:v0+s16+$0xC50 ss:$0x1], $0xffff  }
0x71: {  	s19 =	simm.s32 $0x4;
	s14 =	sor.u32 $0x8000, s14;
	s24 =	sand.u32 $0x380, s20;
	[tilespmem:s18+$0x2310 ss:$0x21] =	vst.msk $0xffff, v8;
	v8 =	vld.idx.msk [tilespmem:v0+s16+$0xC60 ss:$0x1], $0xffff  }
.LBB1_3:
0x72: {  	p1 =	sne.s32 s22, $0x7C;
	[tilespmem:s18+$0x2D60 ss:$0x21] =	vst.msk $0xffff, v7;
	v7 =	vld.idx.msk [tilespmem:v0+s16+$0xC70 ss:$0x1], $0xffff;
	s16 =	sor.u32 s24, s23  }
0x73: {  	s23 =	sand.u32 $0x3200, s16;
	v9 =	vld.idx.msk [tilespmem:v0+s16+$0x410 ss:$0x1], $0xffff;
	[tilespmem:s18+$0x2F70 ss:$0x21] =	vst.msk $0xffff, v6  }
0x74: {  	s24 =	sand.u32 $0x180, s20;
	s23 =	sadd.s32 s23, s15;
	v6 =	vld.idx.msk [tilespmem:v0+s16+$0x420 ss:$0x1], $0xffff;
	[tilespmem:s18+$0x3390 ss:$0x21] =	vst.msk $0xffff, v3  }
0x75: {  	s23 =	sadd.s32 s24, s23;
	v3 =	vld.idx.msk [tilespmem:v0+s16+$0x430 ss:$0x1], $0xffff;
	[tilespmem:s18+$0x35A0 ss:$0x21] =	vst.msk $0xffff, v1  }
0x76: {  	v1 =	vld [tilespmem:s23+$0xC00];
	[tilespmem:s18+$0x37B0 ss:$0x21] =	vst.msk $0xffff, v2  }
0x77: {  	v2 =	vld [tilespmem:s23+$0x0];
	[tilespmem:s18+$0x39C0 ss:$0x21] =	vst.msk $0xffff, v4  }
0x78: {  	v4 =	vld [tilespmem:s23+$0x10];
	[tilespmem:s18+$0x3BD0 ss:$0x21] =	vst.msk $0xffff, v5  }
0x79: {  	s24 =	sshra.s32 s19, $0x2;
	s19 =	smov.u32 s22;
	v5 =	vld [tilespmem:s23+$0x20];
	[tilespmem:s18+$0x3DE0 ss:$0x21] =	vst.msk $0xffff, v8  }
0x7a: {  	v8 =	vld [tilespmem:s23+$0x30];
	[tilespmem:s18+$0x3FF0 ss:$0x21] =	vst.msk $0xffff, v7;
	s18 =	sadd.s32 s24, s17  }
0x7b: {  	v7 =	vld [tilespmem:s23+$0x40];
	[tilespmem:s18+$0x3180 ss:$0x21] =	vst.msk $0xffff, v1  }
0x7c: {  	[tilespmem:s18+$0x0 ss:$0x21] =	vst.msk $0xffff, v2;
	v1 =	vld [tilespmem:s23+$0x50]  }
0x7d: {  	[tilespmem:s18+$0x210 ss:$0x21] =	vst.msk $0xffff, v4;
	v2 =	vld [tilespmem:s23+$0x60]  }
0x7e: {  	[tilespmem:s18+$0x420 ss:$0x21] =	vst.msk $0xffff, v5;
	v4 =	vld [tilespmem:s23+$0x70]  }
0x7f: {  	[tilespmem:s18+$0x630 ss:$0x21] =	vst.msk $0xffff, v8;
	v5 =	vld [tilespmem:s23+$0x400]  }
0x80: {  	[tilespmem:s18+$0x840 ss:$0x21] =	vst.msk $0xffff, v7;
	v7 =	vld [tilespmem:s23+$0x800]  }
0x81: {  	[tilespmem:s18+$0xA50 ss:$0x21] =	vst.msk $0xffff, v1;
	v1 =	vld.idx.msk [tilespmem:v0+s16+$0x440 ss:$0x1], $0xffff  }
0x82: {  	[tilespmem:s18+$0xC60 ss:$0x21] =	vst.msk $0xffff, v2;
	v2 =	vld.idx.msk [tilespmem:v0+s16+$0x450 ss:$0x1], $0xffff  }
0x83: {  	[tilespmem:s18+$0xE70 ss:$0x21] =	vst.msk $0xffff, v4;
	v4 =	vld.idx.msk [tilespmem:v0+s16+$0x460 ss:$0x1], $0xffff  }
0x84: {  	[tilespmem:s18+$0x1080 ss:$0x21] =	vst.msk $0xffff, v5;
	v5 =	vld.idx.msk [tilespmem:v0+s16+$0x470 ss:$0x1], $0xffff  }
0x85: {  	[tilespmem:s18+$0x2100 ss:$0x21] =	vst.msk $0xffff, v7;
	v8 =	vld.idx.msk [tilespmem:v0+s16+$0x810 ss:$0x1], $0xffff  }
0x86: {  	[tilespmem:s18+$0x1290 ss:$0x21] =	vst.msk $0xffff, v9;
	v9 =	vld.idx.msk [tilespmem:v0+s16+$0x820 ss:$0x1], $0xffff  }
0x87: {  	[tilespmem:s18+$0x14A0 ss:$0x21] =	vst.msk $0xffff, v6;
	v10 =	vld.idx.msk [tilespmem:v0+s16+$0x830 ss:$0x1], $0xffff  }
0x88: {  	[tilespmem:s18+$0x16B0 ss:$0x21] =	vst.msk $0xffff, v3;
	v11 =	vld.idx.msk [tilespmem:v0+s16+$0x840 ss:$0x1], $0xffff  }
0x89: {  	[tilespmem:s18+$0x18C0 ss:$0x21] =	vst.msk $0xffff, v1;
	v12 =	vld.idx.msk [tilespmem:v0+s16+$0x850 ss:$0x1], $0xffff  }
0x8a: {  	[tilespmem:s18+$0x1AD0 ss:$0x21] =	vst.msk $0xffff, v2;
	v7 =	vld.idx.msk [tilespmem:v0+s16+$0x860 ss:$0x1], $0xffff  }
0x8b: {  	[tilespmem:s18+$0x1CE0 ss:$0x21] =	vst.msk $0xffff, v4;
	v6 =	vld.idx.msk [tilespmem:v0+s16+$0x870 ss:$0x1], $0xffff  }
0x8c: {  	[tilespmem:s18+$0x1EF0 ss:$0x21] =	vst.msk $0xffff, v5;
	v3 =	vld.idx.msk [tilespmem:v0+s16+$0xC10 ss:$0x1], $0xffff  }
.Ltmp3:
0x8d: {  	[tilespmem:s18+$0x2310 ss:$0x21] =	vst.msk $0xffff, v8;
	v1 =	vld.idx.msk [tilespmem:v0+s16+$0xC20 ss:$0x1], $0xffff;
	(pc) =	sbr.rel @p1 .LBB1_3-.Ltmp3, $4  }
0x8e: {  	[tilespmem:s18+$0x2520 ss:$0x21] =	vst.msk $0xffff, v9;
	v2 =	vld.idx.msk [tilespmem:v0+s16+$0xC30 ss:$0x1], $0xffff  }
0x8f: {  	[tilespmem:s18+$0x2730 ss:$0x21] =	vst.msk $0xffff, v10;
	v4 =	vld.idx.msk [tilespmem:v0+s16+$0xC40 ss:$0x1], $0xffff  }
0x90: {  	s20 =	sadd.s32 $0x80, s20;
	s21 =	sadd.s32 $0x200, s21;
	[tilespmem:s18+$0x2940 ss:$0x21] =	vst.msk $0xffff, v11;
	v5 =	vld.idx.msk [tilespmem:v0+s16+$0xC50 ss:$0x1], $0xffff  }
0x91: {  	s22 =	sadd.s32 $0x4, s22;
	s24 =	sand.u32 $0x380, s20;
	s23 =	sand.u32 $0x3000, s21;
	[tilespmem:s18+$0x2B50 ss:$0x21] =	vst.msk $0xffff, v12;
	v8 =	vld.idx.msk [tilespmem:v0+s16+$0xC60 ss:$0x1], $0xffff  }
.Ltmp4:
0x92: {  	_ = 	snop;
	(pc) =	sbr.rel .LBB1_4-.Ltmp4, $1  }
0x93: {  	_ =	sdelay $0x3  }
.LBB1_6:
0x94: {  	_ =	sfence.sel $0x180000  }
0x95: {  	s2 =	simm.s32 $0x1;
	[bflag:$0x0] =	sbarrier.arrive $0xFFFF  }
0x96: {  	s31 =	simm.s32 $0x2;
	[sflag:s2] =	ssyncpa.u1 $0x1  }
0x97: {  	[sflag:s31] =	ssyncpa.u1 $0x1  }
0x98: {  	p0 =	sne.s32 s0, $0x0;
	_ =	strace $0x90000059  }
0x99: {  	s0 =	sadd.s32 @!p0 $0x100000, s1;
	[bflag:$0x2] =	sbarrier.arrive $0xFFFF  }
0x9a: {  	[sflag:s0] =	ssyncadd.tile.s32 @!p0 $0x1;
	_ =	shalt  }
.Lfunc_end1:
_tile_overlayer_lowered:
.L_overlay_start_2:
0x9b: {  	(tag) =	ssettag $0x2  }
0x9c: {  	s0 =	rddreg [dreg:$0x0];
	s2 =	stileid.u32  }
0x9d: {  	s1 =	rddreg [dreg:$0x1];
	p0 =	sne.s32 s2, $0x0  }
0x9e: {  	s3 =	rddreg [dreg:$0x2];
	[bflag:$0x3] =	sbarrier.arrive $0xFFFF;
	s2 =	simm.s32 @!p0 $0x1C01  }
0x9f: {  	[timem:s3], [sflag:s2] =	dma.local @!p0 [hbm:s0], s1  }
0xa0: {  	s0 =	simm.s32 @!p0 $0x1  }
0xa1: {  	_ =	swait.ge @!p0 [sflag:s0], s1  }
0xa2: {  	s1 =	ssub.s32 @!p0 $0x0, s1;
	[sflag:s0] =	ssyncset.done @!p0 $0x0  }
0xa3: {  	[sflag:s0] =	ssyncadd.s32 @!p0 s1  }
0xa4: {  	[bflag:$0x3] =	sbarrier.arrive $0xFFFF  }
0xa5: {  	_ =	shalt  }

</sc_bundles>
